<compile_context>
chip_gen: v7x
topology: tpu7x:2x2x1
jax: 0.10.2.dev20260603
libtpu: 0.0.44.dev20260713+nightly
codegen_flags: <defaults>
</compile_context>

<pallas_src>
import jax
import jax.numpy as jnp
from jax import lax
from jax.experimental import pallas as pl
from jax.experimental.pallas import tpu as pltpu
from jax.experimental.pallas import tpu_sc as plsc

N = 10000
E = 320000
D = 128
OUT = 128

CHUNK = 128
NCHUNKS = E // CHUNK
NC, NS = 2, 16
NW = NC * NS
CPW = -(-NCHUNKS // NW)
NPAD = CPW * CHUNK
SEG = NPAD // NS

_mesh = plsc.VectorSubcoreMesh(
    core_axis_name="c", subcore_axis_name="s", num_cores=NC, num_subcores=NS
)
_sc_params = pltpu.CompilerParams(needs_layout_passes=False)


def _zero_vec(ref, nwords):
  def body(i, _):
    ref[pl.ds(i * 16, 16)] = jnp.zeros((16,), jnp.float32)
    return 0
  lax.fori_loop(0, nwords // 16, body, 0)


def _deg_body(edges, deg_hbm, ind_hbm, idx_v, ones_v, zrow_v, deg_sp,
              ind_sp, sem):
  c = lax.axis_index("c")
  s = lax.axis_index("s")
  wid = s * NC + c

  for k in range(CHUNK // 16):
    ones_v[0, pl.ds(k * 16, 16)] = jnp.ones((16,), jnp.float32)
  _zero_vec(zrow_v, 640)
  pltpu.sync_copy(zrow_v.at[pl.ds(0, SEG)], deg_sp.at[pl.ds(s * SEG, SEG)])
  pltpu.sync_copy(zrow_v.at[pl.ds(0, SEG)], ind_sp.at[pl.ds(s * SEG, SEG)])
  plsc.subcore_barrier()

  def chunk_body(k, _):
    cidx = k * NW + wid

    @pl.when(cidx < NCHUNKS)
    def _():
      pltpu.async_copy(
          edges.at[:, pl.ds(cidx * CHUNK, CHUNK)], idx_v.at[0], sem
      ).wait()
      pltpu.sync_copy(ones_v.at[0], deg_sp.at[idx_v.at[0, 0]], add=True)
      pltpu.sync_copy(ones_v.at[0], ind_sp.at[idx_v.at[0, 1]], add=True)

    return 0

  lax.fori_loop(0, CPW, chunk_body, 0)
  plsc.subcore_barrier()
  pltpu.sync_copy(deg_sp.at[pl.ds(s * SEG, SEG)], zrow_v.at[pl.ds(0, SEG)])
  pltpu.sync_copy(
      zrow_v.at[pl.ds(0, SEG)],
      deg_hbm.at[pl.ds(c * NPAD + s * SEG, SEG)],
  )
  pltpu.sync_copy(ind_sp.at[pl.ds(s * SEG, SEG)], zrow_v.at[pl.ds(0, SEG)])
  pltpu.sync_copy(
      zrow_v.at[pl.ds(0, SEG)],
      ind_hbm.at[pl.ds(c * NPAD + s * SEG, SEG)],
  )


_deg_call = pl.kernel(
    _deg_body,
    out_type=(
        jax.ShapeDtypeStruct((NC * NPAD,), jnp.float32),
        jax.ShapeDtypeStruct((NC * NPAD,), jnp.float32),
    ),
    mesh=_mesh,
    compiler_params=_sc_params,
    scratch_types=[
        pltpu.VMEM((1, 2, CHUNK), jnp.int32),
        pltpu.VMEM((1, CHUNK), jnp.float32),
        pltpu.VMEM((640,), jnp.float32),
        pltpu.VMEM_SHARED((NPAD,), jnp.float32),
        pltpu.VMEM_SHARED((NPAD,), jnp.float32),
        pltpu.SemaphoreType.DMA,
    ],
)


def _proj_body(x_ref, w_ref, al_ref, ar_ref, deg_ref, feat_ref, elr_ref):
  feat = jnp.dot(x_ref[...], w_ref[...], preferred_element_type=jnp.float32)
  deg = jnp.maximum(deg_ref[0] + deg_ref[1], 1.0)
  so = lax.rsqrt(deg)
  fs = feat * so[:, None]
  feat_ref[...] = fs
  el = lax.dot_general(
      al_ref[...], fs, (((1,), (1,)), ((), ())),
      preferred_element_type=jnp.float32,
  )
  er = lax.dot_general(
      ar_ref[...], feat, (((1,), (1,)), ((), ())),
      preferred_element_type=jnp.float32,
  )
  elr_ref[...] = jnp.concatenate([el, er], axis=0)


def _edge_body(edges, feat_hbm, elr_hbm, acc_hbm, den_hbm,
               tbl_v, idx_v, ee_v, rows_v, zrow_v,
               acc_sp, den_sp, sem):
  c = lax.axis_index("c")
  s = lax.axis_index("s")
  wid = s * NC + c

  pltpu.sync_copy(elr_hbm, tbl_v)

  _zero_vec(zrow_v, 640)

  def zb(r, _):
    for cc in range(D // 16):
      rows_v[0, r, pl.ds(cc * 16, 16)] = jnp.zeros((16,), jnp.float32)
    return 0
  lax.fori_loop(0, CHUNK, zb, 0)

  base = s * SEG
  for k in range(4):
    pltpu.sync_copy(rows_v.at[0], acc_sp.at[pl.ds(base + k * CHUNK, CHUNK)])
  tail = SEG - 4 * CHUNK
  pltpu.sync_copy(
      rows_v.at[0, pl.ds(0, tail)],
      acc_sp.at[pl.ds(base + 4 * CHUNK, tail)],
  )
  pltpu.sync_copy(zrow_v.at[pl.ds(0, SEG)], den_sp.at[pl.ds(s * SEG, SEG)])
  plsc.subcore_barrier()

  def chunk_body(k, _):
    cidx = k * NW + wid

    @pl.when(cidx < NCHUNKS)
    def _():
      pltpu.async_copy(
          edges.at[:, pl.ds(cidx * CHUNK, CHUNK)], idx_v.at[0], sem
      ).wait()
      for v in range(CHUNK // 16):
        si = idx_v[0, 0, pl.ds(v * 16, 16)]
        di = idx_v[0, 1, pl.ds(v * 16, 16)] + NPAD
        e = plsc.load_gather(tbl_v, [si]) + plsc.load_gather(tbl_v, [di])
        e = jnp.where(e > 0, e, 0.2 * e)
        ee_v[0, pl.ds(v * 16, 16)] = jnp.exp(e)
      pltpu.async_copy(feat_hbm.at[idx_v.at[0, 0]], rows_v.at[0], sem).wait()
      def srow(r, _):
        sc = plsc.load_gather(ee_v.at[0], [jnp.zeros((16,), jnp.int32) + r])
        for cc in range(D // 16):
          rows_v[0, r, pl.ds(cc * 16, 16)] = (
              rows_v[0, r, pl.ds(cc * 16, 16)] * sc
          )
        return 0
      lax.fori_loop(0, CHUNK, srow, 0)

      pltpu.sync_copy(rows_v.at[0], acc_sp.at[idx_v.at[0, 1]], add=True)
      pltpu.sync_copy(ee_v.at[0], den_sp.at[idx_v.at[0, 1]], add=True)

    return 0

  lax.fori_loop(0, CPW, chunk_body, 0)
  plsc.subcore_barrier()

  for k in range(4):
    pltpu.sync_copy(acc_sp.at[pl.ds(base + k * CHUNK, CHUNK)], rows_v.at[0])
    pltpu.sync_copy(
        rows_v.at[0], acc_hbm.at[c, pl.ds(base + k * CHUNK, CHUNK)]
    )
  pltpu.sync_copy(
      acc_sp.at[pl.ds(base + 4 * CHUNK, tail)], rows_v.at[0, pl.ds(0, tail)]
  )
  pltpu.sync_copy(
      rows_v.at[0, pl.ds(0, tail)],
      acc_hbm.at[c, pl.ds(base + 4 * CHUNK, tail)],
  )
  pltpu.sync_copy(den_sp.at[pl.ds(s * SEG, SEG)], zrow_v.at[pl.ds(0, SEG)])
  pltpu.sync_copy(
      zrow_v.at[pl.ds(0, SEG)],
      den_hbm.at[pl.ds(c * NPAD + s * SEG, SEG)],
  )


_edge_call = pl.kernel(
    _edge_body,
    out_type=(
        jax.ShapeDtypeStruct((NC, NPAD, D), jnp.float32),
        jax.ShapeDtypeStruct((NC * NPAD,), jnp.float32),
    ),
    mesh=_mesh,
    compiler_params=_sc_params,
    scratch_types=[
        pltpu.VMEM((2 * NPAD,), jnp.float32),
        pltpu.VMEM((1, 2, CHUNK), jnp.int32),
        pltpu.VMEM((1, CHUNK), jnp.float32),
        pltpu.VMEM((1, CHUNK, D), jnp.float32),
        pltpu.VMEM((640,), jnp.float32),
        pltpu.VMEM_SHARED((NPAD, D), jnp.float32),
        pltpu.VMEM_SHARED((NPAD,), jnp.float32),
        pltpu.SemaphoreType.DMA,
    ],
)


def _merge_body(acc_ref, den_ref, ind_ref, o_ref):
  den = jnp.maximum(den_ref[0] + den_ref[1], 1e-16)
  ind = jnp.maximum(ind_ref[0] + ind_ref[1], 1.0)
  h = jnp.sqrt(ind) / den
  o_ref[...] = (acc_ref[0] + acc_ref[1]) * h[:, None]


def kernel(x, edge_index, W, attn_l, attn_r):
  al = attn_l.reshape(1, D)
  ar = attn_r.reshape(1, D)

  outdeg, indeg = _deg_call(edge_index)
  outdeg = outdeg.reshape(NC, NPAD)

  nblocks = NPAD // CHUNK
  feat_src, elr = pl.pallas_call(
      _proj_body,
      grid=(nblocks,),
      in_specs=[
          pl.BlockSpec((CHUNK, D), lambda i: (i, 0)),
          pl.BlockSpec((D, D), lambda i: (0, 0)),
          pl.BlockSpec((1, D), lambda i: (0, 0)),
          pl.BlockSpec((1, D), lambda i: (0, 0)),
          pl.BlockSpec((NC, CHUNK), lambda i: (0, i)),
      ],
      out_specs=[
          pl.BlockSpec((CHUNK, D), lambda i: (i, 0)),
          pl.BlockSpec((NC, CHUNK), lambda i: (0, i)),
      ],
      out_shape=[
          jax.ShapeDtypeStruct((N, D), jnp.float32),
          jax.ShapeDtypeStruct((NC, NPAD), jnp.float32),
      ],
  )(x, W, al, ar, outdeg)

  acc, den = _edge_call(edge_index, feat_src, elr.reshape(NC * NPAD))
  den = den.reshape(NC, NPAD)
  ind = indeg.reshape(NC, NPAD)

  rst = pl.pallas_call(
      _merge_body,
      grid=(nblocks,),
      in_specs=[
          pl.BlockSpec((NC, CHUNK, D), lambda i: (0, i, 0)),
          pl.BlockSpec((NC, CHUNK), lambda i: (0, i)),
          pl.BlockSpec((NC, CHUNK), lambda i: (0, i)),
      ],
      out_specs=pl.BlockSpec((CHUNK, D), lambda i: (i, 0)),
      out_shape=jax.ShapeDtypeStruct((N, D), jnp.float32),
  )(acc, den, ind)

  return rst.reshape(N, 1, OUT)

# --- scband reference (transcript-rebuilt; emitter-appended) ---
"""Pipeline reference for scband-rev-gat-56856777064671 (READ-ONLY COPY).

The authoritative reference and input builder live on the scoring server;
editing this copy changes nothing except your own understanding.
"""

import jax, jax.numpy as jnp
import numpy as np

N = 10000
E = 320000
D = 128
H = 1
OUT = 128


def setup_inputs(seed: int = 0) -> dict:
    key = jax.random.key(seed)
    k1, k2, k3, k4, k5 = jax.random.split(key, 5)
    x = jax.random.normal(k1, (N, D), dtype=jnp.float32)
    edge_index = jax.random.randint(k2, (2, E), 0, N, dtype=jnp.int32)
    W = jax.random.normal(k3, (D, H * OUT), dtype=jnp.float32) * 0.1
    attn_l = jax.random.normal(k4, (1, H, OUT), dtype=jnp.float32) * 0.1
    attn_r = jax.random.normal(k5, (1, H, OUT), dtype=jnp.float32) * 0.1
    return {"x": x, "edge_index": edge_index, "W": W, "attn_l": attn_l, "attn_r": attn_r}


def reference(x, edge_index, W, attn_l, attn_r):
    src = edge_index[0]
    dst = edge_index[1]
    # fc projection -> [N, H, OUT]
    feat = (x @ W).reshape(N, H, OUT)
    # symmetric norm on source side: out_degree^-0.5 (clamped at 1)
    out_deg = jnp.maximum(jnp.bincount(src, length=N).astype(jnp.float32), 1.0)
    feat_src = feat * (out_deg ** -0.5)[:, None, None]
    feat_dst = feat  # note: dst features use un-normalized projection (matches torch code)
    # attention logits
    el = jnp.sum(feat_src * attn_l, axis=-1)  # [N, H]
    er = jnp.sum(feat_dst * attn_r, axis=-1)  # [N, H]
    e = el[src] + er[dst]  # [E, H]
    # leaky relu, negative_slope=0.2
    e = jnp.where(e > 0, e, 0.2 * e)
    # edge softmax over incoming edges of each dst node
    emax = jax.ops.segment_max(e, dst, num_segments=N)  # [N, H]
    emax = jnp.where(jnp.isfinite(emax), emax, 0.0)
    ee = jnp.exp(e - emax[dst])
    denom = jax.ops.segment_sum(ee, dst, num_segments=N)  # [N, H]
    a = ee / jnp.maximum(denom[dst], 1e-16)  # [E, H]
    # message passing: u_mul_e then sum over dst
    m = feat_src[src] * a[:, :, None]  # [E, H, OUT]
    rst = jax.ops.segment_sum(m, dst, num_segments=N)  # [N, H, OUT]
    # symmetric norm on dst side: in_degree^0.5 (clamped at 1)
    in_deg = jnp.maximum(jnp.bincount(dst, length=N).astype(jnp.float32), 1.0)
    rst = rst * (in_deg ** 0.5)[:, None, None]
    return rst

if __name__ == "__main__":
    import jax
    _d = setup_inputs()
    print(jax.jit(kernel)(*tuple(_d.values())))

</pallas_src>

<mosaic_0001>
#map = affine_map<(d0, d1) -> (0, 0)>
#map1 = affine_map<(d0, d1) -> (0)>
module attributes {stable_mosaic.version = 14 : i64} {
  func.func @_deg_body(%arg0: i32, %arg1: i32, %arg2: memref<2x320000xi32, #tpu.memory_space<hbm>>, %arg3: memref<20224xf32, #tpu.memory_space<hbm>>, %arg4: memref<20224xf32, #tpu.memory_space<hbm>>, %arg5: memref<1x2x128xi32, #tpu.memory_space<vmem>>, %arg6: memref<1x128xf32, #tpu.memory_space<vmem>>, %arg7: memref<640xf32, #tpu.memory_space<vmem>>, %arg8: memref<10112xf32, #tpu.memory_space<vmem_shared>>, %arg9: memref<10112xf32, #tpu.memory_space<vmem_shared>>, %arg10: memref<!tpu.dma_semaphore, #tpu.memory_space<semaphore_mem>>) attributes {dimension_semantics = [#tpu.dimension_semantics<core_parallel>, #tpu.dimension_semantics<subcore_parallel>], iteration_bounds = array<i64: 2, 16>, scalar_prefetch = 0 : i64, scratch_operands = 6 : i64, tpu.core_type = #tpu.core_type<sc_vector_subcore>, window_params = [{transform_indices = #map}, {transform_indices = #map1}, {transform_indices = #map1}]} {
    %mul3A = arith.constant 2 : i32
    %mul3A_0 = arith.muli %arg1, %mul3A : i32
    %add3A = arith.addi %mul3A_0, %arg0 : i32
    %broadcast_in_dim3A = arith.constant 1.000000e+00 : f32
    %broadcast_in_dim3A_1 = vector.broadcast %broadcast_in_dim3A : f32 to vector<16xf32>
    %swap3A = arith.constant 0 : i32
    %swap3A_2 = arith.index_cast %swap3A : i32 to index
    %swap3A_3 = arith.constant 0 : index
    %swap3A_4 = tpu.vector_load %arg6[%swap3A_2, %swap3A_3] {strides = array<i32>} : memref<1x128xf32, #tpu.memory_space<vmem>>, vector<16xf32>,
    tpu.vector_store %arg6[%swap3A_2, %swap3A_3], %broadcast_in_dim3A_1 {strides = array<i32>} : memref<1x128xf32, #tpu.memory_space<vmem>>, vector<16xf32>,
    %broadcast_in_dim3A_5 = arith.constant 1.000000e+00 : f32
    %broadcast_in_dim3A_6 = vector.broadcast %broadcast_in_dim3A_5 : f32 to vector<16xf32>
    %swap3A_7 = arith.constant 0 : i32
    %swap3A_8 = arith.index_cast %swap3A_7 : i32 to index
    %swap3A_9 = arith.constant 16 : index
    %swap3A_10 = tpu.vector_load %arg6[%swap3A_8, %swap3A_9] {strides = array<i32>} : memref<1x128xf32, #tpu.memory_space<vmem>>, vector<16xf32>,
    tpu.vector_store %arg6[%swap3A_8, %swap3A_9], %broadcast_in_dim3A_6 {strides = array<i32>} : memref<1x128xf32, #tpu.memory_space<vmem>>, vector<16xf32>,
    %broadcast_in_dim3A_11 = arith.constant 1.000000e+00 : f32
    %broadcast_in_dim3A_12 = vector.broadcast %broadcast_in_dim3A_11 : f32 to vector<16xf32>
    %swap3A_13 = arith.constant 0 : i32
    %swap3A_14 = arith.index_cast %swap3A_13 : i32 to index
    %swap3A_15 = arith.constant 32 : index
    %swap3A_16 = tpu.vector_load %arg6[%swap3A_14, %swap3A_15] {strides = array<i32>} : memref<1x128xf32, #tpu.memory_space<vmem>>, vector<16xf32>,
    tpu.vector_store %arg6[%swap3A_14, %swap3A_15], %broadcast_in_dim3A_12 {strides = array<i32>} : memref<1x128xf32, #tpu.memory_space<vmem>>, vector<16xf32>,
    %broadcast_in_dim3A_17 = arith.constant 1.000000e+00 : f32
    %broadcast_in_dim3A_18 = vector.broadcast %broadcast_in_dim3A_17 : f32 to vector<16xf32>
    %swap3A_19 = arith.constant 0 : i32
    %swap3A_20 = arith.index_cast %swap3A_19 : i32 to index
    %swap3A_21 = arith.constant 48 : index
    %swap3A_22 = tpu.vector_load %arg6[%swap3A_20, %swap3A_21] {strides = array<i32>} : memref<1x128xf32, #tpu.memory_space<vmem>>, vector<16xf32>,
    tpu.vector_store %arg6[%swap3A_20, %swap3A_21], %broadcast_in_dim3A_18 {strides = array<i32>} : memref<1x128xf32, #tpu.memory_space<vmem>>, vector<16xf32>,
    %broadcast_in_dim3A_23 = arith.constant 1.000000e+00 : f32
    %broadcast_in_dim3A_24 = vector.broadcast %broadcast_in_dim3A_23 : f32 to vector<16xf32>
    %swap3A_25 = arith.constant 0 : i32
    %swap3A_26 = arith.index_cast %swap3A_25 : i32 to index
    %swap3A_27 = arith.constant 64 : index
    %swap3A_28 = tpu.vector_load %arg6[%swap3A_26, %swap3A_27] {strides = array<i32>} : memref<1x128xf32, #tpu.memory_space<vmem>>, vector<16xf32>,
    tpu.vector_store %arg6[%swap3A_26, %swap3A_27], %broadcast_in_dim3A_24 {strides = array<i32>} : memref<1x128xf32, #tpu.memory_space<vmem>>, vector<16xf32>,
    %broadcast_in_dim3A_29 = arith.constant 1.000000e+00 : f32
    %broadcast_in_dim3A_30 = vector.broadcast %broadcast_in_dim3A_29 : f32 to vector<16xf32>
    %swap3A_31 = arith.constant 0 : i32
    %swap3A_32 = arith.index_cast %swap3A_31 : i32 to index
    %swap3A_33 = arith.constant 80 : index
    %swap3A_34 = tpu.vector_load %arg6[%swap3A_32, %swap3A_33] {strides = array<i32>} : memref<1x128xf32, #tpu.memory_space<vmem>>, vector<16xf32>,
    tpu.vector_store %arg6[%swap3A_32, %swap3A_33], %broadcast_in_dim3A_30 {strides = array<i32>} : memref<1x128xf32, #tpu.memory_space<vmem>>, vector<16xf32>,
    %broadcast_in_dim3A_35 = arith.constant 1.000000e+00 : f32
    %broadcast_in_dim3A_36 = vector.broadcast %broadcast_in_dim3A_35 : f32 to vector<16xf32>
    %swap3A_37 = arith.constant 0 : i32
    %swap3A_38 = arith.index_cast %swap3A_37 : i32 to index
    %swap3A_39 = arith.constant 96 : index
    %swap3A_40 = tpu.vector_load %arg6[%swap3A_38, %swap3A_39] {strides = array<i32>} : memref<1x128xf32, #tpu.memory_space<vmem>>, vector<16xf32>,
    tpu.vector_store %arg6[%swap3A_38, %swap3A_39], %broadcast_in_dim3A_36 {strides = array<i32>} : memref<1x128xf32, #tpu.memory_space<vmem>>, vector<16xf32>,
    %broadcast_in_dim3A_41 = arith.constant 1.000000e+00 : f32
    %broadcast_in_dim3A_42 = vector.broadcast %broadcast_in_dim3A_41 : f32 to vector<16xf32>
    %swap3A_43 = arith.constant 0 : i32
    %swap3A_44 = arith.index_cast %swap3A_43 : i32 to index
    %swap3A_45 = arith.constant 112 : index
    %swap3A_46 = tpu.vector_load %arg6[%swap3A_44, %swap3A_45] {strides = array<i32>} : memref<1x128xf32, #tpu.memory_space<vmem>>, vector<16xf32>,
    tpu.vector_store %arg6[%swap3A_44, %swap3A_45], %broadcast_in_dim3A_42 {strides = array<i32>} : memref<1x128xf32, #tpu.memory_space<vmem>>, vector<16xf32>,
    %scan3A = arith.constant 0 : i32
    %scan3A_47 = arith.constant 0 : i32
    %scan3A_48 = arith.constant 40 : i32
    %scan3A_49 = arith.addi %scan3A_47, %scan3A_48 : i32
    %scan3A_50 = arith.constant 1 : i32
    %scan3A_51 = scf.for %scan3A_79 = %scan3A_47 to %scan3A_49 step %scan3A_50 iter_args(%scan3A_80 = %scan3A) -> (i32)  : i32 {
      %broadcast_in_dim3A_81 = arith.constant 0.000000e+00 : f32
      %broadcast_in_dim3A_82 = vector.broadcast %broadcast_in_dim3A_81 : f32 to vector<16xf32>
      %mul3A_83 = arith.constant 16 : i32
      %mul3A_84 = arith.muli %scan3A_79, %mul3A_83 : i32
      %swap3A_85 = arith.index_cast %mul3A_84 : i32 to index
      %swap3A_86 = tpu.vector_load %arg7[%swap3A_85] {strides = array<i32>} : memref<640xf32, #tpu.memory_space<vmem>>, vector<16xf32>,
      tpu.vector_store %arg7[%swap3A_85], %broadcast_in_dim3A_82 {strides = array<i32>} : memref<640xf32, #tpu.memory_space<vmem>>, vector<16xf32>,
      %scan3A_87 = arith.constant 0 : i32
      scf.yield %scan3A_87 : i32
    }
    %scan3A_52 = arith.constant 40 : i32
    %mul3A_53 = arith.constant 632 : i32
    %mul3A_54 = arith.muli %arg1, %mul3A_53 : i32
    "tpu.region"() ({
      %run_scoped3A = tpu.sem_alloc : memref<!tpu.dma_semaphore, #tpu.memory_space<semaphore_mem>>
      %dma_start3A = arith.constant 0 : i32
      %dma_start3A_79 = tpu.memref_slice %arg7[%dma_start3A] : memref<640xf32, #tpu.memory_space<vmem>> -> memref<632xf32, #tpu.memory_space<vmem>>
      %dma_start3A_80 = tpu.memref_slice %arg8[%mul3A_54] : memref<10112xf32, #tpu.memory_space<vmem_shared>> -> memref<632xf32, #tpu.memory_space<vmem_shared>>
      %dma_start3A_81 = tpu.memref_slice %arg8[%mul3A_54] : memref<10112xf32, #tpu.memory_space<vmem_shared>> -> memref<632xf32, #tpu.memory_space<vmem_shared>>
      %dma_start3A_82 = arith.constant 0 : i32
      %dma_start3A_83 = tpu.memref_slice %arg7[%dma_start3A_82] : memref<640xf32, #tpu.memory_space<vmem>> -> memref<632xf32, #tpu.memory_space<vmem>>
      tpu.enqueue_dma source(%dma_start3A_83 : memref<632xf32, #tpu.memory_space<vmem>>) target(%dma_start3A_81 : memref<632xf32, #tpu.memory_space<vmem_shared>>) target_semaphore(%run_scoped3A : memref<!tpu.dma_semaphore, #tpu.memory_space<semaphore_mem>>)
      %dma_wait3A = arith.constant 0 : i32
      %dma_wait3A_84 = tpu.memref_slice %arg7[%dma_wait3A] : memref<640xf32, #tpu.memory_space<vmem>> -> memref<632xf32, #tpu.memory_space<vmem>>
      %dma_wait3A_85 = tpu.memref_slice %arg8[%mul3A_54] : memref<10112xf32, #tpu.memory_space<vmem_shared>> -> memref<632xf32, #tpu.memory_space<vmem_shared>>
      %dma_wait3A_86 = tpu.memref_slice %arg8[%mul3A_54] : memref<10112xf32, #tpu.memory_space<vmem_shared>> -> memref<632xf32, #tpu.memory_space<vmem_shared>>
      %dma_wait3A_87 = arith.constant 0 : i32
      %dma_wait3A_88 = tpu.memref_slice %arg7[%dma_wait3A_87] : memref<640xf32, #tpu.memory_space<vmem>> -> memref<632xf32, #tpu.memory_space<vmem>>
      tpu.wait_dma2 semaphore(%run_scoped3A : memref<!tpu.dma_semaphore, #tpu.memory_space<semaphore_mem>>) src(%dma_wait3A_88 : memref<632xf32, #tpu.memory_space<vmem>>) dst(%dma_wait3A_86 : memref<632xf32, #tpu.memory_space<vmem_shared>>)
      tpu.yield
    }) : () -> ()
    %mul3A_55 = arith.constant 632 : i32
    %mul3A_56 = arith.muli %arg1, %mul3A_55 : i32
    "tpu.region"() ({
      %run_scoped3A = tpu.sem_alloc : memref<!tpu.dma_semaphore, #tpu.memory_space<semaphore_mem>>
      %dma_start3A = arith.constant 0 : i32
      %dma_start3A_79 = tpu.memref_slice %arg7[%dma_start3A] : memref<640xf32, #tpu.memory_space<vmem>> -> memref<632xf32, #tpu.memory_space<vmem>>
      %dma_start3A_80 = tpu.memref_slice %arg9[%mul3A_56] : memref<10112xf32, #tpu.memory_space<vmem_shared>> -> memref<632xf32, #tpu.memory_space<vmem_shared>>
      %dma_start3A_81 = tpu.memref_slice %arg9[%mul3A_56] : memref<10112xf32, #tpu.memory_space<vmem_shared>> -> memref<632xf32, #tpu.memory_space<vmem_shared>>
      %dma_start3A_82 = arith.constant 0 : i32
      %dma_start3A_83 = tpu.memref_slice %arg7[%dma_start3A_82] : memref<640xf32, #tpu.memory_space<vmem>> -> memref<632xf32, #tpu.memory_space<vmem>>
      tpu.enqueue_dma source(%dma_start3A_83 : memref<632xf32, #tpu.memory_space<vmem>>) target(%dma_start3A_81 : memref<632xf32, #tpu.memory_space<vmem_shared>>) target_semaphore(%run_scoped3A : memref<!tpu.dma_semaphore, #tpu.memory_space<semaphore_mem>>)
      %dma_wait3A = arith.constant 0 : i32
      %dma_wait3A_84 = tpu.memref_slice %arg7[%dma_wait3A] : memref<640xf32, #tpu.memory_space<vmem>> -> memref<632xf32, #tpu.memory_space<vmem>>
      %dma_wait3A_85 = tpu.memref_slice %arg9[%mul3A_56] : memref<10112xf32, #tpu.memory_space<vmem_shared>> -> memref<632xf32, #tpu.memory_space<vmem_shared>>
      %dma_wait3A_86 = tpu.memref_slice %arg9[%mul3A_56] : memref<10112xf32, #tpu.memory_space<vmem_shared>> -> memref<632xf32, #tpu.memory_space<vmem_shared>>
      %dma_wait3A_87 = arith.constant 0 : i32
      %dma_wait3A_88 = tpu.memref_slice %arg7[%dma_wait3A_87] : memref<640xf32, #tpu.memory_space<vmem>> -> memref<632xf32, #tpu.memory_space<vmem>>
      tpu.wait_dma2 semaphore(%run_scoped3A : memref<!tpu.dma_semaphore, #tpu.memory_space<semaphore_mem>>) src(%dma_wait3A_88 : memref<632xf32, #tpu.memory_space<vmem>>) dst(%dma_wait3A_86 : memref<632xf32, #tpu.memory_space<vmem_shared>>)
      tpu.yield
    }) : () -> ()
    %barrier3A = arith.constant 0 : index
    tpu.barrier barrier_id(%barrier3A)
    %scan3A_57 = arith.constant 0 : i32
    %scan3A_58 = arith.constant 0 : i32
    %scan3A_59 = arith.constant 79 : i32
    %scan3A_60 = arith.addi %scan3A_58, %scan3A_59 : i32
    %scan3A_61 = arith.constant 1 : i32
    %scan3A_62 = scf.for %scan3A_79 = %scan3A_58 to %scan3A_60 step %scan3A_61 iter_args(%scan3A_80 = %scan3A_57) -> (i32)  : i32 {
      %mul3A_81 = arith.constant 32 : i32
      %mul3A_82 = arith.muli %scan3A_79, %mul3A_81 : i32
      %add3A_83 = arith.addi %mul3A_82, %add3A : i32
      %lt3A = arith.constant 2500 : i32
      %lt3A_84 = arith.cmpi slt, %add3A_83, %lt3A : i32
      %convert_element_type3A = arith.extui %lt3A_84 : i1 to i32
      %cond3A = arith.constant 0 : i32
      %cond3A_85 = arith.cmpi ne, %convert_element_type3A, %cond3A : i32
      scf.if %cond3A_85 {
        %mul3A_87 = arith.constant 128 : i32
        %mul3A_88 = arith.muli %add3A_83, %mul3A_87 : i32
        %dma_start3A = arith.constant 0 : i32
        %dma_start3A_89 = arith.constant 0 : i32
        %dma_start3A_90 = arith.constant 0 : i32
        %dma_start3A_91 = tpu.memref_slice %arg5[%dma_start3A, %dma_start3A_89, %dma_start3A_90] : memref<1x2x128xi32, #tpu.memory_space<vmem>> -> memref<1x2x128xi32, #tpu.memory_space<vmem>>
        %dma_start3A_92 = tpu.memref_squeeze %dma_start3A_91 : memref<1x2x128xi32, #tpu.memory_space<vmem>> -> memref<2x128xi32, #tpu.memory_space<vmem>>
        %dma_start3A_93 = arith.constant 0 : i32
        %dma_start3A_94 = tpu.memref_slice %arg2[%dma_start3A_93, %mul3A_88] : memref<2x320000xi32, #tpu.memory_space<hbm>> -> memref<2x128xi32, #tpu.memory_space<hbm>>
        %dma_start3A_95 = arith.constant 0 : i32
        %dma_start3A_96 = arith.constant 0 : i32
        %dma_start3A_97 = tpu.memref_slice %arg5[%dma_start3A, %dma_start3A_95, %dma_start3A_96] : memref<1x2x128xi32, #tpu.memory_space<vmem>> -> memref<1x2x128xi32, #tpu.memory_space<vmem>>
        %dma_start3A_98 = tpu.memref_squeeze %dma_start3A_97 : memref<1x2x128xi32, #tpu.memory_space<vmem>> -> memref<2x128xi32, #tpu.memory_space<vmem>>
        %dma_start3A_99 = arith.constant 0 : i32
        %dma_start3A_100 = tpu.memref_slice %arg2[%dma_start3A_99, %mul3A_88] : memref<2x320000xi32, #tpu.memory_space<hbm>> -> memref<2x128xi32, #tpu.memory_space<hbm>>
        tpu.enqueue_dma source(%dma_start3A_100 : memref<2x128xi32, #tpu.memory_space<hbm>>) target(%dma_start3A_98 : memref<2x128xi32, #tpu.memory_space<vmem>>) target_semaphore(%arg10 : memref<!tpu.dma_semaphore, #tpu.memory_space<semaphore_mem>>)
        %dma_wait3A = arith.constant 0 : i32
        %dma_wait3A_101 = arith.constant 0 : i32
        %dma_wait3A_102 = arith.constant 0 : i32
        %dma_wait3A_103 = tpu.memref_slice %arg5[%dma_wait3A, %dma_wait3A_101, %dma_wait3A_102] : memref<1x2x128xi32, #tpu.memory_space<vmem>> -> memref<1x2x128xi32, #tpu.memory_space<vmem>>
        %dma_wait3A_104 = tpu.memref_squeeze %dma_wait3A_103 : memref<1x2x128xi32, #tpu.memory_space<vmem>> -> memref<2x128xi32, #tpu.memory_space<vmem>>
        %dma_wait3A_105 = arith.constant 0 : i32
        %dma_wait3A_106 = tpu.memref_slice %arg2[%dma_wait3A_105, %mul3A_88] : memref<2x320000xi32, #tpu.memory_space<hbm>> -> memref<2x128xi32, #tpu.memory_space<hbm>>
        %dma_wait3A_107 = arith.constant 0 : i32
        %dma_wait3A_108 = arith.constant 0 : i32
        %dma_wait3A_109 = tpu.memref_slice %arg5[%dma_wait3A, %dma_wait3A_107, %dma_wait3A_108] : memref<1x2x128xi32, #tpu.memory_space<vmem>> -> memref<1x2x128xi32, #tpu.memory_space<vmem>>
        %dma_wait3A_110 = tpu.memref_squeeze %dma_wait3A_109 : memref<1x2x128xi32, #tpu.memory_space<vmem>> -> memref<2x128xi32, #tpu.memory_space<vmem>>
        %dma_wait3A_111 = arith.constant 0 : i32
        %dma_wait3A_112 = tpu.memref_slice %arg2[%dma_wait3A_111, %mul3A_88] : memref<2x320000xi32, #tpu.memory_space<hbm>> -> memref<2x128xi32, #tpu.memory_space<hbm>>
        tpu.wait_dma2 semaphore(%arg10 : memref<!tpu.dma_semaphore, #tpu.memory_space<semaphore_mem>>) src(%dma_wait3A_112 : memref<2x128xi32, #tpu.memory_space<hbm>>) dst(%dma_wait3A_110 : memref<2x128xi32, #tpu.memory_space<vmem>>)
        %run_scoped3A = arith.constant 0 : i32
        %run_scoped3A_113 = arith.constant 0 : i32
        %run_scoped3A_114 = arith.constant 0 : i32
        "tpu.region"() ({
          %run_scoped3A_118 = tpu.sem_alloc : memref<!tpu.dma_semaphore, #tpu.memory_space<semaphore_mem>>
          %dma_start3A_119 = arith.constant 0 : i32
          %dma_start3A_120 = tpu.memref_slice %arg6[%run_scoped3A, %dma_start3A_119] : memref<1x128xf32, #tpu.memory_space<vmem>> -> memref<1x128xf32, #tpu.memory_space<vmem>>
          %dma_start3A_121 = tpu.memref_squeeze %dma_start3A_120 : memref<1x128xf32, #tpu.memory_space<vmem>> -> memref<128xf32, #tpu.memory_space<vmem>>
          %dma_start3A_122 = arith.constant 0 : i32
          %dma_start3A_123 = tpu.memref_slice %arg5[%run_scoped3A_113, %run_scoped3A_114, %dma_start3A_122] : memref<1x2x128xi32, #tpu.memory_space<vmem>> -> memref<1x1x128xi32, #tpu.memory_space<vmem>>
          %dma_start3A_124 = tpu.memref_squeeze %dma_start3A_123 : memref<1x1x128xi32, #tpu.memory_space<vmem>> -> memref<128xi32, #tpu.memory_space<vmem>>
          %dma_start3A_125 = arith.constant 0 : i32
          %dma_start3A_126 = tpu.memref_slice %arg8[%dma_start3A_125] : memref<10112xf32, #tpu.memory_space<vmem_shared>> -> memref<10112xf32, #tpu.memory_space<vmem_shared>>
          tpu.enqueue_indirect_dma source(%dma_start3A_121 : memref<128xf32, #tpu.memory_space<vmem>>) target(%dma_start3A_126 : memref<10112xf32, #tpu.memory_space<vmem_shared>>) offsets(%dma_start3A_124 : memref<128xi32, #tpu.memory_space<vmem>>) semaphore(%run_scoped3A_118 : memref<!tpu.dma_semaphore, #tpu.memory_space<semaphore_mem>>) {add = true}
          %dma_wait3A_127 = arith.constant 0 : i32
          %dma_wait3A_128 = tpu.memref_slice %arg6[%run_scoped3A, %dma_wait3A_127] : memref<1x128xf32, #tpu.memory_space<vmem>> -> memref<1x128xf32, #tpu.memory_space<vmem>>
          %dma_wait3A_129 = tpu.memref_squeeze %dma_wait3A_128 : memref<1x128xf32, #tpu.memory_space<vmem>> -> memref<128xf32, #tpu.memory_space<vmem>>
          %dma_wait3A_130 = arith.constant 0 : i32
          %dma_wait3A_131 = tpu.memref_slice %arg5[%run_scoped3A_113, %run_scoped3A_114, %dma_wait3A_130] : memref<1x2x128xi32, #tpu.memory_space<vmem>> -> memref<1x1x128xi32, #tpu.memory_space<vmem>>
          %dma_wait3A_132 = tpu.memref_squeeze %dma_wait3A_131 : memref<1x1x128xi32, #tpu.memory_space<vmem>> -> memref<128xi32, #tpu.memory_space<vmem>>
          %dma_wait3A_133 = arith.constant 0 : i32
          %dma_wait3A_134 = tpu.memref_slice %arg8[%dma_wait3A_133] : memref<10112xf32, #tpu.memory_space<vmem_shared>> -> memref<10112xf32, #tpu.memory_space<vmem_shared>>
          tpu.wait_indirect_dma semaphore(%run_scoped3A_118 : memref<!tpu.dma_semaphore, #tpu.memory_space<semaphore_mem>>) src(%dma_wait3A_129 : memref<128xf32, #tpu.memory_space<vmem>>) dst(%dma_wait3A_134 : memref<10112xf32, #tpu.memory_space<vmem_shared>>)
          tpu.yield
        }) : () -> ()
        %run_scoped3A_115 = arith.constant 0 : i32
        %run_scoped3A_116 = arith.constant 0 : i32
        %run_scoped3A_117 = arith.constant 1 : i32
        "tpu.region"() ({
          %run_scoped3A_118 = tpu.sem_alloc : memref<!tpu.dma_semaphore, #tpu.memory_space<semaphore_mem>>
          %dma_start3A_119 = arith.constant 0 : i32
          %dma_start3A_120 = tpu.memref_slice %arg6[%run_scoped3A_115, %dma_start3A_119] : memref<1x128xf32, #tpu.memory_space<vmem>> -> memref<1x128xf32, #tpu.memory_space<vmem>>
          %dma_start3A_121 = tpu.memref_squeeze %dma_start3A_120 : memref<1x128xf32, #tpu.memory_space<vmem>> -> memref<128xf32, #tpu.memory_space<vmem>>
          %dma_start3A_122 = arith.constant 0 : i32
          %dma_start3A_123 = tpu.memref_slice %arg5[%run_scoped3A_116, %run_scoped3A_117, %dma_start3A_122] : memref<1x2x128xi32, #tpu.memory_space<vmem>> -> memref<1x1x128xi32, #tpu.memory_space<vmem>>
          %dma_start3A_124 = tpu.memref_squeeze %dma_start3A_123 : memref<1x1x128xi32, #tpu.memory_space<vmem>> -> memref<128xi32, #tpu.memory_space<vmem>>
          %dma_start3A_125 = arith.constant 0 : i32
          %dma_start3A_126 = tpu.memref_slice %arg9[%dma_start3A_125] : memref<10112xf32, #tpu.memory_space<vmem_shared>> -> memref<10112xf32, #tpu.memory_space<vmem_shared>>
          tpu.enqueue_indirect_dma source(%dma_start3A_121 : memref<128xf32, #tpu.memory_space<vmem>>) target(%dma_start3A_126 : memref<10112xf32, #tpu.memory_space<vmem_shared>>) offsets(%dma_start3A_124 : memref<128xi32, #tpu.memory_space<vmem>>) semaphore(%run_scoped3A_118 : memref<!tpu.dma_semaphore, #tpu.memory_space<semaphore_mem>>) {add = true}
          %dma_wait3A_127 = arith.constant 0 : i32
          %dma_wait3A_128 = tpu.memref_slice %arg6[%run_scoped3A_115, %dma_wait3A_127] : memref<1x128xf32, #tpu.memory_space<vmem>> -> memref<1x128xf32, #tpu.memory_space<vmem>>
          %dma_wait3A_129 = tpu.memref_squeeze %dma_wait3A_128 : memref<1x128xf32, #tpu.memory_space<vmem>> -> memref<128xf32, #tpu.memory_space<vmem>>
          %dma_wait3A_130 = arith.constant 0 : i32
          %dma_wait3A_131 = tpu.memref_slice %arg5[%run_scoped3A_116, %run_scoped3A_117, %dma_wait3A_130] : memref<1x2x128xi32, #tpu.memory_space<vmem>> -> memref<1x1x128xi32, #tpu.memory_space<vmem>>
          %dma_wait3A_132 = tpu.memref_squeeze %dma_wait3A_131 : memref<1x1x128xi32, #tpu.memory_space<vmem>> -> memref<128xi32, #tpu.memory_space<vmem>>
          %dma_wait3A_133 = arith.constant 0 : i32
          %dma_wait3A_134 = tpu.memref_slice %arg9[%dma_wait3A_133] : memref<10112xf32, #tpu.memory_space<vmem_shared>> -> memref<10112xf32, #tpu.memory_space<vmem_shared>>
          tpu.wait_indirect_dma semaphore(%run_scoped3A_118 : memref<!tpu.dma_semaphore, #tpu.memory_space<semaphore_mem>>) src(%dma_wait3A_129 : memref<128xf32, #tpu.memory_space<vmem>>) dst(%dma_wait3A_134 : memref<10112xf32, #tpu.memory_space<vmem_shared>>)
          tpu.yield
        }) : () -> ()
      } else {
      }
      %scan3A_86 = arith.constant 0 : i32
      scf.yield %scan3A_86 : i32
    }
    %scan3A_63 = arith.constant 79 : i32
    %barrier3A_64 = arith.constant 0 : index
    tpu.barrier barrier_id(%barrier3A_64)
    %mul3A_65 = arith.constant 632 : i32
    %mul3A_66 = arith.muli %arg1, %mul3A_65 : i32
    "tpu.region"() ({
      %run_scoped3A = tpu.sem_alloc : memref<!tpu.dma_semaphore, #tpu.memory_space<semaphore_mem>>
      %dma_start3A = arith.constant 0 : i32
      %dma_start3A_79 = tpu.memref_slice %arg7[%dma_start3A] : memref<640xf32, #tpu.memory_space<vmem>> -> memref<632xf32, #tpu.memory_space<vmem>>
      %dma_start3A_80 = tpu.memref_slice %arg8[%mul3A_66] : memref<10112xf32, #tpu.memory_space<vmem_shared>> -> memref<632xf32, #tpu.memory_space<vmem_shared>>
      %dma_start3A_81 = arith.constant 0 : i32
      %dma_start3A_82 = tpu.memref_slice %arg7[%dma_start3A_81] : memref<640xf32, #tpu.memory_space<vmem>> -> memref<632xf32, #tpu.memory_space<vmem>>
      %dma_start3A_83 = tpu.memref_slice %arg8[%mul3A_66] : memref<10112xf32, #tpu.memory_space<vmem_shared>> -> memref<632xf32, #tpu.memory_space<vmem_shared>>
      tpu.enqueue_dma source(%dma_start3A_83 : memref<632xf32, #tpu.memory_space<vmem_shared>>) target(%dma_start3A_82 : memref<632xf32, #tpu.memory_space<vmem>>) target_semaphore(%run_scoped3A : memref<!tpu.dma_semaphore, #tpu.memory_space<semaphore_mem>>)
      %dma_wait3A = arith.constant 0 : i32
      %dma_wait3A_84 = tpu.memref_slice %arg7[%dma_wait3A] : memref<640xf32, #tpu.memory_space<vmem>> -> memref<632xf32, #tpu.memory_space<vmem>>
      %dma_wait3A_85 = tpu.memref_slice %arg8[%mul3A_66] : memref<10112xf32, #tpu.memory_space<vmem_shared>> -> memref<632xf32, #tpu.memory_space<vmem_shared>>
      %dma_wait3A_86 = arith.constant 0 : i32
      %dma_wait3A_87 = tpu.memref_slice %arg7[%dma_wait3A_86] : memref<640xf32, #tpu.memory_space<vmem>> -> memref<632xf32, #tpu.memory_space<vmem>>
      %dma_wait3A_88 = tpu.memref_slice %arg8[%mul3A_66] : memref<10112xf32, #tpu.memory_space<vmem_shared>> -> memref<632xf32, #tpu.memory_space<vmem_shared>>
      tpu.wait_dma2 semaphore(%run_scoped3A : memref<!tpu.dma_semaphore, #tpu.memory_space<semaphore_mem>>) src(%dma_wait3A_88 : memref<632xf32, #tpu.memory_space<vmem_shared>>) dst(%dma_wait3A_87 : memref<632xf32, #tpu.memory_space<vmem>>)
      tpu.yield
    }) : () -> ()
    %mul3A_67 = arith.constant 10112 : i32
    %mul3A_68 = arith.muli %arg0, %mul3A_67 : i32
    %mul3A_69 = arith.constant 632 : i32
    %mul3A_70 = arith.muli %arg1, %mul3A_69 : i32
    %add3A_71 = arith.addi %mul3A_68, %mul3A_70 : i32
    "tpu.region"() ({
      %run_scoped3A = tpu.sem_alloc : memref<!tpu.dma_semaphore, #tpu.memory_space<semaphore_mem>>
      %dma_start3A = arith.constant 0 : i32
      %dma_start3A_79 = tpu.memref_slice %arg7[%dma_start3A] : memref<640xf32, #tpu.memory_space<vmem>> -> memref<632xf32, #tpu.memory_space<vmem>>
      %dma_start3A_80 = tpu.memref_slice %arg3[%add3A_71] : memref<20224xf32, #tpu.memory_space<hbm>> -> memref<632xf32, #tpu.memory_space<hbm>>
      %dma_start3A_81 = tpu.memref_slice %arg3[%add3A_71] : memref<20224xf32, #tpu.memory_space<hbm>> -> memref<632xf32, #tpu.memory_space<hbm>>
      %dma_start3A_82 = arith.constant 0 : i32
      %dma_start3A_83 = tpu.memref_slice %arg7[%dma_start3A_82] : memref<640xf32, #tpu.memory_space<vmem>> -> memref<632xf32, #tpu.memory_space<vmem>>
      tpu.enqueue_dma source(%dma_start3A_83 : memref<632xf32, #tpu.memory_space<vmem>>) target(%dma_start3A_81 : memref<632xf32, #tpu.memory_space<hbm>>) target_semaphore(%run_scoped3A : memref<!tpu.dma_semaphore, #tpu.memory_space<semaphore_mem>>)
      %dma_wait3A = arith.constant 0 : i32
      %dma_wait3A_84 = tpu.memref_slice %arg7[%dma_wait3A] : memref<640xf32, #tpu.memory_space<vmem>> -> memref<632xf32, #tpu.memory_space<vmem>>
      %dma_wait3A_85 = tpu.memref_slice %arg3[%add3A_71] : memref<20224xf32, #tpu.memory_space<hbm>> -> memref<632xf32, #tpu.memory_space<hbm>>
      %dma_wait3A_86 = tpu.memref_slice %arg3[%add3A_71] : memref<20224xf32, #tpu.memory_space<hbm>> -> memref<632xf32, #tpu.memory_space<hbm>>
      %dma_wait3A_87 = arith.constant 0 : i32
      %dma_wait3A_88 = tpu.memref_slice %arg7[%dma_wait3A_87] : memref<640xf32, #tpu.memory_space<vmem>> -> memref<632xf32, #tpu.memory_space<vmem>>
      tpu.wait_dma2 semaphore(%run_scoped3A : memref<!tpu.dma_semaphore, #tpu.memory_space<semaphore_mem>>) src(%dma_wait3A_88 : memref<632xf32, #tpu.memory_space<vmem>>) dst(%dma_wait3A_86 : memref<632xf32, #tpu.memory_space<hbm>>)
      tpu.yield
    }) : () -> ()
    %mul3A_72 = arith.constant 632 : i32
    %mul3A_73 = arith.muli %arg1, %mul3A_72 : i32
    "tpu.region"() ({
      %run_scoped3A = tpu.sem_alloc : memref<!tpu.dma_semaphore, #tpu.memory_space<semaphore_mem>>
      %dma_start3A = arith.constant 0 : i32
      %dma_start3A_79 = tpu.memref_slice %arg7[%dma_start3A] : memref<640xf32, #tpu.memory_space<vmem>> -> memref<632xf32, #tpu.memory_space<vmem>>
      %dma_start3A_80 = tpu.memref_slice %arg9[%mul3A_73] : memref<10112xf32, #tpu.memory_space<vmem_shared>> -> memref<632xf32, #tpu.memory_space<vmem_shared>>
      %dma_start3A_81 = arith.constant 0 : i32
      %dma_start3A_82 = tpu.memref_slice %arg7[%dma_start3A_81] : memref<640xf32, #tpu.memory_space<vmem>> -> memref<632xf32, #tpu.memory_space<vmem>>
      %dma_start3A_83 = tpu.memref_slice %arg9[%mul3A_73] : memref<10112xf32, #tpu.memory_space<vmem_shared>> -> memref<632xf32, #tpu.memory_space<vmem_shared>>
      tpu.enqueue_dma source(%dma_start3A_83 : memref<632xf32, #tpu.memory_space<vmem_shared>>) target(%dma_start3A_82 : memref<632xf32, #tpu.memory_space<vmem>>) target_semaphore(%run_scoped3A : memref<!tpu.dma_semaphore, #tpu.memory_space<semaphore_mem>>)
      %dma_wait3A = arith.constant 0 : i32
      %dma_wait3A_84 = tpu.memref_slice %arg7[%dma_wait3A] : memref<640xf32, #tpu.memory_space<vmem>> -> memref<632xf32, #tpu.memory_space<vmem>>
      %dma_wait3A_85 = tpu.memref_slice %arg9[%mul3A_73] : memref<10112xf32, #tpu.memory_space<vmem_shared>> -> memref<632xf32, #tpu.memory_space<vmem_shared>>
      %dma_wait3A_86 = arith.constant 0 : i32
      %dma_wait3A_87 = tpu.memref_slice %arg7[%dma_wait3A_86] : memref<640xf32, #tpu.memory_space<vmem>> -> memref<632xf32, #tpu.memory_space<vmem>>
      %dma_wait3A_88 = tpu.memref_slice %arg9[%mul3A_73] : memref<10112xf32, #tpu.memory_space<vmem_shared>> -> memref<632xf32, #tpu.memory_space<vmem_shared>>
      tpu.wait_dma2 semaphore(%run_scoped3A : memref<!tpu.dma_semaphore, #tpu.memory_space<semaphore_mem>>) src(%dma_wait3A_88 : memref<632xf32, #tpu.memory_space<vmem_shared>>) dst(%dma_wait3A_87 : memref<632xf32, #tpu.memory_space<vmem>>)
      tpu.yield
    }) : () -> ()
    %mul3A_74 = arith.constant 10112 : i32
    %mul3A_75 = arith.muli %arg0, %mul3A_74 : i32
    %mul3A_76 = arith.constant 632 : i32
    %mul3A_77 = arith.muli %arg1, %mul3A_76 : i32
    %add3A_78 = arith.addi %mul3A_75, %mul3A_77 : i32
    "tpu.region"() ({
      %run_scoped3A = tpu.sem_alloc : memref<!tpu.dma_semaphore, #tpu.memory_space<semaphore_mem>>
      %dma_start3A = arith.constant 0 : i32
      %dma_start3A_79 = tpu.memref_slice %arg7[%dma_start3A] : memref<640xf32, #tpu.memory_space<vmem>> -> memref<632xf32, #tpu.memory_space<vmem>>
      %dma_start3A_80 = tpu.memref_slice %arg4[%add3A_78] : memref<20224xf32, #tpu.memory_space<hbm>> -> memref<632xf32, #tpu.memory_space<hbm>>
      %dma_start3A_81 = tpu.memref_slice %arg4[%add3A_78] : memref<20224xf32, #tpu.memory_space<hbm>> -> memref<632xf32, #tpu.memory_space<hbm>>
      %dma_start3A_82 = arith.constant 0 : i32
      %dma_start3A_83 = tpu.memref_slice %arg7[%dma_start3A_82] : memref<640xf32, #tpu.memory_space<vmem>> -> memref<632xf32, #tpu.memory_space<vmem>>
      tpu.enqueue_dma source(%dma_start3A_83 : memref<632xf32, #tpu.memory_space<vmem>>) target(%dma_start3A_81 : memref<632xf32, #tpu.memory_space<hbm>>) target_semaphore(%run_scoped3A : memref<!tpu.dma_semaphore, #tpu.memory_space<semaphore_mem>>)
      %dma_wait3A = arith.constant 0 : i32
      %dma_wait3A_84 = tpu.memref_slice %arg7[%dma_wait3A] : memref<640xf32, #tpu.memory_space<vmem>> -> memref<632xf32, #tpu.memory_space<vmem>>
      %dma_wait3A_85 = tpu.memref_slice %arg4[%add3A_78] : memref<20224xf32, #tpu.memory_space<hbm>> -> memref<632xf32, #tpu.memory_space<hbm>>
      %dma_wait3A_86 = tpu.memref_slice %arg4[%add3A_78] : memref<20224xf32, #tpu.memory_space<hbm>> -> memref<632xf32, #tpu.memory_space<hbm>>
      %dma_wait3A_87 = arith.constant 0 : i32
      %dma_wait3A_88 = tpu.memref_slice %arg7[%dma_wait3A_87] : memref<640xf32, #tpu.memory_space<vmem>> -> memref<632xf32, #tpu.memory_space<vmem>>
      tpu.wait_dma2 semaphore(%run_scoped3A : memref<!tpu.dma_semaphore, #tpu.memory_space<semaphore_mem>>) src(%dma_wait3A_88 : memref<632xf32, #tpu.memory_space<vmem>>) dst(%dma_wait3A_86 : memref<632xf32, #tpu.memory_space<hbm>>)
      tpu.yield
    }) : () -> ()
    return
  }
}

#map = affine_map<(d0, d1) -> (0, 0)>
#map1 = affine_map<(d0, d1) -> (0)>
#map2 = affine_map<(d0, d1) -> (0, 0, 0)>
module attributes {stable_mosaic.version = 14 : i64} {
  func.func @_edge_body(%arg0: i32, %arg1: i32, %arg2: memref<2x320000xi32, #tpu.memory_space<hbm>>, %arg3: memref<10000x128xf32, #tpu.memory_space<hbm>>, %arg4: memref<20224xf32, #tpu.memory_space<hbm>>, %arg5: memref<2x10112x128xf32, #tpu.memory_space<hbm>>, %arg6: memref<20224xf32, #tpu.memory_space<hbm>>, %arg7: memref<20224xf32, #tpu.memory_space<vmem>>, %arg8: memref<1x2x128xi32, #tpu.memory_space<vmem>>, %arg9: memref<1x128xf32, #tpu.memory_space<vmem>>, %arg10: memref<1x128x128xf32, #tpu.memory_space<vmem>>, %arg11: memref<640xf32, #tpu.memory_space<vmem>>, %arg12: memref<10112x128xf32, #tpu.memory_space<vmem_shared>>, %arg13: memref<10112xf32, #tpu.memory_space<vmem_shared>>, %arg14: memref<!tpu.dma_semaphore, #tpu.memory_space<semaphore_mem>>) attributes {dimension_semantics = [#tpu.dimension_semantics<core_parallel>, #tpu.dimension_semantics<subcore_parallel>], iteration_bounds = array<i64: 2, 16>, scalar_prefetch = 0 : i64, scratch_operands = 8 : i64, tpu.core_type = #tpu.core_type<sc_vector_subcore>, window_params = [{transform_indices = #map}, {transform_indices = #map}, {transform_indices = #map1}, {transform_indices = #map2}, {transform_indices = #map1}]} {
    %mul3A = arith.constant 2 : i32
    %mul3A_0 = arith.muli %arg1, %mul3A : i32
    %add3A = arith.addi %mul3A_0, %arg0 : i32
    "tpu.region"() ({
      %run_scoped3A_77 = tpu.sem_alloc : memref<!tpu.dma_semaphore, #tpu.memory_space<semaphore_mem>>
      tpu.enqueue_dma source(%arg4 : memref<20224xf32, #tpu.memory_space<hbm>>) target(%arg7 : memref<20224xf32, #tpu.memory_space<vmem>>) target_semaphore(%run_scoped3A_77 : memref<!tpu.dma_semaphore, #tpu.memory_space<semaphore_mem>>)
      tpu.wait_dma2 semaphore(%run_scoped3A_77 : memref<!tpu.dma_semaphore, #tpu.memory_space<semaphore_mem>>) src(%arg4 : memref<20224xf32, #tpu.memory_space<hbm>>) dst(%arg7 : memref<20224xf32, #tpu.memory_space<vmem>>)
      tpu.yield
    }) : () -> ()
    %scan3A = arith.constant 0 : i32
    %scan3A_1 = arith.constant 0 : i32
    %scan3A_2 = arith.constant 40 : i32
    %scan3A_3 = arith.addi %scan3A_1, %scan3A_2 : i32
    %scan3A_4 = arith.constant 1 : i32
    %scan3A_5 = scf.for %scan3A_77 = %scan3A_1 to %scan3A_3 step %scan3A_4 iter_args(%scan3A_78 = %scan3A) -> (i32)  : i32 {
      %broadcast_in_dim3A = arith.constant 0.000000e+00 : f32
      %broadcast_in_dim3A_79 = vector.broadcast %broadcast_in_dim3A : f32 to vector<16xf32>
      %mul3A_80 = arith.constant 16 : i32
      %mul3A_81 = arith.muli %scan3A_77, %mul3A_80 : i32
      %swap3A = arith.index_cast %mul3A_81 : i32 to index
      %swap3A_82 = tpu.vector_load %arg11[%swap3A] {strides = array<i32>} : memref<640xf32, #tpu.memory_space<vmem>>, vector<16xf32>,
      tpu.vector_store %arg11[%swap3A], %broadcast_in_dim3A_79 {strides = array<i32>} : memref<640xf32, #tpu.memory_space<vmem>>, vector<16xf32>,
      %scan3A_83 = arith.constant 0 : i32
      scf.yield %scan3A_83 : i32
    }
    %scan3A_6 = arith.constant 40 : i32
    %scan3A_7 = arith.constant 0 : i32
    %scan3A_8 = arith.constant 0 : i32
    %scan3A_9 = arith.constant 128 : i32
    %scan3A_10 = arith.addi %scan3A_8, %scan3A_9 : i32
    %scan3A_11 = arith.constant 1 : i32
    %scan3A_12 = scf.for %scan3A_77 = %scan3A_8 to %scan3A_10 step %scan3A_11 iter_args(%scan3A_78 = %scan3A_7) -> (i32)  : i32 {
      %broadcast_in_dim3A = arith.constant 0.000000e+00 : f32
      %broadcast_in_dim3A_79 = vector.broadcast %broadcast_in_dim3A : f32 to vector<16xf32>
      %swap3A = arith.constant 0 : i32
      %swap3A_80 = arith.index_cast %swap3A : i32 to index
      %swap3A_81 = arith.index_cast %scan3A_77 : i32 to index
      %swap3A_82 = arith.constant 0 : index
      %swap3A_83 = tpu.vector_load %arg10[%swap3A_80, %swap3A_81, %swap3A_82] {strides = array<i32>} : memref<1x128x128xf32, #tpu.memory_space<vmem>>, vector<16xf32>,
      tpu.vector_store %arg10[%swap3A_80, %swap3A_81, %swap3A_82], %broadcast_in_dim3A_79 {strides = array<i32>} : memref<1x128x128xf32, #tpu.memory_space<vmem>>, vector<16xf32>,
      %broadcast_in_dim3A_84 = arith.constant 0.000000e+00 : f32
      %broadcast_in_dim3A_85 = vector.broadcast %broadcast_in_dim3A_84 : f32 to vector<16xf32>
      %swap3A_86 = arith.constant 0 : i32
      %swap3A_87 = arith.index_cast %swap3A_86 : i32 to index
      %swap3A_88 = arith.index_cast %scan3A_77 : i32 to index
      %swap3A_89 = arith.constant 16 : index
      %swap3A_90 = tpu.vector_load %arg10[%swap3A_87, %swap3A_88, %swap3A_89] {strides = array<i32>} : memref<1x128x128xf32, #tpu.memory_space<vmem>>, vector<16xf32>,
      tpu.vector_store %arg10[%swap3A_87, %swap3A_88, %swap3A_89], %broadcast_in_dim3A_85 {strides = array<i32>} : memref<1x128x128xf32, #tpu.memory_space<vmem>>, vector<16xf32>,
      %broadcast_in_dim3A_91 = arith.constant 0.000000e+00 : f32
      %broadcast_in_dim3A_92 = vector.broadcast %broadcast_in_dim3A_91 : f32 to vector<16xf32>
      %swap3A_93 = arith.constant 0 : i32
      %swap3A_94 = arith.index_cast %swap3A_93 : i32 to index
      %swap3A_95 = arith.index_cast %scan3A_77 : i32 to index
      %swap3A_96 = arith.constant 32 : index
      %swap3A_97 = tpu.vector_load %arg10[%swap3A_94, %swap3A_95, %swap3A_96] {strides = array<i32>} : memref<1x128x128xf32, #tpu.memory_space<vmem>>, vector<16xf32>,
      tpu.vector_store %arg10[%swap3A_94, %swap3A_95, %swap3A_96], %broadcast_in_dim3A_92 {strides = array<i32>} : memref<1x128x128xf32, #tpu.memory_space<vmem>>, vector<16xf32>,
      %broadcast_in_dim3A_98 = arith.constant 0.000000e+00 : f32
      %broadcast_in_dim3A_99 = vector.broadcast %broadcast_in_dim3A_98 : f32 to vector<16xf32>
      %swap3A_100 = arith.constant 0 : i32
      %swap3A_101 = arith.index_cast %swap3A_100 : i32 to index
      %swap3A_102 = arith.index_cast %scan3A_77 : i32 to index
      %swap3A_103 = arith.constant 48 : index
      %swap3A_104 = tpu.vector_load %arg10[%swap3A_101, %swap3A_102, %swap3A_103] {strides = array<i32>} : memref<1x128x128xf32, #tpu.memory_space<vmem>>, vector<16xf32>,
      tpu.vector_store %arg10[%swap3A_101, %swap3A_102, %swap3A_103], %broadcast_in_dim3A_99 {strides = array<i32>} : memref<1x128x128xf32, #tpu.memory_space<vmem>>, vector<16xf32>,
      %broadcast_in_dim3A_105 = arith.constant 0.000000e+00 : f32
      %broadcast_in_dim3A_106 = vector.broadcast %broadcast_in_dim3A_105 : f32 to vector<16xf32>
      %swap3A_107 = arith.constant 0 : i32
      %swap3A_108 = arith.index_cast %swap3A_107 : i32 to index
      %swap3A_109 = arith.index_cast %scan3A_77 : i32 to index
      %swap3A_110 = arith.constant 64 : index
      %swap3A_111 = tpu.vector_load %arg10[%swap3A_108, %swap3A_109, %swap3A_110] {strides = array<i32>} : memref<1x128x128xf32, #tpu.memory_space<vmem>>, vector<16xf32>,
      tpu.vector_store %arg10[%swap3A_108, %swap3A_109, %swap3A_110], %broadcast_in_dim3A_106 {strides = array<i32>} : memref<1x128x128xf32, #tpu.memory_space<vmem>>, vector<16xf32>,
      %broadcast_in_dim3A_112 = arith.constant 0.000000e+00 : f32
      %broadcast_in_dim3A_113 = vector.broadcast %broadcast_in_dim3A_112 : f32 to vector<16xf32>
      %swap3A_114 = arith.constant 0 : i32
      %swap3A_115 = arith.index_cast %swap3A_114 : i32 to index
      %swap3A_116 = arith.index_cast %scan3A_77 : i32 to index
      %swap3A_117 = arith.constant 80 : index
      %swap3A_118 = tpu.vector_load %arg10[%swap3A_115, %swap3A_116, %swap3A_117] {strides = array<i32>} : memref<1x128x128xf32, #tpu.memory_space<vmem>>, vector<16xf32>,
      tpu.vector_store %arg10[%swap3A_115, %swap3A_116, %swap3A_117], %broadcast_in_dim3A_113 {strides = array<i32>} : memref<1x128x128xf32, #tpu.memory_space<vmem>>, vector<16xf32>,
      %broadcast_in_dim3A_119 = arith.constant 0.000000e+00 : f32
      %broadcast_in_dim3A_120 = vector.broadcast %broadcast_in_dim3A_119 : f32 to vector<16xf32>
      %swap3A_121 = arith.constant 0 : i32
      %swap3A_122 = arith.index_cast %swap3A_121 : i32 to index
      %swap3A_123 = arith.index_cast %scan3A_77 : i32 to index
      %swap3A_124 = arith.constant 96 : index
      %swap3A_125 = tpu.vector_load %arg10[%swap3A_122, %swap3A_123, %swap3A_124] {strides = array<i32>} : memref<1x128x128xf32, #tpu.memory_space<vmem>>, vector<16xf32>,
      tpu.vector_store %arg10[%swap3A_122, %swap3A_123, %swap3A_124], %broadcast_in_dim3A_120 {strides = array<i32>} : memref<1x128x128xf32, #tpu.memory_space<vmem>>, vector<16xf32>,
      %broadcast_in_dim3A_126 = arith.constant 0.000000e+00 : f32
      %broadcast_in_dim3A_127 = vector.broadcast %broadcast_in_dim3A_126 : f32 to vector<16xf32>
      %swap3A_128 = arith.constant 0 : i32
      %swap3A_129 = arith.index_cast %swap3A_128 : i32 to index
      %swap3A_130 = arith.index_cast %scan3A_77 : i32 to index
      %swap3A_131 = arith.constant 112 : index
      %swap3A_132 = tpu.vector_load %arg10[%swap3A_129, %swap3A_130, %swap3A_131] {strides = array<i32>} : memref<1x128x128xf32, #tpu.memory_space<vmem>>, vector<16xf32>,
      tpu.vector_store %arg10[%swap3A_129, %swap3A_130, %swap3A_131], %broadcast_in_dim3A_127 {strides = array<i32>} : memref<1x128x128xf32, #tpu.memory_space<vmem>>, vector<16xf32>,
      %scan3A_133 = arith.constant 0 : i32
      scf.yield %scan3A_133 : i32
    }
    %scan3A_13 = arith.constant 128 : i32
    %mul3A_14 = arith.constant 632 : i32
    %mul3A_15 = arith.muli %arg1, %mul3A_14 : i32
    %add3A_16 = arith.constant 0 : i32
    %add3A_17 = arith.addi %mul3A_15, %add3A_16 : i32
    %run_scoped3A = arith.constant 0 : i32
    "tpu.region"() ({
      %run_scoped3A_77 = tpu.sem_alloc : memref<!tpu.dma_semaphore, #tpu.memory_space<semaphore_mem>>
      %dma_start3A = arith.constant 0 : i32
      %dma_start3A_78 = arith.constant 0 : i32
      %dma_start3A_79 = tpu.memref_slice %arg10[%run_scoped3A, %dma_start3A, %dma_start3A_78] : memref<1x128x128xf32, #tpu.memory_space<vmem>> -> memref<1x128x128xf32, #tpu.memory_space<vmem>>
      %dma_start3A_80 = tpu.memref_squeeze %dma_start3A_79 : memref<1x128x128xf32, #tpu.memory_space<vmem>> -> memref<128x128xf32, #tpu.memory_space<vmem>>
      %dma_start3A_81 = arith.constant 0 : i32
      %dma_start3A_82 = tpu.memref_slice %arg12[%add3A_17, %dma_start3A_81] : memref<10112x128xf32, #tpu.memory_space<vmem_shared>> -> memref<128x128xf32, #tpu.memory_space<vmem_shared>>
      %dma_start3A_83 = arith.constant 0 : i32
      %dma_start3A_84 = tpu.memref_slice %arg12[%add3A_17, %dma_start3A_83] : memref<10112x128xf32, #tpu.memory_space<vmem_shared>> -> memref<128x128xf32, #tpu.memory_space<vmem_shared>>
      %dma_start3A_85 = arith.constant 0 : i32
      %dma_start3A_86 = arith.constant 0 : i32
      %dma_start3A_87 = tpu.memref_slice %arg10[%run_scoped3A, %dma_start3A_85, %dma_start3A_86] : memref<1x128x128xf32, #tpu.memory_space<vmem>> -> memref<1x128x128xf32, #tpu.memory_space<vmem>>
      %dma_start3A_88 = tpu.memref_squeeze %dma_start3A_87 : memref<1x128x128xf32, #tpu.memory_space<vmem>> -> memref<128x128xf32, #tpu.memory_space<vmem>>
      tpu.enqueue_dma source(%dma_start3A_88 : memref<128x128xf32, #tpu.memory_space<vmem>>) target(%dma_start3A_84 : memref<128x128xf32, #tpu.memory_space<vmem_shared>>) target_semaphore(%run_scoped3A_77 : memref<!tpu.dma_semaphore, #tpu.memory_space<semaphore_mem>>)
      %dma_wait3A = arith.constant 0 : i32
      %dma_wait3A_89 = arith.constant 0 : i32
      %dma_wait3A_90 = tpu.memref_slice %arg10[%run_scoped3A, %dma_wait3A, %dma_wait3A_89] : memref<1x128x128xf32, #tpu.memory_space<vmem>> -> memref<1x128x128xf32, #tpu.memory_space<vmem>>
      %dma_wait3A_91 = tpu.memref_squeeze %dma_wait3A_90 : memref<1x128x128xf32, #tpu.memory_space<vmem>> -> memref<128x128xf32, #tpu.memory_space<vmem>>
      %dma_wait3A_92 = arith.constant 0 : i32
      %dma_wait3A_93 = tpu.memref_slice %arg12[%add3A_17, %dma_wait3A_92] : memref<10112x128xf32, #tpu.memory_space<vmem_shared>> -> memref<128x128xf32, #tpu.memory_space<vmem_shared>>
      %dma_wait3A_94 = arith.constant 0 : i32
      %dma_wait3A_95 = tpu.memref_slice %arg12[%add3A_17, %dma_wait3A_94] : memref<10112x128xf32, #tpu.memory_space<vmem_shared>> -> memref<128x128xf32, #tpu.memory_space<vmem_shared>>
      %dma_wait3A_96 = arith.constant 0 : i32
      %dma_wait3A_97 = arith.constant 0 : i32
      %dma_wait3A_98 = tpu.memref_slice %arg10[%run_scoped3A, %dma_wait3A_96, %dma_wait3A_97] : memref<1x128x128xf32, #tpu.memory_space<vmem>> -> memref<1x128x128xf32, #tpu.memory_space<vmem>>
      %dma_wait3A_99 = tpu.memref_squeeze %dma_wait3A_98 : memref<1x128x128xf32, #tpu.memory_space<vmem>> -> memref<128x128xf32, #tpu.memory_space<vmem>>
      tpu.wait_dma2 semaphore(%run_scoped3A_77 : memref<!tpu.dma_semaphore, #tpu.memory_space<semaphore_mem>>) src(%dma_wait3A_99 : memref<128x128xf32, #tpu.memory_space<vmem>>) dst(%dma_wait3A_95 : memref<128x128xf32, #tpu.memory_space<vmem_shared>>)
      tpu.yield
    }) : () -> ()
    %add3A_18 = arith.constant 128 : i32
    %add3A_19 = arith.addi %mul3A_15, %add3A_18 : i32
    %run_scoped3A_20 = arith.constant 0 : i32
    "tpu.region"() ({
      %run_scoped3A_77 = tpu.sem_alloc : memref<!tpu.dma_semaphore, #tpu.memory_space<semaphore_mem>>
      %dma_start3A = arith.constant 0 : i32
      %dma_start3A_78 = arith.constant 0 : i32
      %dma_start3A_79 = tpu.memref_slice %arg10[%run_scoped3A_20, %dma_start3A, %dma_start3A_78] : memref<1x128x128xf32, #tpu.memory_space<vmem>> -> memref<1x128x128xf32, #tpu.memory_space<vmem>>
      %dma_start3A_80 = tpu.memref_squeeze %dma_start3A_79 : memref<1x128x128xf32, #tpu.memory_space<vmem>> -> memref<128x128xf32, #tpu.memory_space<vmem>>
      %dma_start3A_81 = arith.constant 0 : i32
      %dma_start3A_82 = tpu.memref_slice %arg12[%add3A_19, %dma_start3A_81] : memref<10112x128xf32, #tpu.memory_space<vmem_shared>> -> memref<128x128xf32, #tpu.memory_space<vmem_shared>>
      %dma_start3A_83 = arith.constant 0 : i32
      %dma_start3A_84 = tpu.memref_slice %arg12[%add3A_19, %dma_start3A_83] : memref<10112x128xf32, #tpu.memory_space<vmem_shared>> -> memref<128x128xf32, #tpu.memory_space<vmem_shared>>
      %dma_start3A_85 = arith.constant 0 : i32
      %dma_start3A_86 = arith.constant 0 : i32
      %dma_start3A_87 = tpu.memref_slice %arg10[%run_scoped3A_20, %dma_start3A_85, %dma_start3A_86] : memref<1x128x128xf32, #tpu.memory_space<vmem>> -> memref<1x128x128xf32, #tpu.memory_space<vmem>>
      %dma_start3A_88 = tpu.memref_squeeze %dma_start3A_87 : memref<1x128x128xf32, #tpu.memory_space<vmem>> -> memref<128x128xf32, #tpu.memory_space<vmem>>
      tpu.enqueue_dma source(%dma_start3A_88 : memref<128x128xf32, #tpu.memory_space<vmem>>) target(%dma_start3A_84 : memref<128x128xf32, #tpu.memory_space<vmem_shared>>) target_semaphore(%run_scoped3A_77 : memref<!tpu.dma_semaphore, #tpu.memory_space<semaphore_mem>>)
      %dma_wait3A = arith.constant 0 : i32
      %dma_wait3A_89 = arith.constant 0 : i32
      %dma_wait3A_90 = tpu.memref_slice %arg10[%run_scoped3A_20, %dma_wait3A, %dma_wait3A_89] : memref<1x128x128xf32, #tpu.memory_space<vmem>> -> memref<1x128x128xf32, #tpu.memory_space<vmem>>
      %dma_wait3A_91 = tpu.memref_squeeze %dma_wait3A_90 : memref<1x128x128xf32, #tpu.memory_space<vmem>> -> memref<128x128xf32, #tpu.memory_space<vmem>>
      %dma_wait3A_92 = arith.constant 0 : i32
      %dma_wait3A_93 = tpu.memref_slice %arg12[%add3A_19, %dma_wait3A_92] : memref<10112x128xf32, #tpu.memory_space<vmem_shared>> -> memref<128x128xf32, #tpu.memory_space<vmem_shared>>
      %dma_wait3A_94 = arith.constant 0 : i32
      %dma_wait3A_95 = tpu.memref_slice %arg12[%add3A_19, %dma_wait3A_94] : memref<10112x128xf32, #tpu.memory_space<vmem_shared>> -> memref<128x128xf32, #tpu.memory_space<vmem_shared>>
      %dma_wait3A_96 = arith.constant 0 : i32
      %dma_wait3A_97 = arith.constant 0 : i32
      %dma_wait3A_98 = tpu.memref_slice %arg10[%run_scoped3A_20, %dma_wait3A_96, %dma_wait3A_97] : memref<1x128x128xf32, #tpu.memory_space<vmem>> -> memref<1x128x128xf32, #tpu.memory_space<vmem>>
      %dma_wait3A_99 = tpu.memref_squeeze %dma_wait3A_98 : memref<1x128x128xf32, #tpu.memory_space<vmem>> -> memref<128x128xf32, #tpu.memory_space<vmem>>
      tpu.wait_dma2 semaphore(%run_scoped3A_77 : memref<!tpu.dma_semaphore, #tpu.memory_space<semaphore_mem>>) src(%dma_wait3A_99 : memref<128x128xf32, #tpu.memory_space<vmem>>) dst(%dma_wait3A_95 : memref<128x128xf32, #tpu.memory_space<vmem_shared>>)
      tpu.yield
    }) : () -> ()
    %add3A_21 = arith.constant 256 : i32
    %add3A_22 = arith.addi %mul3A_15, %add3A_21 : i32
    %run_scoped3A_23 = arith.constant 0 : i32
    "tpu.region"() ({
      %run_scoped3A_77 = tpu.sem_alloc : memref<!tpu.dma_semaphore, #tpu.memory_space<semaphore_mem>>
      %dma_start3A = arith.constant 0 : i32
      %dma_start3A_78 = arith.constant 0 : i32
      %dma_start3A_79 = tpu.memref_slice %arg10[%run_scoped3A_23, %dma_start3A, %dma_start3A_78] : memref<1x128x128xf32, #tpu.memory_space<vmem>> -> memref<1x128x128xf32, #tpu.memory_space<vmem>>
      %dma_start3A_80 = tpu.memref_squeeze %dma_start3A_79 : memref<1x128x128xf32, #tpu.memory_space<vmem>> -> memref<128x128xf32, #tpu.memory_space<vmem>>
      %dma_start3A_81 = arith.constant 0 : i32
      %dma_start3A_82 = tpu.memref_slice %arg12[%add3A_22, %dma_start3A_81] : memref<10112x128xf32, #tpu.memory_space<vmem_shared>> -> memref<128x128xf32, #tpu.memory_space<vmem_shared>>
      %dma_start3A_83 = arith.constant 0 : i32
      %dma_start3A_84 = tpu.memref_slice %arg12[%add3A_22, %dma_start3A_83] : memref<10112x128xf32, #tpu.memory_space<vmem_shared>> -> memref<128x128xf32, #tpu.memory_space<vmem_shared>>
      %dma_start3A_85 = arith.constant 0 : i32
      %dma_start3A_86 = arith.constant 0 : i32
      %dma_start3A_87 = tpu.memref_slice %arg10[%run_scoped3A_23, %dma_start3A_85, %dma_start3A_86] : memref<1x128x128xf32, #tpu.memory_space<vmem>> -> memref<1x128x128xf32, #tpu.memory_space<vmem>>
      %dma_start3A_88 = tpu.memref_squeeze %dma_start3A_87 : memref<1x128x128xf32, #tpu.memory_space<vmem>> -> memref<128x128xf32, #tpu.memory_space<vmem>>
      tpu.enqueue_dma source(%dma_start3A_88 : memref<128x128xf32, #tpu.memory_space<vmem>>) target(%dma_start3A_84 : memref<128x128xf32, #tpu.memory_space<vmem_shared>>) target_semaphore(%run_scoped3A_77 : memref<!tpu.dma_semaphore, #tpu.memory_space<semaphore_mem>>)
      %dma_wait3A = arith.constant 0 : i32
      %dma_wait3A_89 = arith.constant 0 : i32
      %dma_wait3A_90 = tpu.memref_slice %arg10[%run_scoped3A_23, %dma_wait3A, %dma_wait3A_89] : memref<1x128x128xf32, #tpu.memory_space<vmem>> -> memref<1x128x128xf32, #tpu.memory_space<vmem>>
      %dma_wait3A_91 = tpu.memref_squeeze %dma_wait3A_90 : memref<1x128x128xf32, #tpu.memory_space<vmem>> -> memref<128x128xf32, #tpu.memory_space<vmem>>
      %dma_wait3A_92 = arith.constant 0 : i32
      %dma_wait3A_93 = tpu.memref_slice %arg12[%add3A_22, %dma_wait3A_92] : memref<10112x128xf32, #tpu.memory_space<vmem_shared>> -> memref<128x128xf32, #tpu.memory_space<vmem_shared>>
      %dma_wait3A_94 = arith.constant 0 : i32
      %dma_wait3A_95 = tpu.memref_slice %arg12[%add3A_22, %dma_wait3A_94] : memref<10112x128xf32, #tpu.memory_space<vmem_shared>> -> memref<128x128xf32, #tpu.memory_space<vmem_shared>>
      %dma_wait3A_96 = arith.constant 0 : i32
      %dma_wait3A_97 = arith.constant 0 : i32
      %dma_wait3A_98 = tpu.memref_slice %arg10[%run_scoped3A_23, %dma_wait3A_96, %dma_wait3A_97] : memref<1x128x128xf32, #tpu.memory_space<vmem>> -> memref<1x128x128xf32, #tpu.memory_space<vmem>>
      %dma_wait3A_99 = tpu.memref_squeeze %dma_wait3A_98 : memref<1x128x128xf32, #tpu.memory_space<vmem>> -> memref<128x128xf32, #tpu.memory_space<vmem>>
      tpu.wait_dma2 semaphore(%run_scoped3A_77 : memref<!tpu.dma_semaphore, #tpu.memory_space<semaphore_mem>>) src(%dma_wait3A_99 : memref<128x128xf32, #tpu.memory_space<vmem>>) dst(%dma_wait3A_95 : memref<128x128xf32, #tpu.memory_space<vmem_shared>>)
      tpu.yield
    }) : () -> ()
    %add3A_24 = arith.constant 384 : i32
    %add3A_25 = arith.addi %mul3A_15, %add3A_24 : i32
    %run_scoped3A_26 = arith.constant 0 : i32
    "tpu.region"() ({
      %run_scoped3A_77 = tpu.sem_alloc : memref<!tpu.dma_semaphore, #tpu.memory_space<semaphore_mem>>
      %dma_start3A = arith.constant 0 : i32
      %dma_start3A_78 = arith.constant 0 : i32
      %dma_start3A_79 = tpu.memref_slice %arg10[%run_scoped3A_26, %dma_start3A, %dma_start3A_78] : memref<1x128x128xf32, #tpu.memory_space<vmem>> -> memref<1x128x128xf32, #tpu.memory_space<vmem>>
      %dma_start3A_80 = tpu.memref_squeeze %dma_start3A_79 : memref<1x128x128xf32, #tpu.memory_space<vmem>> -> memref<128x128xf32, #tpu.memory_space<vmem>>
      %dma_start3A_81 = arith.constant 0 : i32
      %dma_start3A_82 = tpu.memref_slice %arg12[%add3A_25, %dma_start3A_81] : memref<10112x128xf32, #tpu.memory_space<vmem_shared>> -> memref<128x128xf32, #tpu.memory_space<vmem_shared>>
      %dma_start3A_83 = arith.constant 0 : i32
      %dma_start3A_84 = tpu.memref_slice %arg12[%add3A_25, %dma_start3A_83] : memref<10112x128xf32, #tpu.memory_space<vmem_shared>> -> memref<128x128xf32, #tpu.memory_space<vmem_shared>>
      %dma_start3A_85 = arith.constant 0 : i32
      %dma_start3A_86 = arith.constant 0 : i32
      %dma_start3A_87 = tpu.memref_slice %arg10[%run_scoped3A_26, %dma_start3A_85, %dma_start3A_86] : memref<1x128x128xf32, #tpu.memory_space<vmem>> -> memref<1x128x128xf32, #tpu.memory_space<vmem>>
      %dma_start3A_88 = tpu.memref_squeeze %dma_start3A_87 : memref<1x128x128xf32, #tpu.memory_space<vmem>> -> memref<128x128xf32, #tpu.memory_space<vmem>>
      tpu.enqueue_dma source(%dma_start3A_88 : memref<128x128xf32, #tpu.memory_space<vmem>>) target(%dma_start3A_84 : memref<128x128xf32, #tpu.memory_space<vmem_shared>>) target_semaphore(%run_scoped3A_77 : memref<!tpu.dma_semaphore, #tpu.memory_space<semaphore_mem>>)
      %dma_wait3A = arith.constant 0 : i32
      %dma_wait3A_89 = arith.constant 0 : i32
      %dma_wait3A_90 = tpu.memref_slice %arg10[%run_scoped3A_26, %dma_wait3A, %dma_wait3A_89] : memref<1x128x128xf32, #tpu.memory_space<vmem>> -> memref<1x128x128xf32, #tpu.memory_space<vmem>>
      %dma_wait3A_91 = tpu.memref_squeeze %dma_wait3A_90 : memref<1x128x128xf32, #tpu.memory_space<vmem>> -> memref<128x128xf32, #tpu.memory_space<vmem>>
      %dma_wait3A_92 = arith.constant 0 : i32
      %dma_wait3A_93 = tpu.memref_slice %arg12[%add3A_25, %dma_wait3A_92] : memref<10112x128xf32, #tpu.memory_space<vmem_shared>> -> memref<128x128xf32, #tpu.memory_space<vmem_shared>>
      %dma_wait3A_94 = arith.constant 0 : i32
      %dma_wait3A_95 = tpu.memref_slice %arg12[%add3A_25, %dma_wait3A_94] : memref<10112x128xf32, #tpu.memory_space<vmem_shared>> -> memref<128x128xf32, #tpu.memory_space<vmem_shared>>
      %dma_wait3A_96 = arith.constant 0 : i32
      %dma_wait3A_97 = arith.constant 0 : i32
      %dma_wait3A_98 = tpu.memref_slice %arg10[%run_scoped3A_26, %dma_wait3A_96, %dma_wait3A_97] : memref<1x128x128xf32, #tpu.memory_space<vmem>> -> memref<1x128x128xf32, #tpu.memory_space<vmem>>
      %dma_wait3A_99 = tpu.memref_squeeze %dma_wait3A_98 : memref<1x128x128xf32, #tpu.memory_space<vmem>> -> memref<128x128xf32, #tpu.memory_space<vmem>>
      tpu.wait_dma2 semaphore(%run_scoped3A_77 : memref<!tpu.dma_semaphore, #tpu.memory_space<semaphore_mem>>) src(%dma_wait3A_99 : memref<128x128xf32, #tpu.memory_space<vmem>>) dst(%dma_wait3A_95 : memref<128x128xf32, #tpu.memory_space<vmem_shared>>)
      tpu.yield
    }) : () -> ()
    %add3A_27 = arith.constant 512 : i32
    %add3A_28 = arith.addi %mul3A_15, %add3A_27 : i32
    %run_scoped3A_29 = arith.constant 0 : i32
    "tpu.region"() ({
      %run_scoped3A_77 = tpu.sem_alloc : memref<!tpu.dma_semaphore, #tpu.memory_space<semaphore_mem>>
      %dma_start3A = arith.constant 0 : i32
      %dma_start3A_78 = arith.constant 0 : i32
      %dma_start3A_79 = tpu.memref_slice %arg10[%run_scoped3A_29, %dma_start3A, %dma_start3A_78] : memref<1x128x128xf32, #tpu.memory_space<vmem>> -> memref<1x120x128xf32, #tpu.memory_space<vmem>>
      %dma_start3A_80 = tpu.memref_squeeze %dma_start3A_79 : memref<1x120x128xf32, #tpu.memory_space<vmem>> -> memref<120x128xf32, #tpu.memory_space<vmem>>
      %dma_start3A_81 = arith.constant 0 : i32
      %dma_start3A_82 = tpu.memref_slice %arg12[%add3A_28, %dma_start3A_81] : memref<10112x128xf32, #tpu.memory_space<vmem_shared>> -> memref<120x128xf32, #tpu.memory_space<vmem_shared>>
      %dma_start3A_83 = arith.constant 0 : i32
      %dma_start3A_84 = tpu.memref_slice %arg12[%add3A_28, %dma_start3A_83] : memref<10112x128xf32, #tpu.memory_space<vmem_shared>> -> memref<120x128xf32, #tpu.memory_space<vmem_shared>>
      %dma_start3A_85 = arith.constant 0 : i32
      %dma_start3A_86 = arith.constant 0 : i32
      %dma_start3A_87 = tpu.memref_slice %arg10[%run_scoped3A_29, %dma_start3A_85, %dma_start3A_86] : memref<1x128x128xf32, #tpu.memory_space<vmem>> -> memref<1x120x128xf32, #tpu.memory_space<vmem>>
      %dma_start3A_88 = tpu.memref_squeeze %dma_start3A_87 : memref<1x120x128xf32, #tpu.memory_space<vmem>> -> memref<120x128xf32, #tpu.memory_space<vmem>>
      tpu.enqueue_dma source(%dma_start3A_88 : memref<120x128xf32, #tpu.memory_space<vmem>>) target(%dma_start3A_84 : memref<120x128xf32, #tpu.memory_space<vmem_shared>>) target_semaphore(%run_scoped3A_77 : memref<!tpu.dma_semaphore, #tpu.memory_space<semaphore_mem>>)
      %dma_wait3A = arith.constant 0 : i32
      %dma_wait3A_89 = arith.constant 0 : i32
      %dma_wait3A_90 = tpu.memref_slice %arg10[%run_scoped3A_29, %dma_wait3A, %dma_wait3A_89] : memref<1x128x128xf32, #tpu.memory_space<vmem>> -> memref<1x120x128xf32, #tpu.memory_space<vmem>>
      %dma_wait3A_91 = tpu.memref_squeeze %dma_wait3A_90 : memref<1x120x128xf32, #tpu.memory_space<vmem>> -> memref<120x128xf32, #tpu.memory_space<vmem>>
      %dma_wait3A_92 = arith.constant 0 : i32
      %dma_wait3A_93 = tpu.memref_slice %arg12[%add3A_28, %dma_wait3A_92] : memref<10112x128xf32, #tpu.memory_space<vmem_shared>> -> memref<120x128xf32, #tpu.memory_space<vmem_shared>>
      %dma_wait3A_94 = arith.constant 0 : i32
      %dma_wait3A_95 = tpu.memref_slice %arg12[%add3A_28, %dma_wait3A_94] : memref<10112x128xf32, #tpu.memory_space<vmem_shared>> -> memref<120x128xf32, #tpu.memory_space<vmem_shared>>
      %dma_wait3A_96 = arith.constant 0 : i32
      %dma_wait3A_97 = arith.constant 0 : i32
      %dma_wait3A_98 = tpu.memref_slice %arg10[%run_scoped3A_29, %dma_wait3A_96, %dma_wait3A_97] : memref<1x128x128xf32, #tpu.memory_space<vmem>> -> memref<1x120x128xf32, #tpu.memory_space<vmem>>
      %dma_wait3A_99 = tpu.memref_squeeze %dma_wait3A_98 : memref<1x120x128xf32, #tpu.memory_space<vmem>> -> memref<120x128xf32, #tpu.memory_space<vmem>>
      tpu.wait_dma2 semaphore(%run_scoped3A_77 : memref<!tpu.dma_semaphore, #tpu.memory_space<semaphore_mem>>) src(%dma_wait3A_99 : memref<120x128xf32, #tpu.memory_space<vmem>>) dst(%dma_wait3A_95 : memref<120x128xf32, #tpu.memory_space<vmem_shared>>)
      tpu.yield
    }) : () -> ()
    %mul3A_30 = arith.constant 632 : i32
    %mul3A_31 = arith.muli %arg1, %mul3A_30 : i32
    "tpu.region"() ({
      %run_scoped3A_77 = tpu.sem_alloc : memref<!tpu.dma_semaphore, #tpu.memory_space<semaphore_mem>>
      %dma_start3A = arith.constant 0 : i32
      %dma_start3A_78 = tpu.memref_slice %arg11[%dma_start3A] : memref<640xf32, #tpu.memory_space<vmem>> -> memref<632xf32, #tpu.memory_space<vmem>>
      %dma_start3A_79 = tpu.memref_slice %arg13[%mul3A_31] : memref<10112xf32, #tpu.memory_space<vmem_shared>> -> memref<632xf32, #tpu.memory_space<vmem_shared>>
      %dma_start3A_80 = tpu.memref_slice %arg13[%mul3A_31] : memref<10112xf32, #tpu.memory_space<vmem_shared>> -> memref<632xf32, #tpu.memory_space<vmem_shared>>
      %dma_start3A_81 = arith.constant 0 : i32
      %dma_start3A_82 = tpu.memref_slice %arg11[%dma_start3A_81] : memref<640xf32, #tpu.memory_space<vmem>> -> memref<632xf32, #tpu.memory_space<vmem>>
      tpu.enqueue_dma source(%dma_start3A_82 : memref<632xf32, #tpu.memory_space<vmem>>) target(%dma_start3A_80 : memref<632xf32, #tpu.memory_space<vmem_shared>>) target_semaphore(%run_scoped3A_77 : memref<!tpu.dma_semaphore, #tpu.memory_space<semaphore_mem>>)
      %dma_wait3A = arith.constant 0 : i32
      %dma_wait3A_83 = tpu.memref_slice %arg11[%dma_wait3A] : memref<640xf32, #tpu.memory_space<vmem>> -> memref<632xf32, #tpu.memory_space<vmem>>
      %dma_wait3A_84 = tpu.memref_slice %arg13[%mul3A_31] : memref<10112xf32, #tpu.memory_space<vmem_shared>> -> memref<632xf32, #tpu.memory_space<vmem_shared>>
      %dma_wait3A_85 = tpu.memref_slice %arg13[%mul3A_31] : memref<10112xf32, #tpu.memory_space<vmem_shared>> -> memref<632xf32, #tpu.memory_space<vmem_shared>>
      %dma_wait3A_86 = arith.constant 0 : i32
      %dma_wait3A_87 = tpu.memref_slice %arg11[%dma_wait3A_86] : memref<640xf32, #tpu.memory_space<vmem>> -> memref<632xf32, #tpu.memory_space<vmem>>
      tpu.wait_dma2 semaphore(%run_scoped3A_77 : memref<!tpu.dma_semaphore, #tpu.memory_space<semaphore_mem>>) src(%dma_wait3A_87 : memref<632xf32, #tpu.memory_space<vmem>>) dst(%dma_wait3A_85 : memref<632xf32, #tpu.memory_space<vmem_shared>>)
      tpu.yield
    }) : () -> ()
    %barrier3A = arith.constant 0 : index
    tpu.barrier barrier_id(%barrier3A)
    %scan3A_32 = arith.constant 0 : i32
    %scan3A_33 = arith.constant 0 : i32
    %scan3A_34 = arith.constant 79 : i32
    %scan3A_35 = arith.addi %scan3A_33, %scan3A_34 : i32
    %scan3A_36 = arith.constant 1 : i32
    %scan3A_37 = scf.for %scan3A_77 = %scan3A_33 to %scan3A_35 step %scan3A_36 iter_args(%scan3A_78 = %scan3A_32) -> (i32)  : i32 {
      %mul3A_79 = arith.constant 32 : i32
      %mul3A_80 = arith.muli %scan3A_77, %mul3A_79 : i32
      %add3A_81 = arith.addi %mul3A_80, %add3A : i32
      %lt3A = arith.constant 2500 : i32
      %lt3A_82 = arith.cmpi slt, %add3A_81, %lt3A : i32
      %convert_element_type3A = arith.extui %lt3A_82 : i1 to i32
      %cond3A = arith.constant 0 : i32
      %cond3A_83 = arith.cmpi ne, %convert_element_type3A, %cond3A : i32
      scf.if %cond3A_83 {
        %mul3A_85 = arith.constant 128 : i32
        %mul3A_86 = arith.muli %add3A_81, %mul3A_85 : i32
        %dma_start3A = arith.constant 0 : i32
        %dma_start3A_87 = arith.constant 0 : i32
        %dma_start3A_88 = arith.constant 0 : i32
        %dma_start3A_89 = tpu.memref_slice %arg8[%dma_start3A, %dma_start3A_87, %dma_start3A_88] : memref<1x2x128xi32, #tpu.memory_space<vmem>> -> memref<1x2x128xi32, #tpu.memory_space<vmem>>
        %dma_start3A_90 = tpu.memref_squeeze %dma_start3A_89 : memref<1x2x128xi32, #tpu.memory_space<vmem>> -> memref<2x128xi32, #tpu.memory_space<vmem>>
        %dma_start3A_91 = arith.constant 0 : i32
        %dma_start3A_92 = tpu.memref_slice %arg2[%dma_start3A_91, %mul3A_86] : memref<2x320000xi32, #tpu.memory_space<hbm>> -> memref<2x128xi32, #tpu.memory_space<hbm>>
        %dma_start3A_93 = arith.constant 0 : i32
        %dma_start3A_94 = arith.constant 0 : i32
        %dma_start3A_95 = tpu.memref_slice %arg8[%dma_start3A, %dma_start3A_93, %dma_start3A_94] : memref<1x2x128xi32, #tpu.memory_space<vmem>> -> memref<1x2x128xi32, #tpu.memory_space<vmem>>
        %dma_start3A_96 = tpu.memref_squeeze %dma_start3A_95 : memref<1x2x128xi32, #tpu.memory_space<vmem>> -> memref<2x128xi32, #tpu.memory_space<vmem>>
        %dma_start3A_97 = arith.constant 0 : i32
        %dma_start3A_98 = tpu.memref_slice %arg2[%dma_start3A_97, %mul3A_86] : memref<2x320000xi32, #tpu.memory_space<hbm>> -> memref<2x128xi32, #tpu.memory_space<hbm>>
        tpu.enqueue_dma source(%dma_start3A_98 : memref<2x128xi32, #tpu.memory_space<hbm>>) target(%dma_start3A_96 : memref<2x128xi32, #tpu.memory_space<vmem>>) target_semaphore(%arg14 : memref<!tpu.dma_semaphore, #tpu.memory_space<semaphore_mem>>)
        %dma_wait3A = arith.constant 0 : i32
        %dma_wait3A_99 = arith.constant 0 : i32
        %dma_wait3A_100 = arith.constant 0 : i32
        %dma_wait3A_101 = tpu.memref_slice %arg8[%dma_wait3A, %dma_wait3A_99, %dma_wait3A_100] : memref<1x2x128xi32, #tpu.memory_space<vmem>> -> memref<1x2x128xi32, #tpu.memory_space<vmem>>
        %dma_wait3A_102 = tpu.memref_squeeze %dma_wait3A_101 : memref<1x2x128xi32, #tpu.memory_space<vmem>> -> memref<2x128xi32, #tpu.memory_space<vmem>>
        %dma_wait3A_103 = arith.constant 0 : i32
        %dma_wait3A_104 = tpu.memref_slice %arg2[%dma_wait3A_103, %mul3A_86] : memref<2x320000xi32, #tpu.memory_space<hbm>> -> memref<2x128xi32, #tpu.memory_space<hbm>>
        %dma_wait3A_105 = arith.constant 0 : i32
        %dma_wait3A_106 = arith.constant 0 : i32
        %dma_wait3A_107 = tpu.memref_slice %arg8[%dma_wait3A, %dma_wait3A_105, %dma_wait3A_106] : memref<1x2x128xi32, #tpu.memory_space<vmem>> -> memref<1x2x128xi32, #tpu.memory_space<vmem>>
        %dma_wait3A_108 = tpu.memref_squeeze %dma_wait3A_107 : memref<1x2x128xi32, #tpu.memory_space<vmem>> -> memref<2x128xi32, #tpu.memory_space<vmem>>
        %dma_wait3A_109 = arith.constant 0 : i32
        %dma_wait3A_110 = tpu.memref_slice %arg2[%dma_wait3A_109, %mul3A_86] : memref<2x320000xi32, #tpu.memory_space<hbm>> -> memref<2x128xi32, #tpu.memory_space<hbm>>
        tpu.wait_dma2 semaphore(%arg14 : memref<!tpu.dma_semaphore, #tpu.memory_space<semaphore_mem>>) src(%dma_wait3A_110 : memref<2x128xi32, #tpu.memory_space<hbm>>) dst(%dma_wait3A_108 : memref<2x128xi32, #tpu.memory_space<vmem>>)
        %get3A = arith.constant 0 : i32
        %get3A_111 = arith.constant 0 : i32
        %get3A_112 = arith.index_cast %get3A : i32 to index
        %get3A_113 = arith.index_cast %get3A_111 : i32 to index
        %get3A_114 = arith.constant 0 : index
        %get3A_115 = tpu.vector_load %arg8[%get3A_112, %get3A_113, %get3A_114] {strides = array<i32>} : memref<1x2x128xi32, #tpu.memory_space<vmem>>, vector<16xi32>,
        %get3A_116 = arith.constant 0 : i32
        %get3A_117 = arith.constant 1 : i32
        %get3A_118 = arith.index_cast %get3A_116 : i32 to index
        %get3A_119 = arith.index_cast %get3A_117 : i32 to index
        %get3A_120 = arith.constant 0 : index
        %get3A_121 = tpu.vector_load %arg8[%get3A_118, %get3A_119, %get3A_120] {strides = array<i32>} : memref<1x2x128xi32, #tpu.memory_space<vmem>>, vector<16xi32>,
        %add3A_122 = arith.constant 10112 : i32
        %add3A_123 = vector.broadcast %add3A_122 : i32 to vector<16xi32>
        %add3A_124 = arith.addi %get3A_121, %add3A_123 : vector<16xi32>
        %gather3A = tpu.vector_load_idx %arg7[%get3A_115] : memref<20224xf32, #tpu.memory_space<vmem>>[vector<16xi32>], vector<16xf32>,
        %gather3A_125 = tpu.vector_load_idx %arg7[%add3A_124] : memref<20224xf32, #tpu.memory_space<vmem>>[vector<16xi32>], vector<16xf32>,
        %add3A_126 = arith.addf %gather3A, %gather3A_125 : vector<16xf32>
        %gt3A = arith.constant 0.000000e+00 : f32
        %gt3A_127 = vector.broadcast %gt3A : f32 to vector<16xf32>
        %gt3A_128 = arith.cmpf ogt, %add3A_126, %gt3A_127 : vector<16xf32>
        %mul3A_129 = arith.constant 2.000000e-01 : f32
        %mul3A_130 = vector.broadcast %mul3A_129 : f32 to vector<16xf32>
        %mul3A_131 = arith.mulf %mul3A_130, %add3A_126 : vector<16xf32>
        %select_n3A = arith.select %gt3A_128, %add3A_126, %mul3A_131 : vector<16xi1>, vector<16xf32>
        %exp3A = math.exp %select_n3A : vector<16xf32>
        %swap3A = arith.constant 0 : i32
        %swap3A_132 = arith.index_cast %swap3A : i32 to index
        %swap3A_133 = arith.constant 0 : index
        %swap3A_134 = tpu.vector_load %arg9[%swap3A_132, %swap3A_133] {strides = array<i32>} : memref<1x128xf32, #tpu.memory_space<vmem>>, vector<16xf32>,
        tpu.vector_store %arg9[%swap3A_132, %swap3A_133], %exp3A {strides = array<i32>} : memref<1x128xf32, #tpu.memory_space<vmem>>, vector<16xf32>,
        %get3A_135 = arith.constant 0 : i32
        %get3A_136 = arith.constant 0 : i32
        %get3A_137 = arith.index_cast %get3A_135 : i32 to index
        %get3A_138 = arith.index_cast %get3A_136 : i32 to index
        %get3A_139 = arith.constant 16 : index
        %get3A_140 = tpu.vector_load %arg8[%get3A_137, %get3A_138, %get3A_139] {strides = array<i32>} : memref<1x2x128xi32, #tpu.memory_space<vmem>>, vector<16xi32>,
        %get3A_141 = arith.constant 0 : i32
        %get3A_142 = arith.constant 1 : i32
        %get3A_143 = arith.index_cast %get3A_141 : i32 to index
        %get3A_144 = arith.index_cast %get3A_142 : i32 to index
        %get3A_145 = arith.constant 16 : index
        %get3A_146 = tpu.vector_load %arg8[%get3A_143, %get3A_144, %get3A_145] {strides = array<i32>} : memref<1x2x128xi32, #tpu.memory_space<vmem>>, vector<16xi32>,
        %add3A_147 = arith.constant 10112 : i32
        %add3A_148 = vector.broadcast %add3A_147 : i32 to vector<16xi32>
        %add3A_149 = arith.addi %get3A_146, %add3A_148 : vector<16xi32>
        %gather3A_150 = tpu.vector_load_idx %arg7[%get3A_140] : memref<20224xf32, #tpu.memory_space<vmem>>[vector<16xi32>], vector<16xf32>,
        %gather3A_151 = tpu.vector_load_idx %arg7[%add3A_149] : memref<20224xf32, #tpu.memory_space<vmem>>[vector<16xi32>], vector<16xf32>,
        %add3A_152 = arith.addf %gather3A_150, %gather3A_151 : vector<16xf32>
        %gt3A_153 = arith.constant 0.000000e+00 : f32
        %gt3A_154 = vector.broadcast %gt3A_153 : f32 to vector<16xf32>
        %gt3A_155 = arith.cmpf ogt, %add3A_152, %gt3A_154 : vector<16xf32>
        %mul3A_156 = arith.constant 2.000000e-01 : f32
        %mul3A_157 = vector.broadcast %mul3A_156 : f32 to vector<16xf32>
        %mul3A_158 = arith.mulf %mul3A_157, %add3A_152 : vector<16xf32>
        %select_n3A_159 = arith.select %gt3A_155, %add3A_152, %mul3A_158 : vector<16xi1>, vector<16xf32>
        %exp3A_160 = math.exp %select_n3A_159 : vector<16xf32>
        %swap3A_161 = arith.constant 0 : i32
        %swap3A_162 = arith.index_cast %swap3A_161 : i32 to index
        %swap3A_163 = arith.constant 16 : index
        %swap3A_164 = tpu.vector_load %arg9[%swap3A_162, %swap3A_163] {strides = array<i32>} : memref<1x128xf32, #tpu.memory_space<vmem>>, vector<16xf32>,
        tpu.vector_store %arg9[%swap3A_162, %swap3A_163], %exp3A_160 {strides = array<i32>} : memref<1x128xf32, #tpu.memory_space<vmem>>, vector<16xf32>,
        %get3A_165 = arith.constant 0 : i32
        %get3A_166 = arith.constant 0 : i32
        %get3A_167 = arith.index_cast %get3A_165 : i32 to index
        %get3A_168 = arith.index_cast %get3A_166 : i32 to index
        %get3A_169 = arith.constant 32 : index
        %get3A_170 = tpu.vector_load %arg8[%get3A_167, %get3A_168, %get3A_169] {strides = array<i32>} : memref<1x2x128xi32, #tpu.memory_space<vmem>>, vector<16xi32>,
        %get3A_171 = arith.constant 0 : i32
        %get3A_172 = arith.constant 1 : i32
        %get3A_173 = arith.index_cast %get3A_171 : i32 to index
        %get3A_174 = arith.index_cast %get3A_172 : i32 to index
        %get3A_175 = arith.constant 32 : index
        %get3A_176 = tpu.vector_load %arg8[%get3A_173, %get3A_174, %get3A_175] {strides = array<i32>} : memref<1x2x128xi32, #tpu.memory_space<vmem>>, vector<16xi32>,
        %add3A_177 = arith.constant 10112 : i32
        %add3A_178 = vector.broadcast %add3A_177 : i32 to vector<16xi32>
        %add3A_179 = arith.addi %get3A_176, %add3A_178 : vector<16xi32>
        %gather3A_180 = tpu.vector_load_idx %arg7[%get3A_170] : memref<20224xf32, #tpu.memory_space<vmem>>[vector<16xi32>], vector<16xf32>,
        %gather3A_181 = tpu.vector_load_idx %arg7[%add3A_179] : memref<20224xf32, #tpu.memory_space<vmem>>[vector<16xi32>], vector<16xf32>,
        %add3A_182 = arith.addf %gather3A_180, %gather3A_181 : vector<16xf32>
        %gt3A_183 = arith.constant 0.000000e+00 : f32
        %gt3A_184 = vector.broadcast %gt3A_183 : f32 to vector<16xf32>
        %gt3A_185 = arith.cmpf ogt, %add3A_182, %gt3A_184 : vector<16xf32>
        %mul3A_186 = arith.constant 2.000000e-01 : f32
        %mul3A_187 = vector.broadcast %mul3A_186 : f32 to vector<16xf32>
        %mul3A_188 = arith.mulf %mul3A_187, %add3A_182 : vector<16xf32>
        %select_n3A_189 = arith.select %gt3A_185, %add3A_182, %mul3A_188 : vector<16xi1>, vector<16xf32>
        %exp3A_190 = math.exp %select_n3A_189 : vector<16xf32>
        %swap3A_191 = arith.constant 0 : i32
        %swap3A_192 = arith.index_cast %swap3A_191 : i32 to index
        %swap3A_193 = arith.constant 32 : index
        %swap3A_194 = tpu.vector_load %arg9[%swap3A_192, %swap3A_193] {strides = array<i32>} : memref<1x128xf32, #tpu.memory_space<vmem>>, vector<16xf32>,
        tpu.vector_store %arg9[%swap3A_192, %swap3A_193], %exp3A_190 {strides = array<i32>} : memref<1x128xf32, #tpu.memory_space<vmem>>, vector<16xf32>,
        %get3A_195 = arith.constant 0 : i32
        %get3A_196 = arith.constant 0 : i32
        %get3A_197 = arith.index_cast %get3A_195 : i32 to index
        %get3A_198 = arith.index_cast %get3A_196 : i32 to index
        %get3A_199 = arith.constant 48 : index
        %get3A_200 = tpu.vector_load %arg8[%get3A_197, %get3A_198, %get3A_199] {strides = array<i32>} : memref<1x2x128xi32, #tpu.memory_space<vmem>>, vector<16xi32>,
        %get3A_201 = arith.constant 0 : i32
        %get3A_202 = arith.constant 1 : i32
        %get3A_203 = arith.index_cast %get3A_201 : i32 to index
        %get3A_204 = arith.index_cast %get3A_202 : i32 to index
        %get3A_205 = arith.constant 48 : index
        %get3A_206 = tpu.vector_load %arg8[%get3A_203, %get3A_204, %get3A_205] {strides = array<i32>} : memref<1x2x128xi32, #tpu.memory_space<vmem>>, vector<16xi32>,
        %add3A_207 = arith.constant 10112 : i32
        %add3A_208 = vector.broadcast %add3A_207 : i32 to vector<16xi32>
        %add3A_209 = arith.addi %get3A_206, %add3A_208 : vector<16xi32>
        %gather3A_210 = tpu.vector_load_idx %arg7[%get3A_200] : memref<20224xf32, #tpu.memory_space<vmem>>[vector<16xi32>], vector<16xf32>,
        %gather3A_211 = tpu.vector_load_idx %arg7[%add3A_209] : memref<20224xf32, #tpu.memory_space<vmem>>[vector<16xi32>], vector<16xf32>,
        %add3A_212 = arith.addf %gather3A_210, %gather3A_211 : vector<16xf32>
        %gt3A_213 = arith.constant 0.000000e+00 : f32
        %gt3A_214 = vector.broadcast %gt3A_213 : f32 to vector<16xf32>
        %gt3A_215 = arith.cmpf ogt, %add3A_212, %gt3A_214 : vector<16xf32>
        %mul3A_216 = arith.constant 2.000000e-01 : f32
        %mul3A_217 = vector.broadcast %mul3A_216 : f32 to vector<16xf32>
        %mul3A_218 = arith.mulf %mul3A_217, %add3A_212 : vector<16xf32>
        %select_n3A_219 = arith.select %gt3A_215, %add3A_212, %mul3A_218 : vector<16xi1>, vector<16xf32>
        %exp3A_220 = math.exp %select_n3A_219 : vector<16xf32>
        %swap3A_221 = arith.constant 0 : i32
        %swap3A_222 = arith.index_cast %swap3A_221 : i32 to index
        %swap3A_223 = arith.constant 48 : index
        %swap3A_224 = tpu.vector_load %arg9[%swap3A_222, %swap3A_223] {strides = array<i32>} : memref<1x128xf32, #tpu.memory_space<vmem>>, vector<16xf32>,
        tpu.vector_store %arg9[%swap3A_222, %swap3A_223], %exp3A_220 {strides = array<i32>} : memref<1x128xf32, #tpu.memory_space<vmem>>, vector<16xf32>,
        %get3A_225 = arith.constant 0 : i32
        %get3A_226 = arith.constant 0 : i32
        %get3A_227 = arith.index_cast %get3A_225 : i32 to index
        %get3A_228 = arith.index_cast %get3A_226 : i32 to index
        %get3A_229 = arith.constant 64 : index
        %get3A_230 = tpu.vector_load %arg8[%get3A_227, %get3A_228, %get3A_229] {strides = array<i32>} : memref<1x2x128xi32, #tpu.memory_space<vmem>>, vector<16xi32>,
        %get3A_231 = arith.constant 0 : i32
        %get3A_232 = arith.constant 1 : i32
        %get3A_233 = arith.index_cast %get3A_231 : i32 to index
        %get3A_234 = arith.index_cast %get3A_232 : i32 to index
        %get3A_235 = arith.constant 64 : index
        %get3A_236 = tpu.vector_load %arg8[%get3A_233, %get3A_234, %get3A_235] {strides = array<i32>} : memref<1x2x128xi32, #tpu.memory_space<vmem>>, vector<16xi32>,
        %add3A_237 = arith.constant 10112 : i32
        %add3A_238 = vector.broadcast %add3A_237 : i32 to vector<16xi32>
        %add3A_239 = arith.addi %get3A_236, %add3A_238 : vector<16xi32>
        %gather3A_240 = tpu.vector_load_idx %arg7[%get3A_230] : memref<20224xf32, #tpu.memory_space<vmem>>[vector<16xi32>], vector<16xf32>,
        %gather3A_241 = tpu.vector_load_idx %arg7[%add3A_239] : memref<20224xf32, #tpu.memory_space<vmem>>[vector<16xi32>], vector<16xf32>,
        %add3A_242 = arith.addf %gather3A_240, %gather3A_241 : vector<16xf32>
        %gt3A_243 = arith.constant 0.000000e+00 : f32
        %gt3A_244 = vector.broadcast %gt3A_243 : f32 to vector<16xf32>
        %gt3A_245 = arith.cmpf ogt, %add3A_242, %gt3A_244 : vector<16xf32>
        %mul3A_246 = arith.constant 2.000000e-01 : f32
        %mul3A_247 = vector.broadcast %mul3A_246 : f32 to vector<16xf32>
        %mul3A_248 = arith.mulf %mul3A_247, %add3A_242 : vector<16xf32>
        %select_n3A_249 = arith.select %gt3A_245, %add3A_242, %mul3A_248 : vector<16xi1>, vector<16xf32>
        %exp3A_250 = math.exp %select_n3A_249 : vector<16xf32>
        %swap3A_251 = arith.constant 0 : i32
        %swap3A_252 = arith.index_cast %swap3A_251 : i32 to index
        %swap3A_253 = arith.constant 64 : index
        %swap3A_254 = tpu.vector_load %arg9[%swap3A_252, %swap3A_253] {strides = array<i32>} : memref<1x128xf32, #tpu.memory_space<vmem>>, vector<16xf32>,
        tpu.vector_store %arg9[%swap3A_252, %swap3A_253], %exp3A_250 {strides = array<i32>} : memref<1x128xf32, #tpu.memory_space<vmem>>, vector<16xf32>,
        %get3A_255 = arith.constant 0 : i32
        %get3A_256 = arith.constant 0 : i32
        %get3A_257 = arith.index_cast %get3A_255 : i32 to index
        %get3A_258 = arith.index_cast %get3A_256 : i32 to index
        %get3A_259 = arith.constant 80 : index
        %get3A_260 = tpu.vector_load %arg8[%get3A_257, %get3A_258, %get3A_259] {strides = array<i32>} : memref<1x2x128xi32, #tpu.memory_space<vmem>>, vector<16xi32>,
        %get3A_261 = arith.constant 0 : i32
        %get3A_262 = arith.constant 1 : i32
        %get3A_263 = arith.index_cast %get3A_261 : i32 to index
        %get3A_264 = arith.index_cast %get3A_262 : i32 to index
        %get3A_265 = arith.constant 80 : index
        %get3A_266 = tpu.vector_load %arg8[%get3A_263, %get3A_264, %get3A_265] {strides = array<i32>} : memref<1x2x128xi32, #tpu.memory_space<vmem>>, vector<16xi32>,
        %add3A_267 = arith.constant 10112 : i32
        %add3A_268 = vector.broadcast %add3A_267 : i32 to vector<16xi32>
        %add3A_269 = arith.addi %get3A_266, %add3A_268 : vector<16xi32>
        %gather3A_270 = tpu.vector_load_idx %arg7[%get3A_260] : memref<20224xf32, #tpu.memory_space<vmem>>[vector<16xi32>], vector<16xf32>,
        %gather3A_271 = tpu.vector_load_idx %arg7[%add3A_269] : memref<20224xf32, #tpu.memory_space<vmem>>[vector<16xi32>], vector<16xf32>,
        %add3A_272 = arith.addf %gather3A_270, %gather3A_271 : vector<16xf32>
        %gt3A_273 = arith.constant 0.000000e+00 : f32
        %gt3A_274 = vector.broadcast %gt3A_273 : f32 to vector<16xf32>
        %gt3A_275 = arith.cmpf ogt, %add3A_272, %gt3A_274 : vector<16xf32>
        %mul3A_276 = arith.constant 2.000000e-01 : f32
        %mul3A_277 = vector.broadcast %mul3A_276 : f32 to vector<16xf32>
        %mul3A_278 = arith.mulf %mul3A_277, %add3A_272 : vector<16xf32>
        %select_n3A_279 = arith.select %gt3A_275, %add3A_272, %mul3A_278 : vector<16xi1>, vector<16xf32>
        %exp3A_280 = math.exp %select_n3A_279 : vector<16xf32>
        %swap3A_281 = arith.constant 0 : i32
        %swap3A_282 = arith.index_cast %swap3A_281 : i32 to index
        %swap3A_283 = arith.constant 80 : index
        %swap3A_284 = tpu.vector_load %arg9[%swap3A_282, %swap3A_283] {strides = array<i32>} : memref<1x128xf32, #tpu.memory_space<vmem>>, vector<16xf32>,
        tpu.vector_store %arg9[%swap3A_282, %swap3A_283], %exp3A_280 {strides = array<i32>} : memref<1x128xf32, #tpu.memory_space<vmem>>, vector<16xf32>,
        %get3A_285 = arith.constant 0 : i32
        %get3A_286 = arith.constant 0 : i32
        %get3A_287 = arith.index_cast %get3A_285 : i32 to index
        %get3A_288 = arith.index_cast %get3A_286 : i32 to index
        %get3A_289 = arith.constant 96 : index
        %get3A_290 = tpu.vector_load %arg8[%get3A_287, %get3A_288, %get3A_289] {strides = array<i32>} : memref<1x2x128xi32, #tpu.memory_space<vmem>>, vector<16xi32>,
        %get3A_291 = arith.constant 0 : i32
        %get3A_292 = arith.constant 1 : i32
        %get3A_293 = arith.index_cast %get3A_291 : i32 to index
        %get3A_294 = arith.index_cast %get3A_292 : i32 to index
        %get3A_295 = arith.constant 96 : index
        %get3A_296 = tpu.vector_load %arg8[%get3A_293, %get3A_294, %get3A_295] {strides = array<i32>} : memref<1x2x128xi32, #tpu.memory_space<vmem>>, vector<16xi32>,
        %add3A_297 = arith.constant 10112 : i32
        %add3A_298 = vector.broadcast %add3A_297 : i32 to vector<16xi32>
        %add3A_299 = arith.addi %get3A_296, %add3A_298 : vector<16xi32>
        %gather3A_300 = tpu.vector_load_idx %arg7[%get3A_290] : memref<20224xf32, #tpu.memory_space<vmem>>[vector<16xi32>], vector<16xf32>,
        %gather3A_301 = tpu.vector_load_idx %arg7[%add3A_299] : memref<20224xf32, #tpu.memory_space<vmem>>[vector<16xi32>], vector<16xf32>,
        %add3A_302 = arith.addf %gather3A_300, %gather3A_301 : vector<16xf32>
        %gt3A_303 = arith.constant 0.000000e+00 : f32
        %gt3A_304 = vector.broadcast %gt3A_303 : f32 to vector<16xf32>
        %gt3A_305 = arith.cmpf ogt, %add3A_302, %gt3A_304 : vector<16xf32>
        %mul3A_306 = arith.constant 2.000000e-01 : f32
        %mul3A_307 = vector.broadcast %mul3A_306 : f32 to vector<16xf32>
        %mul3A_308 = arith.mulf %mul3A_307, %add3A_302 : vector<16xf32>
        %select_n3A_309 = arith.select %gt3A_305, %add3A_302, %mul3A_308 : vector<16xi1>, vector<16xf32>
        %exp3A_310 = math.exp %select_n3A_309 : vector<16xf32>
        %swap3A_311 = arith.constant 0 : i32
        %swap3A_312 = arith.index_cast %swap3A_311 : i32 to index
        %swap3A_313 = arith.constant 96 : index
        %swap3A_314 = tpu.vector_load %arg9[%swap3A_312, %swap3A_313] {strides = array<i32>} : memref<1x128xf32, #tpu.memory_space<vmem>>, vector<16xf32>,
        tpu.vector_store %arg9[%swap3A_312, %swap3A_313], %exp3A_310 {strides = array<i32>} : memref<1x128xf32, #tpu.memory_space<vmem>>, vector<16xf32>,
        %get3A_315 = arith.constant 0 : i32
        %get3A_316 = arith.constant 0 : i32
        %get3A_317 = arith.index_cast %get3A_315 : i32 to index
        %get3A_318 = arith.index_cast %get3A_316 : i32 to index
        %get3A_319 = arith.constant 112 : index
        %get3A_320 = tpu.vector_load %arg8[%get3A_317, %get3A_318, %get3A_319] {strides = array<i32>} : memref<1x2x128xi32, #tpu.memory_space<vmem>>, vector<16xi32>,
        %get3A_321 = arith.constant 0 : i32
        %get3A_322 = arith.constant 1 : i32
        %get3A_323 = arith.index_cast %get3A_321 : i32 to index
        %get3A_324 = arith.index_cast %get3A_322 : i32 to index
        %get3A_325 = arith.constant 112 : index
        %get3A_326 = tpu.vector_load %arg8[%get3A_323, %get3A_324, %get3A_325] {strides = array<i32>} : memref<1x2x128xi32, #tpu.memory_space<vmem>>, vector<16xi32>,
        %add3A_327 = arith.constant 10112 : i32
        %add3A_328 = vector.broadcast %add3A_327 : i32 to vector<16xi32>
        %add3A_329 = arith.addi %get3A_326, %add3A_328 : vector<16xi32>
        %gather3A_330 = tpu.vector_load_idx %arg7[%get3A_320] : memref<20224xf32, #tpu.memory_space<vmem>>[vector<16xi32>], vector<16xf32>,
        %gather3A_331 = tpu.vector_load_idx %arg7[%add3A_329] : memref<20224xf32, #tpu.memory_space<vmem>>[vector<16xi32>], vector<16xf32>,
        %add3A_332 = arith.addf %gather3A_330, %gather3A_331 : vector<16xf32>
        %gt3A_333 = arith.constant 0.000000e+00 : f32
        %gt3A_334 = vector.broadcast %gt3A_333 : f32 to vector<16xf32>
        %gt3A_335 = arith.cmpf ogt, %add3A_332, %gt3A_334 : vector<16xf32>
        %mul3A_336 = arith.constant 2.000000e-01 : f32
        %mul3A_337 = vector.broadcast %mul3A_336 : f32 to vector<16xf32>
        %mul3A_338 = arith.mulf %mul3A_337, %add3A_332 : vector<16xf32>
        %select_n3A_339 = arith.select %gt3A_335, %add3A_332, %mul3A_338 : vector<16xi1>, vector<16xf32>
        %exp3A_340 = math.exp %select_n3A_339 : vector<16xf32>
        %swap3A_341 = arith.constant 0 : i32
        %swap3A_342 = arith.index_cast %swap3A_341 : i32 to index
        %swap3A_343 = arith.constant 112 : index
        %swap3A_344 = tpu.vector_load %arg9[%swap3A_342, %swap3A_343] {strides = array<i32>} : memref<1x128xf32, #tpu.memory_space<vmem>>, vector<16xf32>,
        tpu.vector_store %arg9[%swap3A_342, %swap3A_343], %exp3A_340 {strides = array<i32>} : memref<1x128xf32, #tpu.memory_space<vmem>>, vector<16xf32>,
        %dma_start3A_345 = arith.constant 0 : i32
        %dma_start3A_346 = arith.constant 0 : i32
        %dma_start3A_347 = arith.constant 0 : i32
        %dma_start3A_348 = arith.constant 0 : i32
        %dma_start3A_349 = arith.constant 0 : i32
        %dma_start3A_350 = tpu.memref_slice %arg10[%dma_start3A_347, %dma_start3A_348, %dma_start3A_349] : memref<1x128x128xf32, #tpu.memory_space<vmem>> -> memref<1x128x128xf32, #tpu.memory_space<vmem>>
        %dma_start3A_351 = tpu.memref_squeeze %dma_start3A_350 : memref<1x128x128xf32, #tpu.memory_space<vmem>> -> memref<128x128xf32, #tpu.memory_space<vmem>>
        %dma_start3A_352 = arith.constant 0 : i32
        %dma_start3A_353 = tpu.memref_slice %arg8[%dma_start3A_345, %dma_start3A_346, %dma_start3A_352] : memref<1x2x128xi32, #tpu.memory_space<vmem>> -> memref<1x1x128xi32, #tpu.memory_space<vmem>>
        %dma_start3A_354 = tpu.memref_squeeze %dma_start3A_353 : memref<1x1x128xi32, #tpu.memory_space<vmem>> -> memref<128xi32, #tpu.memory_space<vmem>>
        %dma_start3A_355 = arith.constant 0 : i32
        %dma_start3A_356 = arith.constant 0 : i32
        %dma_start3A_357 = tpu.memref_slice %arg3[%dma_start3A_355, %dma_start3A_356] : memref<10000x128xf32, #tpu.memory_space<hbm>> -> memref<10000x128xf32, #tpu.memory_space<hbm>>
        tpu.enqueue_indirect_dma source(%dma_start3A_357 : memref<10000x128xf32, #tpu.memory_space<hbm>>) target(%dma_start3A_351 : memref<128x128xf32, #tpu.memory_space<vmem>>) offsets(%dma_start3A_354 : memref<128xi32, #tpu.memory_space<vmem>>) semaphore(%arg14 : memref<!tpu.dma_semaphore, #tpu.memory_space<semaphore_mem>>)
        %dma_wait3A_358 = arith.constant 0 : i32
        %dma_wait3A_359 = arith.constant 0 : i32
        %dma_wait3A_360 = arith.constant 0 : i32
        %dma_wait3A_361 = arith.constant 0 : i32
        %dma_wait3A_362 = arith.constant 0 : i32
        %dma_wait3A_363 = tpu.memref_slice %arg10[%dma_wait3A_360, %dma_wait3A_361, %dma_wait3A_362] : memref<1x128x128xf32, #tpu.memory_space<vmem>> -> memref<1x128x128xf32, #tpu.memory_space<vmem>>
        %dma_wait3A_364 = tpu.memref_squeeze %dma_wait3A_363 : memref<1x128x128xf32, #tpu.memory_space<vmem>> -> memref<128x128xf32, #tpu.memory_space<vmem>>
        %dma_wait3A_365 = arith.constant 0 : i32
        %dma_wait3A_366 = tpu.memref_slice %arg8[%dma_wait3A_358, %dma_wait3A_359, %dma_wait3A_365] : memref<1x2x128xi32, #tpu.memory_space<vmem>> -> memref<1x1x128xi32, #tpu.memory_space<vmem>>
        %dma_wait3A_367 = tpu.memref_squeeze %dma_wait3A_366 : memref<1x1x128xi32, #tpu.memory_space<vmem>> -> memref<128xi32, #tpu.memory_space<vmem>>
        %dma_wait3A_368 = arith.constant 0 : i32
        %dma_wait3A_369 = arith.constant 0 : i32
        %dma_wait3A_370 = tpu.memref_slice %arg3[%dma_wait3A_368, %dma_wait3A_369] : memref<10000x128xf32, #tpu.memory_space<hbm>> -> memref<10000x128xf32, #tpu.memory_space<hbm>>
        tpu.wait_indirect_dma semaphore(%arg14 : memref<!tpu.dma_semaphore, #tpu.memory_space<semaphore_mem>>) src(%dma_wait3A_370 : memref<10000x128xf32, #tpu.memory_space<hbm>>) dst(%dma_wait3A_364 : memref<128x128xf32, #tpu.memory_space<vmem>>)
        %scan3A_371 = arith.constant 0 : i32
        %scan3A_372 = arith.constant 0 : i32
        %scan3A_373 = arith.constant 128 : i32
        %scan3A_374 = arith.addi %scan3A_372, %scan3A_373 : i32
        %scan3A_375 = arith.constant 1 : i32
        %scan3A_376 = scf.for %scan3A_384 = %scan3A_372 to %scan3A_374 step %scan3A_375 iter_args(%scan3A_385 = %scan3A_371) -> (i32)  : i32 {
          %broadcast_in_dim3A = arith.constant 0 : i32
          %broadcast_in_dim3A_386 = vector.broadcast %broadcast_in_dim3A : i32 to vector<16xi32>
          %add3A_387 = vector.broadcast %scan3A_384 : i32 to vector<16xi32>
          %add3A_388 = arith.addi %broadcast_in_dim3A_386, %add3A_387 : vector<16xi32>
          %gather3A_389 = arith.constant 0 : i32
          %gather3A_390 = arith.constant 0 : i32
          %gather3A_391 = tpu.memref_slice %arg9[%gather3A_389, %gather3A_390] : memref<1x128xf32, #tpu.memory_space<vmem>> -> memref<1x128xf32, #tpu.memory_space<vmem>>
          %gather3A_392 = tpu.memref_squeeze %gather3A_391 : memref<1x128xf32, #tpu.memory_space<vmem>> -> memref<128xf32, #tpu.memory_space<vmem>>
          %gather3A_393 = tpu.vector_load_idx %gather3A_392[%add3A_388] : memref<128xf32, #tpu.memory_space<vmem>>[vector<16xi32>], vector<16xf32>,
          %get3A_394 = arith.constant 0 : i32
          %get3A_395 = arith.index_cast %get3A_394 : i32 to index
          %get3A_396 = arith.index_cast %scan3A_384 : i32 to index
          %get3A_397 = arith.constant 0 : index
          %get3A_398 = tpu.vector_load %arg10[%get3A_395, %get3A_396, %get3A_397] {strides = array<i32>} : memref<1x128x128xf32, #tpu.memory_space<vmem>>, vector<16xf32>,
          %mul3A_399 = arith.mulf %get3A_398, %gather3A_393 : vector<16xf32>
          %swap3A_400 = arith.constant 0 : i32
          %swap3A_401 = arith.index_cast %swap3A_400 : i32 to index
          %swap3A_402 = arith.index_cast %scan3A_384 : i32 to index
          %swap3A_403 = arith.constant 0 : index
          %swap3A_404 = tpu.vector_load %arg10[%swap3A_401, %swap3A_402, %swap3A_403] {strides = array<i32>} : memref<1x128x128xf32, #tpu.memory_space<vmem>>, vector<16xf32>,
          tpu.vector_store %arg10[%swap3A_401, %swap3A_402, %swap3A_403], %mul3A_399 {strides = array<i32>} : memref<1x128x128xf32, #tpu.memory_space<vmem>>, vector<16xf32>,
          %get3A_405 = arith.constant 0 : i32
          %get3A_406 = arith.index_cast %get3A_405 : i32 to index
          %get3A_407 = arith.index_cast %scan3A_384 : i32 to index
          %get3A_408 = arith.constant 16 : index
          %get3A_409 = tpu.vector_load %arg10[%get3A_406, %get3A_407, %get3A_408] {strides = array<i32>} : memref<1x128x128xf32, #tpu.memory_space<vmem>>, vector<16xf32>,
          %mul3A_410 = arith.mulf %get3A_409, %gather3A_393 : vector<16xf32>
          %swap3A_411 = arith.constant 0 : i32
          %swap3A_412 = arith.index_cast %swap3A_411 : i32 to index
          %swap3A_413 = arith.index_cast %scan3A_384 : i32 to index
          %swap3A_414 = arith.constant 16 : index
          %swap3A_415 = tpu.vector_load %arg10[%swap3A_412, %swap3A_413, %swap3A_414] {strides = array<i32>} : memref<1x128x128xf32, #tpu.memory_space<vmem>>, vector<16xf32>,
          tpu.vector_store %arg10[%swap3A_412, %swap3A_413, %swap3A_414], %mul3A_410 {strides = array<i32>} : memref<1x128x128xf32, #tpu.memory_space<vmem>>, vector<16xf32>,
          %get3A_416 = arith.constant 0 : i32
          %get3A_417 = arith.index_cast %get3A_416 : i32 to index
          %get3A_418 = arith.index_cast %scan3A_384 : i32 to index
          %get3A_419 = arith.constant 32 : index
          %get3A_420 = tpu.vector_load %arg10[%get3A_417, %get3A_418, %get3A_419] {strides = array<i32>} : memref<1x128x128xf32, #tpu.memory_space<vmem>>, vector<16xf32>,
          %mul3A_421 = arith.mulf %get3A_420, %gather3A_393 : vector<16xf32>
          %swap3A_422 = arith.constant 0 : i32
          %swap3A_423 = arith.index_cast %swap3A_422 : i32 to index
          %swap3A_424 = arith.index_cast %scan3A_384 : i32 to index
          %swap3A_425 = arith.constant 32 : index
          %swap3A_426 = tpu.vector_load %arg10[%swap3A_423, %swap3A_424, %swap3A_425] {strides = array<i32>} : memref<1x128x128xf32, #tpu.memory_space<vmem>>, vector<16xf32>,
          tpu.vector_store %arg10[%swap3A_423, %swap3A_424, %swap3A_425], %mul3A_421 {strides = array<i32>} : memref<1x128x128xf32, #tpu.memory_space<vmem>>, vector<16xf32>,
          %get3A_427 = arith.constant 0 : i32
          %get3A_428 = arith.index_cast %get3A_427 : i32 to index
          %get3A_429 = arith.index_cast %scan3A_384 : i32 to index
          %get3A_430 = arith.constant 48 : index
          %get3A_431 = tpu.vector_load %arg10[%get3A_428, %get3A_429, %get3A_430] {strides = array<i32>} : memref<1x128x128xf32, #tpu.memory_space<vmem>>, vector<16xf32>,
          %mul3A_432 = arith.mulf %get3A_431, %gather3A_393 : vector<16xf32>
          %swap3A_433 = arith.constant 0 : i32
          %swap3A_434 = arith.index_cast %swap3A_433 : i32 to index
          %swap3A_435 = arith.index_cast %scan3A_384 : i32 to index
          %swap3A_436 = arith.constant 48 : index
          %swap3A_437 = tpu.vector_load %arg10[%swap3A_434, %swap3A_435, %swap3A_436] {strides = array<i32>} : memref<1x128x128xf32, #tpu.memory_space<vmem>>, vector<16xf32>,
          tpu.vector_store %arg10[%swap3A_434, %swap3A_435, %swap3A_436], %mul3A_432 {strides = array<i32>} : memref<1x128x128xf32, #tpu.memory_space<vmem>>, vector<16xf32>,
          %get3A_438 = arith.constant 0 : i32
          %get3A_439 = arith.index_cast %get3A_438 : i32 to index
          %get3A_440 = arith.index_cast %scan3A_384 : i32 to index
          %get3A_441 = arith.constant 64 : index
          %get3A_442 = tpu.vector_load %arg10[%get3A_439, %get3A_440, %get3A_441] {strides = array<i32>} : memref<1x128x128xf32, #tpu.memory_space<vmem>>, vector<16xf32>,
          %mul3A_443 = arith.mulf %get3A_442, %gather3A_393 : vector<16xf32>
          %swap3A_444 = arith.constant 0 : i32
          %swap3A_445 = arith.index_cast %swap3A_444 : i32 to index
          %swap3A_446 = arith.index_cast %scan3A_384 : i32 to index
          %swap3A_447 = arith.constant 64 : index
          %swap3A_448 = tpu.vector_load %arg10[%swap3A_445, %swap3A_446, %swap3A_447] {strides = array<i32>} : memref<1x128x128xf32, #tpu.memory_space<vmem>>, vector<16xf32>,
          tpu.vector_store %arg10[%swap3A_445, %swap3A_446, %swap3A_447], %mul3A_443 {strides = array<i32>} : memref<1x128x128xf32, #tpu.memory_space<vmem>>, vector<16xf32>,
          %get3A_449 = arith.constant 0 : i32
          %get3A_450 = arith.index_cast %get3A_449 : i32 to index
          %get3A_451 = arith.index_cast %scan3A_384 : i32 to index
          %get3A_452 = arith.constant 80 : index
          %get3A_453 = tpu.vector_load %arg10[%get3A_450, %get3A_451, %get3A_452] {strides = array<i32>} : memref<1x128x128xf32, #tpu.memory_space<vmem>>, vector<16xf32>,
          %mul3A_454 = arith.mulf %get3A_453, %gather3A_393 : vector<16xf32>
          %swap3A_455 = arith.constant 0 : i32
          %swap3A_456 = arith.index_cast %swap3A_455 : i32 to index
          %swap3A_457 = arith.index_cast %scan3A_384 : i32 to index
          %swap3A_458 = arith.constant 80 : index
          %swap3A_459 = tpu.vector_load %arg10[%swap3A_456, %swap3A_457, %swap3A_458] {strides = array<i32>} : memref<1x128x128xf32, #tpu.memory_space<vmem>>, vector<16xf32>,
          tpu.vector_store %arg10[%swap3A_456, %swap3A_457, %swap3A_458], %mul3A_454 {strides = array<i32>} : memref<1x128x128xf32, #tpu.memory_space<vmem>>, vector<16xf32>,
          %get3A_460 = arith.constant 0 : i32
          %get3A_461 = arith.index_cast %get3A_460 : i32 to index
          %get3A_462 = arith.index_cast %scan3A_384 : i32 to index
          %get3A_463 = arith.constant 96 : index
          %get3A_464 = tpu.vector_load %arg10[%get3A_461, %get3A_462, %get3A_463] {strides = array<i32>} : memref<1x128x128xf32, #tpu.memory_space<vmem>>, vector<16xf32>,
          %mul3A_465 = arith.mulf %get3A_464, %gather3A_393 : vector<16xf32>
          %swap3A_466 = arith.constant 0 : i32
          %swap3A_467 = arith.index_cast %swap3A_466 : i32 to index
          %swap3A_468 = arith.index_cast %scan3A_384 : i32 to index
          %swap3A_469 = arith.constant 96 : index
          %swap3A_470 = tpu.vector_load %arg10[%swap3A_467, %swap3A_468, %swap3A_469] {strides = array<i32>} : memref<1x128x128xf32, #tpu.memory_space<vmem>>, vector<16xf32>,
          tpu.vector_store %arg10[%swap3A_467, %swap3A_468, %swap3A_469], %mul3A_465 {strides = array<i32>} : memref<1x128x128xf32, #tpu.memory_space<vmem>>, vector<16xf32>,
          %get3A_471 = arith.constant 0 : i32
          %get3A_472 = arith.index_cast %get3A_471 : i32 to index
          %get3A_473 = arith.index_cast %scan3A_384 : i32 to index
          %get3A_474 = arith.constant 112 : index
          %get3A_475 = tpu.vector_load %arg10[%get3A_472, %get3A_473, %get3A_474] {strides = array<i32>} : memref<1x128x128xf32, #tpu.memory_space<vmem>>, vector<16xf32>,
          %mul3A_476 = arith.mulf %get3A_475, %gather3A_393 : vector<16xf32>
          %swap3A_477 = arith.constant 0 : i32
          %swap3A_478 = arith.index_cast %swap3A_477 : i32 to index
          %swap3A_479 = arith.index_cast %scan3A_384 : i32 to index
          %swap3A_480 = arith.constant 112 : index
          %swap3A_481 = tpu.vector_load %arg10[%swap3A_478, %swap3A_479, %swap3A_480] {strides = array<i32>} : memref<1x128x128xf32, #tpu.memory_space<vmem>>, vector<16xf32>,
          tpu.vector_store %arg10[%swap3A_478, %swap3A_479, %swap3A_480], %mul3A_476 {strides = array<i32>} : memref<1x128x128xf32, #tpu.memory_space<vmem>>, vector<16xf32>,
          %scan3A_482 = arith.constant 0 : i32
          scf.yield %scan3A_482 : i32
        }
        %scan3A_377 = arith.constant 128 : i32
        %run_scoped3A_378 = arith.constant 0 : i32
        %run_scoped3A_379 = arith.constant 0 : i32
        %run_scoped3A_380 = arith.constant 1 : i32
        "tpu.region"() ({
          %run_scoped3A_384 = tpu.sem_alloc : memref<!tpu.dma_semaphore, #tpu.memory_space<semaphore_mem>>
          %dma_start3A_385 = arith.constant 0 : i32
          %dma_start3A_386 = arith.constant 0 : i32
          %dma_start3A_387 = tpu.memref_slice %arg10[%run_scoped3A_378, %dma_start3A_385, %dma_start3A_386] : memref<1x128x128xf32, #tpu.memory_space<vmem>> -> memref<1x128x128xf32, #tpu.memory_space<vmem>>
          %dma_start3A_388 = tpu.memref_squeeze %dma_start3A_387 : memref<1x128x128xf32, #tpu.memory_space<vmem>> -> memref<128x128xf32, #tpu.memory_space<vmem>>
          %dma_start3A_389 = arith.constant 0 : i32
          %dma_start3A_390 = tpu.memref_slice %arg8[%run_scoped3A_379, %run_scoped3A_380, %dma_start3A_389] : memref<1x2x128xi32, #tpu.memory_space<vmem>> -> memref<1x1x128xi32, #tpu.memory_space<vmem>>
          %dma_start3A_391 = tpu.memref_squeeze %dma_start3A_390 : memref<1x1x128xi32, #tpu.memory_space<vmem>> -> memref<128xi32, #tpu.memory_space<vmem>>
          %dma_start3A_392 = arith.constant 0 : i32
          %dma_start3A_393 = arith.constant 0 : i32
          %dma_start3A_394 = tpu.memref_slice %arg12[%dma_start3A_392, %dma_start3A_393] : memref<10112x128xf32, #tpu.memory_space<vmem_shared>> -> memref<10112x128xf32, #tpu.memory_space<vmem_shared>>
          tpu.enqueue_indirect_dma source(%dma_start3A_388 : memref<128x128xf32, #tpu.memory_space<vmem>>) target(%dma_start3A_394 : memref<10112x128xf32, #tpu.memory_space<vmem_shared>>) offsets(%dma_start3A_391 : memref<128xi32, #tpu.memory_space<vmem>>) semaphore(%run_scoped3A_384 : memref<!tpu.dma_semaphore, #tpu.memory_space<semaphore_mem>>) {add = true}
          %dma_wait3A_395 = arith.constant 0 : i32
          %dma_wait3A_396 = arith.constant 0 : i32
          %dma_wait3A_397 = tpu.memref_slice %arg10[%run_scoped3A_378, %dma_wait3A_395, %dma_wait3A_396] : memref<1x128x128xf32, #tpu.memory_space<vmem>> -> memref<1x128x128xf32, #tpu.memory_space<vmem>>
          %dma_wait3A_398 = tpu.memref_squeeze %dma_wait3A_397 : memref<1x128x128xf32, #tpu.memory_space<vmem>> -> memref<128x128xf32, #tpu.memory_space<vmem>>
          %dma_wait3A_399 = arith.constant 0 : i32
          %dma_wait3A_400 = tpu.memref_slice %arg8[%run_scoped3A_379, %run_scoped3A_380, %dma_wait3A_399] : memref<1x2x128xi32, #tpu.memory_space<vmem>> -> memref<1x1x128xi32, #tpu.memory_space<vmem>>
          %dma_wait3A_401 = tpu.memref_squeeze %dma_wait3A_400 : memref<1x1x128xi32, #tpu.memory_space<vmem>> -> memref<128xi32, #tpu.memory_space<vmem>>
          %dma_wait3A_402 = arith.constant 0 : i32
          %dma_wait3A_403 = arith.constant 0 : i32
          %dma_wait3A_404 = tpu.memref_slice %arg12[%dma_wait3A_402, %dma_wait3A_403] : memref<10112x128xf32, #tpu.memory_space<vmem_shared>> -> memref<10112x128xf32, #tpu.memory_space<vmem_shared>>
          tpu.wait_indirect_dma semaphore(%run_scoped3A_384 : memref<!tpu.dma_semaphore, #tpu.memory_space<semaphore_mem>>) src(%dma_wait3A_398 : memref<128x128xf32, #tpu.memory_space<vmem>>) dst(%dma_wait3A_404 : memref<10112x128xf32, #tpu.memory_space<vmem_shared>>)
          tpu.yield
        }) : () -> ()
        %run_scoped3A_381 = arith.constant 0 : i32
        %run_scoped3A_382 = arith.constant 0 : i32
        %run_scoped3A_383 = arith.constant 1 : i32
        "tpu.region"() ({
          %run_scoped3A_384 = tpu.sem_alloc : memref<!tpu.dma_semaphore, #tpu.memory_space<semaphore_mem>>
          %dma_start3A_385 = arith.constant 0 : i32
          %dma_start3A_386 = tpu.memref_slice %arg9[%run_scoped3A_381, %dma_start3A_385] : memref<1x128xf32, #tpu.memory_space<vmem>> -> memref<1x128xf32, #tpu.memory_space<vmem>>
          %dma_start3A_387 = tpu.memref_squeeze %dma_start3A_386 : memref<1x128xf32, #tpu.memory_space<vmem>> -> memref<128xf32, #tpu.memory_space<vmem>>
          %dma_start3A_388 = arith.constant 0 : i32
          %dma_start3A_389 = tpu.memref_slice %arg8[%run_scoped3A_382, %run_scoped3A_383, %dma_start3A_388] : memref<1x2x128xi32, #tpu.memory_space<vmem>> -> memref<1x1x128xi32, #tpu.memory_space<vmem>>
          %dma_start3A_390 = tpu.memref_squeeze %dma_start3A_389 : memref<1x1x128xi32, #tpu.memory_space<vmem>> -> memref<128xi32, #tpu.memory_space<vmem>>
          %dma_start3A_391 = arith.constant 0 : i32
          %dma_start3A_392 = tpu.memref_slice %arg13[%dma_start3A_391] : memref<10112xf32, #tpu.memory_space<vmem_shared>> -> memref<10112xf32, #tpu.memory_space<vmem_shared>>
          tpu.enqueue_indirect_dma source(%dma_start3A_387 : memref<128xf32, #tpu.memory_space<vmem>>) target(%dma_start3A_392 : memref<10112xf32, #tpu.memory_space<vmem_shared>>) offsets(%dma_start3A_390 : memref<128xi32, #tpu.memory_space<vmem>>) semaphore(%run_scoped3A_384 : memref<!tpu.dma_semaphore, #tpu.memory_space<semaphore_mem>>) {add = true}
          %dma_wait3A_393 = arith.constant 0 : i32
          %dma_wait3A_394 = tpu.memref_slice %arg9[%run_scoped3A_381, %dma_wait3A_393] : memref<1x128xf32, #tpu.memory_space<vmem>> -> memref<1x128xf32, #tpu.memory_space<vmem>>
          %dma_wait3A_395 = tpu.memref_squeeze %dma_wait3A_394 : memref<1x128xf32, #tpu.memory_space<vmem>> -> memref<128xf32, #tpu.memory_space<vmem>>
          %dma_wait3A_396 = arith.constant 0 : i32
          %dma_wait3A_397 = tpu.memref_slice %arg8[%run_scoped3A_382, %run_scoped3A_383, %dma_wait3A_396] : memref<1x2x128xi32, #tpu.memory_space<vmem>> -> memref<1x1x128xi32, #tpu.memory_space<vmem>>
          %dma_wait3A_398 = tpu.memref_squeeze %dma_wait3A_397 : memref<1x1x128xi32, #tpu.memory_space<vmem>> -> memref<128xi32, #tpu.memory_space<vmem>>
          %dma_wait3A_399 = arith.constant 0 : i32
          %dma_wait3A_400 = tpu.memref_slice %arg13[%dma_wait3A_399] : memref<10112xf32, #tpu.memory_space<vmem_shared>> -> memref<10112xf32, #tpu.memory_space<vmem_shared>>
          tpu.wait_indirect_dma semaphore(%run_scoped3A_384 : memref<!tpu.dma_semaphore, #tpu.memory_space<semaphore_mem>>) src(%dma_wait3A_395 : memref<128xf32, #tpu.memory_space<vmem>>) dst(%dma_wait3A_400 : memref<10112xf32, #tpu.memory_space<vmem_shared>>)
          tpu.yield
        }) : () -> ()
      } else {
      }
      %scan3A_84 = arith.constant 0 : i32
      scf.yield %scan3A_84 : i32
    }
    %scan3A_38 = arith.constant 79 : i32
    %barrier3A_39 = arith.constant 0 : index
    tpu.barrier barrier_id(%barrier3A_39)
    %add3A_40 = arith.constant 0 : i32
    %add3A_41 = arith.addi %mul3A_15, %add3A_40 : i32
    %run_scoped3A_42 = arith.constant 0 : i32
    "tpu.region"() ({
      %run_scoped3A_77 = tpu.sem_alloc : memref<!tpu.dma_semaphore, #tpu.memory_space<semaphore_mem>>
      %dma_start3A = arith.constant 0 : i32
      %dma_start3A_78 = arith.constant 0 : i32
      %dma_start3A_79 = tpu.memref_slice %arg10[%run_scoped3A_42, %dma_start3A, %dma_start3A_78] : memref<1x128x128xf32, #tpu.memory_space<vmem>> -> memref<1x128x128xf32, #tpu.memory_space<vmem>>
      %dma_start3A_80 = tpu.memref_squeeze %dma_start3A_79 : memref<1x128x128xf32, #tpu.memory_space<vmem>> -> memref<128x128xf32, #tpu.memory_space<vmem>>
      %dma_start3A_81 = arith.constant 0 : i32
      %dma_start3A_82 = tpu.memref_slice %arg12[%add3A_41, %dma_start3A_81] : memref<10112x128xf32, #tpu.memory_space<vmem_shared>> -> memref<128x128xf32, #tpu.memory_space<vmem_shared>>
      %dma_start3A_83 = arith.constant 0 : i32
      %dma_start3A_84 = arith.constant 0 : i32
      %dma_start3A_85 = tpu.memref_slice %arg10[%run_scoped3A_42, %dma_start3A_83, %dma_start3A_84] : memref<1x128x128xf32, #tpu.memory_space<vmem>> -> memref<1x128x128xf32, #tpu.memory_space<vmem>>
      %dma_start3A_86 = tpu.memref_squeeze %dma_start3A_85 : memref<1x128x128xf32, #tpu.memory_space<vmem>> -> memref<128x128xf32, #tpu.memory_space<vmem>>
      %dma_start3A_87 = arith.constant 0 : i32
      %dma_start3A_88 = tpu.memref_slice %arg12[%add3A_41, %dma_start3A_87] : memref<10112x128xf32, #tpu.memory_space<vmem_shared>> -> memref<128x128xf32, #tpu.memory_space<vmem_shared>>
      tpu.enqueue_dma source(%dma_start3A_88 : memref<128x128xf32, #tpu.memory_space<vmem_shared>>) target(%dma_start3A_86 : memref<128x128xf32, #tpu.memory_space<vmem>>) target_semaphore(%run_scoped3A_77 : memref<!tpu.dma_semaphore, #tpu.memory_space<semaphore_mem>>)
      %dma_wait3A = arith.constant 0 : i32
      %dma_wait3A_89 = arith.constant 0 : i32
      %dma_wait3A_90 = tpu.memref_slice %arg10[%run_scoped3A_42, %dma_wait3A, %dma_wait3A_89] : memref<1x128x128xf32, #tpu.memory_space<vmem>> -> memref<1x128x128xf32, #tpu.memory_space<vmem>>
      %dma_wait3A_91 = tpu.memref_squeeze %dma_wait3A_90 : memref<1x128x128xf32, #tpu.memory_space<vmem>> -> memref<128x128xf32, #tpu.memory_space<vmem>>
      %dma_wait3A_92 = arith.constant 0 : i32
      %dma_wait3A_93 = tpu.memref_slice %arg12[%add3A_41, %dma_wait3A_92] : memref<10112x128xf32, #tpu.memory_space<vmem_shared>> -> memref<128x128xf32, #tpu.memory_space<vmem_shared>>
      %dma_wait3A_94 = arith.constant 0 : i32
      %dma_wait3A_95 = arith.constant 0 : i32
      %dma_wait3A_96 = tpu.memref_slice %arg10[%run_scoped3A_42, %dma_wait3A_94, %dma_wait3A_95] : memref<1x128x128xf32, #tpu.memory_space<vmem>> -> memref<1x128x128xf32, #tpu.memory_space<vmem>>
      %dma_wait3A_97 = tpu.memref_squeeze %dma_wait3A_96 : memref<1x128x128xf32, #tpu.memory_space<vmem>> -> memref<128x128xf32, #tpu.memory_space<vmem>>
      %dma_wait3A_98 = arith.constant 0 : i32
      %dma_wait3A_99 = tpu.memref_slice %arg12[%add3A_41, %dma_wait3A_98] : memref<10112x128xf32, #tpu.memory_space<vmem_shared>> -> memref<128x128xf32, #tpu.memory_space<vmem_shared>>
      tpu.wait_dma2 semaphore(%run_scoped3A_77 : memref<!tpu.dma_semaphore, #tpu.memory_space<semaphore_mem>>) src(%dma_wait3A_99 : memref<128x128xf32, #tpu.memory_space<vmem_shared>>) dst(%dma_wait3A_97 : memref<128x128xf32, #tpu.memory_space<vmem>>)
      tpu.yield
    }) : () -> ()
    %add3A_43 = arith.constant 0 : i32
    %add3A_44 = arith.addi %mul3A_15, %add3A_43 : i32
    %run_scoped3A_45 = arith.constant 0 : i32
    "tpu.region"() ({
      %run_scoped3A_77 = tpu.sem_alloc : memref<!tpu.dma_semaphore, #tpu.memory_space<semaphore_mem>>
      %dma_start3A = arith.constant 0 : i32
      %dma_start3A_78 = arith.constant 0 : i32
      %dma_start3A_79 = tpu.memref_slice %arg10[%run_scoped3A_45, %dma_start3A, %dma_start3A_78] : memref<1x128x128xf32, #tpu.memory_space<vmem>> -> memref<1x128x128xf32, #tpu.memory_space<vmem>>
      %dma_start3A_80 = tpu.memref_squeeze %dma_start3A_79 : memref<1x128x128xf32, #tpu.memory_space<vmem>> -> memref<128x128xf32, #tpu.memory_space<vmem>>
      %dma_start3A_81 = arith.constant 0 : i32
      %dma_start3A_82 = tpu.memref_slice %arg5[%arg0, %add3A_44, %dma_start3A_81] : memref<2x10112x128xf32, #tpu.memory_space<hbm>> -> memref<1x128x128xf32, #tpu.memory_space<hbm>>
      %dma_start3A_83 = tpu.memref_squeeze %dma_start3A_82 : memref<1x128x128xf32, #tpu.memory_space<hbm>> -> memref<128x128xf32, #tpu.memory_space<hbm>>
      %dma_start3A_84 = arith.constant 0 : i32
      %dma_start3A_85 = tpu.memref_slice %arg5[%arg0, %add3A_44, %dma_start3A_84] : memref<2x10112x128xf32, #tpu.memory_space<hbm>> -> memref<1x128x128xf32, #tpu.memory_space<hbm>>
      %dma_start3A_86 = tpu.memref_squeeze %dma_start3A_85 : memref<1x128x128xf32, #tpu.memory_space<hbm>> -> memref<128x128xf32, #tpu.memory_space<hbm>>
      %dma_start3A_87 = arith.constant 0 : i32
      %dma_start3A_88 = arith.constant 0 : i32
      %dma_start3A_89 = tpu.memref_slice %arg10[%run_scoped3A_45, %dma_start3A_87, %dma_start3A_88] : memref<1x128x128xf32, #tpu.memory_space<vmem>> -> memref<1x128x128xf32, #tpu.memory_space<vmem>>
      %dma_start3A_90 = tpu.memref_squeeze %dma_start3A_89 : memref<1x128x128xf32, #tpu.memory_space<vmem>> -> memref<128x128xf32, #tpu.memory_space<vmem>>
      tpu.enqueue_dma source(%dma_start3A_90 : memref<128x128xf32, #tpu.memory_space<vmem>>) target(%dma_start3A_86 : memref<128x128xf32, #tpu.memory_space<hbm>>) target_semaphore(%run_scoped3A_77 : memref<!tpu.dma_semaphore, #tpu.memory_space<semaphore_mem>>)
      %dma_wait3A = arith.constant 0 : i32
      %dma_wait3A_91 = arith.constant 0 : i32
      %dma_wait3A_92 = tpu.memref_slice %arg10[%run_scoped3A_45, %dma_wait3A, %dma_wait3A_91] : memref<1x128x128xf32, #tpu.memory_space<vmem>> -> memref<1x128x128xf32, #tpu.memory_space<vmem>>
      %dma_wait3A_93 = tpu.memref_squeeze %dma_wait3A_92 : memref<1x128x128xf32, #tpu.memory_space<vmem>> -> memref<128x128xf32, #tpu.memory_space<vmem>>
      %dma_wait3A_94 = arith.constant 0 : i32
      %dma_wait3A_95 = tpu.memref_slice %arg5[%arg0, %add3A_44, %dma_wait3A_94] : memref<2x10112x128xf32, #tpu.memory_space<hbm>> -> memref<1x128x128xf32, #tpu.memory_space<hbm>>
      %dma_wait3A_96 = tpu.memref_squeeze %dma_wait3A_95 : memref<1x128x128xf32, #tpu.memory_space<hbm>> -> memref<128x128xf32, #tpu.memory_space<hbm>>
      %dma_wait3A_97 = arith.constant 0 : i32
      %dma_wait3A_98 = tpu.memref_slice %arg5[%arg0, %add3A_44, %dma_wait3A_97] : memref<2x10112x128xf32, #tpu.memory_space<hbm>> -> memref<1x128x128xf32, #tpu.memory_space<hbm>>
      %dma_wait3A_99 = tpu.memref_squeeze %dma_wait3A_98 : memref<1x128x128xf32, #tpu.memory_space<hbm>> -> memref<128x128xf32, #tpu.memory_space<hbm>>
      %dma_wait3A_100 = arith.constant 0 : i32
      %dma_wait3A_101 = arith.constant 0 : i32
      %dma_wait3A_102 = tpu.memref_slice %arg10[%run_scoped3A_45, %dma_wait3A_100, %dma_wait3A_101] : memref<1x128x128xf32, #tpu.memory_space<vmem>> -> memref<1x128x128xf32, #tpu.memory_space<vmem>>
      %dma_wait3A_103 = tpu.memref_squeeze %dma_wait3A_102 : memref<1x128x128xf32, #tpu.memory_space<vmem>> -> memref<128x128xf32, #tpu.memory_space<vmem>>
      tpu.wait_dma2 semaphore(%run_scoped3A_77 : memref<!tpu.dma_semaphore, #tpu.memory_space<semaphore_mem>>) src(%dma_wait3A_103 : memref<128x128xf32, #tpu.memory_space<vmem>>) dst(%dma_wait3A_99 : memref<128x128xf32, #tpu.memory_space<hbm>>)
      tpu.yield
    }) : () -> ()
    %add3A_46 = arith.constant 128 : i32
    %add3A_47 = arith.addi %mul3A_15, %add3A_46 : i32
    %run_scoped3A_48 = arith.constant 0 : i32
    "tpu.region"() ({
      %run_scoped3A_77 = tpu.sem_alloc : memref<!tpu.dma_semaphore, #tpu.memory_space<semaphore_mem>>
      %dma_start3A = arith.constant 0 : i32
      %dma_start3A_78 = arith.constant 0 : i32
      %dma_start3A_79 = tpu.memref_slice %arg10[%run_scoped3A_48, %dma_start3A, %dma_start3A_78] : memref<1x128x128xf32, #tpu.memory_space<vmem>> -> memref<1x128x128xf32, #tpu.memory_space<vmem>>
      %dma_start3A_80 = tpu.memref_squeeze %dma_start3A_79 : memref<1x128x128xf32, #tpu.memory_space<vmem>> -> memref<128x128xf32, #tpu.memory_space<vmem>>
      %dma_start3A_81 = arith.constant 0 : i32
      %dma_start3A_82 = tpu.memref_slice %arg12[%add3A_47, %dma_start3A_81] : memref<10112x128xf32, #tpu.memory_space<vmem_shared>> -> memref<128x128xf32, #tpu.memory_space<vmem_shared>>
      %dma_start3A_83 = arith.constant 0 : i32
      %dma_start3A_84 = arith.constant 0 : i32
      %dma_start3A_85 = tpu.memref_slice %arg10[%run_scoped3A_48, %dma_start3A_83, %dma_start3A_84] : memref<1x128x128xf32, #tpu.memory_space<vmem>> -> memref<1x128x128xf32, #tpu.memory_space<vmem>>
      %dma_start3A_86 = tpu.memref_squeeze %dma_start3A_85 : memref<1x128x128xf32, #tpu.memory_space<vmem>> -> memref<128x128xf32, #tpu.memory_space<vmem>>
      %dma_start3A_87 = arith.constant 0 : i32
      %dma_start3A_88 = tpu.memref_slice %arg12[%add3A_47, %dma_start3A_87] : memref<10112x128xf32, #tpu.memory_space<vmem_shared>> -> memref<128x128xf32, #tpu.memory_space<vmem_shared>>
      tpu.enqueue_dma source(%dma_start3A_88 : memref<128x128xf32, #tpu.memory_space<vmem_shared>>) target(%dma_start3A_86 : memref<128x128xf32, #tpu.memory_space<vmem>>) target_semaphore(%run_scoped3A_77 : memref<!tpu.dma_semaphore, #tpu.memory_space<semaphore_mem>>)
      %dma_wait3A = arith.constant 0 : i32
      %dma_wait3A_89 = arith.constant 0 : i32
      %dma_wait3A_90 = tpu.memref_slice %arg10[%run_scoped3A_48, %dma_wait3A, %dma_wait3A_89] : memref<1x128x128xf32, #tpu.memory_space<vmem>> -> memref<1x128x128xf32, #tpu.memory_space<vmem>>
      %dma_wait3A_91 = tpu.memref_squeeze %dma_wait3A_90 : memref<1x128x128xf32, #tpu.memory_space<vmem>> -> memref<128x128xf32, #tpu.memory_space<vmem>>
      %dma_wait3A_92 = arith.constant 0 : i32
      %dma_wait3A_93 = tpu.memref_slice %arg12[%add3A_47, %dma_wait3A_92] : memref<10112x128xf32, #tpu.memory_space<vmem_shared>> -> memref<128x128xf32, #tpu.memory_space<vmem_shared>>
      %dma_wait3A_94 = arith.constant 0 : i32
      %dma_wait3A_95 = arith.constant 0 : i32
      %dma_wait3A_96 = tpu.memref_slice %arg10[%run_scoped3A_48, %dma_wait3A_94, %dma_wait3A_95] : memref<1x128x128xf32, #tpu.memory_space<vmem>> -> memref<1x128x128xf32, #tpu.memory_space<vmem>>
      %dma_wait3A_97 = tpu.memref_squeeze %dma_wait3A_96 : memref<1x128x128xf32, #tpu.memory_space<vmem>> -> memref<128x128xf32, #tpu.memory_space<vmem>>
      %dma_wait3A_98 = arith.constant 0 : i32
      %dma_wait3A_99 = tpu.memref_slice %arg12[%add3A_47, %dma_wait3A_98] : memref<10112x128xf32, #tpu.memory_space<vmem_shared>> -> memref<128x128xf32, #tpu.memory_space<vmem_shared>>
      tpu.wait_dma2 semaphore(%run_scoped3A_77 : memref<!tpu.dma_semaphore, #tpu.memory_space<semaphore_mem>>) src(%dma_wait3A_99 : memref<128x128xf32, #tpu.memory_space<vmem_shared>>) dst(%dma_wait3A_97 : memref<128x128xf32, #tpu.memory_space<vmem>>)
      tpu.yield
    }) : () -> ()
    %add3A_49 = arith.constant 128 : i32
    %add3A_50 = arith.addi %mul3A_15, %add3A_49 : i32
    %run_scoped3A_51 = arith.constant 0 : i32
    "tpu.region"() ({
      %run_scoped3A_77 = tpu.sem_alloc : memref<!tpu.dma_semaphore, #tpu.memory_space<semaphore_mem>>
      %dma_start3A = arith.constant 0 : i32
      %dma_start3A_78 = arith.constant 0 : i32
      %dma_start3A_79 = tpu.memref_slice %arg10[%run_scoped3A_51, %dma_start3A, %dma_start3A_78] : memref<1x128x128xf32, #tpu.memory_space<vmem>> -> memref<1x128x128xf32, #tpu.memory_space<vmem>>
      %dma_start3A_80 = tpu.memref_squeeze %dma_start3A_79 : memref<1x128x128xf32, #tpu.memory_space<vmem>> -> memref<128x128xf32, #tpu.memory_space<vmem>>
      %dma_start3A_81 = arith.constant 0 : i32
      %dma_start3A_82 = tpu.memref_slice %arg5[%arg0, %add3A_50, %dma_start3A_81] : memref<2x10112x128xf32, #tpu.memory_space<hbm>> -> memref<1x128x128xf32, #tpu.memory_space<hbm>>
      %dma_start3A_83 = tpu.memref_squeeze %dma_start3A_82 : memref<1x128x128xf32, #tpu.memory_space<hbm>> -> memref<128x128xf32, #tpu.memory_space<hbm>>
      %dma_start3A_84 = arith.constant 0 : i32
      %dma_start3A_85 = tpu.memref_slice %arg5[%arg0, %add3A_50, %dma_start3A_84] : memref<2x10112x128xf32, #tpu.memory_space<hbm>> -> memref<1x128x128xf32, #tpu.memory_space<hbm>>
      %dma_start3A_86 = tpu.memref_squeeze %dma_start3A_85 : memref<1x128x128xf32, #tpu.memory_space<hbm>> -> memref<128x128xf32, #tpu.memory_space<hbm>>
      %dma_start3A_87 = arith.constant 0 : i32
      %dma_start3A_88 = arith.constant 0 : i32
      %dma_start3A_89 = tpu.memref_slice %arg10[%run_scoped3A_51, %dma_start3A_87, %dma_start3A_88] : memref<1x128x128xf32, #tpu.memory_space<vmem>> -> memref<1x128x128xf32, #tpu.memory_space<vmem>>
      %dma_start3A_90 = tpu.memref_squeeze %dma_start3A_89 : memref<1x128x128xf32, #tpu.memory_space<vmem>> -> memref<128x128xf32, #tpu.memory_space<vmem>>
      tpu.enqueue_dma source(%dma_start3A_90 : memref<128x128xf32, #tpu.memory_space<vmem>>) target(%dma_start3A_86 : memref<128x128xf32, #tpu.memory_space<hbm>>) target_semaphore(%run_scoped3A_77 : memref<!tpu.dma_semaphore, #tpu.memory_space<semaphore_mem>>)
      %dma_wait3A = arith.constant 0 : i32
      %dma_wait3A_91 = arith.constant 0 : i32
      %dma_wait3A_92 = tpu.memref_slice %arg10[%run_scoped3A_51, %dma_wait3A, %dma_wait3A_91] : memref<1x128x128xf32, #tpu.memory_space<vmem>> -> memref<1x128x128xf32, #tpu.memory_space<vmem>>
      %dma_wait3A_93 = tpu.memref_squeeze %dma_wait3A_92 : memref<1x128x128xf32, #tpu.memory_space<vmem>> -> memref<128x128xf32, #tpu.memory_space<vmem>>
      %dma_wait3A_94 = arith.constant 0 : i32
      %dma_wait3A_95 = tpu.memref_slice %arg5[%arg0, %add3A_50, %dma_wait3A_94] : memref<2x10112x128xf32, #tpu.memory_space<hbm>> -> memref<1x128x128xf32, #tpu.memory_space<hbm>>
      %dma_wait3A_96 = tpu.memref_squeeze %dma_wait3A_95 : memref<1x128x128xf32, #tpu.memory_space<hbm>> -> memref<128x128xf32, #tpu.memory_space<hbm>>
      %dma_wait3A_97 = arith.constant 0 : i32
      %dma_wait3A_98 = tpu.memref_slice %arg5[%arg0, %add3A_50, %dma_wait3A_97] : memref<2x10112x128xf32, #tpu.memory_space<hbm>> -> memref<1x128x128xf32, #tpu.memory_space<hbm>>
      %dma_wait3A_99 = tpu.memref_squeeze %dma_wait3A_98 : memref<1x128x128xf32, #tpu.memory_space<hbm>> -> memref<128x128xf32, #tpu.memory_space<hbm>>
      %dma_wait3A_100 = arith.constant 0 : i32
      %dma_wait3A_101 = arith.constant 0 : i32
      %dma_wait3A_102 = tpu.memref_slice %arg10[%run_scoped3A_51, %dma_wait3A_100, %dma_wait3A_101] : memref<1x128x128xf32, #tpu.memory_space<vmem>> -> memref<1x128x128xf32, #tpu.memory_space<vmem>>
      %dma_wait3A_103 = tpu.memref_squeeze %dma_wait3A_102 : memref<1x128x128xf32, #tpu.memory_space<vmem>> -> memref<128x128xf32, #tpu.memory_space<vmem>>
      tpu.wait_dma2 semaphore(%run_scoped3A_77 : memref<!tpu.dma_semaphore, #tpu.memory_space<semaphore_mem>>) src(%dma_wait3A_103 : memref<128x128xf32, #tpu.memory_space<vmem>>) dst(%dma_wait3A_99 : memref<128x128xf32, #tpu.memory_space<hbm>>)
      tpu.yield
    }) : () -> ()
    %add3A_52 = arith.constant 256 : i32
    %add3A_53 = arith.addi %mul3A_15, %add3A_52 : i32
    %run_scoped3A_54 = arith.constant 0 : i32
    "tpu.region"() ({
      %run_scoped3A_77 = tpu.sem_alloc : memref<!tpu.dma_semaphore, #tpu.memory_space<semaphore_mem>>
      %dma_start3A = arith.constant 0 : i32
      %dma_start3A_78 = arith.constant 0 : i32
      %dma_start3A_79 = tpu.memref_slice %arg10[%run_scoped3A_54, %dma_start3A, %dma_start3A_78] : memref<1x128x128xf32, #tpu.memory_space<vmem>> -> memref<1x128x128xf32, #tpu.memory_space<vmem>>
      %dma_start3A_80 = tpu.memref_squeeze %dma_start3A_79 : memref<1x128x128xf32, #tpu.memory_space<vmem>> -> memref<128x128xf32, #tpu.memory_space<vmem>>
      %dma_start3A_81 = arith.constant 0 : i32
      %dma_start3A_82 = tpu.memref_slice %arg12[%add3A_53, %dma_start3A_81] : memref<10112x128xf32, #tpu.memory_space<vmem_shared>> -> memref<128x128xf32, #tpu.memory_space<vmem_shared>>
      %dma_start3A_83 = arith.constant 0 : i32
      %dma_start3A_84 = arith.constant 0 : i32
      %dma_start3A_85 = tpu.memref_slice %arg10[%run_scoped3A_54, %dma_start3A_83, %dma_start3A_84] : memref<1x128x128xf32, #tpu.memory_space<vmem>> -> memref<1x128x128xf32, #tpu.memory_space<vmem>>
      %dma_start3A_86 = tpu.memref_squeeze %dma_start3A_85 : memref<1x128x128xf32, #tpu.memory_space<vmem>> -> memref<128x128xf32, #tpu.memory_space<vmem>>
      %dma_start3A_87 = arith.constant 0 : i32
      %dma_start3A_88 = tpu.memref_slice %arg12[%add3A_53, %dma_start3A_87] : memref<10112x128xf32, #tpu.memory_space<vmem_shared>> -> memref<128x128xf32, #tpu.memory_space<vmem_shared>>
      tpu.enqueue_dma source(%dma_start3A_88 : memref<128x128xf32, #tpu.memory_space<vmem_shared>>) target(%dma_start3A_86 : memref<128x128xf32, #tpu.memory_space<vmem>>) target_semaphore(%run_scoped3A_77 : memref<!tpu.dma_semaphore, #tpu.memory_space<semaphore_mem>>)
      %dma_wait3A = arith.constant 0 : i32
      %dma_wait3A_89 = arith.constant 0 : i32
      %dma_wait3A_90 = tpu.memref_slice %arg10[%run_scoped3A_54, %dma_wait3A, %dma_wait3A_89] : memref<1x128x128xf32, #tpu.memory_space<vmem>> -> memref<1x128x128xf32, #tpu.memory_space<vmem>>
      %dma_wait3A_91 = tpu.memref_squeeze %dma_wait3A_90 : memref<1x128x128xf32, #tpu.memory_space<vmem>> -> memref<128x128xf32, #tpu.memory_space<vmem>>
      %dma_wait3A_92 = arith.constant 0 : i32
      %dma_wait3A_93 = tpu.memref_slice %arg12[%add3A_53, %dma_wait3A_92] : memref<10112x128xf32, #tpu.memory_space<vmem_shared>> -> memref<128x128xf32, #tpu.memory_space<vmem_shared>>
      %dma_wait3A_94 = arith.constant 0 : i32
      %dma_wait3A_95 = arith.constant 0 : i32
      %dma_wait3A_96 = tpu.memref_slice %arg10[%run_scoped3A_54, %dma_wait3A_94, %dma_wait3A_95] : memref<1x128x128xf32, #tpu.memory_space<vmem>> -> memref<1x128x128xf32, #tpu.memory_space<vmem>>
      %dma_wait3A_97 = tpu.memref_squeeze %dma_wait3A_96 : memref<1x128x128xf32, #tpu.memory_space<vmem>> -> memref<128x128xf32, #tpu.memory_space<vmem>>
      %dma_wait3A_98 = arith.constant 0 : i32
      %dma_wait3A_99 = tpu.memref_slice %arg12[%add3A_53, %dma_wait3A_98] : memref<10112x128xf32, #tpu.memory_space<vmem_shared>> -> memref<128x128xf32, #tpu.memory_space<vmem_shared>>
      tpu.wait_dma2 semaphore(%run_scoped3A_77 : memref<!tpu.dma_semaphore, #tpu.memory_space<semaphore_mem>>) src(%dma_wait3A_99 : memref<128x128xf32, #tpu.memory_space<vmem_shared>>) dst(%dma_wait3A_97 : memref<128x128xf32, #tpu.memory_space<vmem>>)
      tpu.yield
    }) : () -> ()
    %add3A_55 = arith.constant 256 : i32
    %add3A_56 = arith.addi %mul3A_15, %add3A_55 : i32
    %run_scoped3A_57 = arith.constant 0 : i32
    "tpu.region"() ({
      %run_scoped3A_77 = tpu.sem_alloc : memref<!tpu.dma_semaphore, #tpu.memory_space<semaphore_mem>>
      %dma_start3A = arith.constant 0 : i32
      %dma_start3A_78 = arith.constant 0 : i32
      %dma_start3A_79 = tpu.memref_slice %arg10[%run_scoped3A_57, %dma_start3A, %dma_start3A_78] : memref<1x128x128xf32, #tpu.memory_space<vmem>> -> memref<1x128x128xf32, #tpu.memory_space<vmem>>
      %dma_start3A_80 = tpu.memref_squeeze %dma_start3A_79 : memref<1x128x128xf32, #tpu.memory_space<vmem>> -> memref<128x128xf32, #tpu.memory_space<vmem>>
      %dma_start3A_81 = arith.constant 0 : i32
      %dma_start3A_82 = tpu.memref_slice %arg5[%arg0, %add3A_56, %dma_start3A_81] : memref<2x10112x128xf32, #tpu.memory_space<hbm>> -> memref<1x128x128xf32, #tpu.memory_space<hbm>>
      %dma_start3A_83 = tpu.memref_squeeze %dma_start3A_82 : memref<1x128x128xf32, #tpu.memory_space<hbm>> -> memref<128x128xf32, #tpu.memory_space<hbm>>
      %dma_start3A_84 = arith.constant 0 : i32
      %dma_start3A_85 = tpu.memref_slice %arg5[%arg0, %add3A_56, %dma_start3A_84] : memref<2x10112x128xf32, #tpu.memory_space<hbm>> -> memref<1x128x128xf32, #tpu.memory_space<hbm>>
      %dma_start3A_86 = tpu.memref_squeeze %dma_start3A_85 : memref<1x128x128xf32, #tpu.memory_space<hbm>> -> memref<128x128xf32, #tpu.memory_space<hbm>>
      %dma_start3A_87 = arith.constant 0 : i32
      %dma_start3A_88 = arith.constant 0 : i32
      %dma_start3A_89 = tpu.memref_slice %arg10[%run_scoped3A_57, %dma_start3A_87, %dma_start3A_88] : memref<1x128x128xf32, #tpu.memory_space<vmem>> -> memref<1x128x128xf32, #tpu.memory_space<vmem>>
      %dma_start3A_90 = tpu.memref_squeeze %dma_start3A_89 : memref<1x128x128xf32, #tpu.memory_space<vmem>> -> memref<128x128xf32, #tpu.memory_space<vmem>>
      tpu.enqueue_dma source(%dma_start3A_90 : memref<128x128xf32, #tpu.memory_space<vmem>>) target(%dma_start3A_86 : memref<128x128xf32, #tpu.memory_space<hbm>>) target_semaphore(%run_scoped3A_77 : memref<!tpu.dma_semaphore, #tpu.memory_space<semaphore_mem>>)
      %dma_wait3A = arith.constant 0 : i32
      %dma_wait3A_91 = arith.constant 0 : i32
      %dma_wait3A_92 = tpu.memref_slice %arg10[%run_scoped3A_57, %dma_wait3A, %dma_wait3A_91] : memref<1x128x128xf32, #tpu.memory_space<vmem>> -> memref<1x128x128xf32, #tpu.memory_space<vmem>>
      %dma_wait3A_93 = tpu.memref_squeeze %dma_wait3A_92 : memref<1x128x128xf32, #tpu.memory_space<vmem>> -> memref<128x128xf32, #tpu.memory_space<vmem>>
      %dma_wait3A_94 = arith.constant 0 : i32
      %dma_wait3A_95 = tpu.memref_slice %arg5[%arg0, %add3A_56, %dma_wait3A_94] : memref<2x10112x128xf32, #tpu.memory_space<hbm>> -> memref<1x128x128xf32, #tpu.memory_space<hbm>>
      %dma_wait3A_96 = tpu.memref_squeeze %dma_wait3A_95 : memref<1x128x128xf32, #tpu.memory_space<hbm>> -> memref<128x128xf32, #tpu.memory_space<hbm>>
      %dma_wait3A_97 = arith.constant 0 : i32
      %dma_wait3A_98 = tpu.memref_slice %arg5[%arg0, %add3A_56, %dma_wait3A_97] : memref<2x10112x128xf32, #tpu.memory_space<hbm>> -> memref<1x128x128xf32, #tpu.memory_space<hbm>>
      %dma_wait3A_99 = tpu.memref_squeeze %dma_wait3A_98 : memref<1x128x128xf32, #tpu.memory_space<hbm>> -> memref<128x128xf32, #tpu.memory_space<hbm>>
      %dma_wait3A_100 = arith.constant 0 : i32
      %dma_wait3A_101 = arith.constant 0 : i32
      %dma_wait3A_102 = tpu.memref_slice %arg10[%run_scoped3A_57, %dma_wait3A_100, %dma_wait3A_101] : memref<1x128x128xf32, #tpu.memory_space<vmem>> -> memref<1x128x128xf32, #tpu.memory_space<vmem>>
      %dma_wait3A_103 = tpu.memref_squeeze %dma_wait3A_102 : memref<1x128x128xf32, #tpu.memory_space<vmem>> -> memref<128x128xf32, #tpu.memory_space<vmem>>
      tpu.wait_dma2 semaphore(%run_scoped3A_77 : memref<!tpu.dma_semaphore, #tpu.memory_space<semaphore_mem>>) src(%dma_wait3A_103 : memref<128x128xf32, #tpu.memory_space<vmem>>) dst(%dma_wait3A_99 : memref<128x128xf32, #tpu.memory_space<hbm>>)
      tpu.yield
    }) : () -> ()
    %add3A_58 = arith.constant 384 : i32
    %add3A_59 = arith.addi %mul3A_15, %add3A_58 : i32
    %run_scoped3A_60 = arith.constant 0 : i32
    "tpu.region"() ({
      %run_scoped3A_77 = tpu.sem_alloc : memref<!tpu.dma_semaphore, #tpu.memory_space<semaphore_mem>>
      %dma_start3A = arith.constant 0 : i32
      %dma_start3A_78 = arith.constant 0 : i32
      %dma_start3A_79 = tpu.memref_slice %arg10[%run_scoped3A_60, %dma_start3A, %dma_start3A_78] : memref<1x128x128xf32, #tpu.memory_space<vmem>> -> memref<1x128x128xf32, #tpu.memory_space<vmem>>
      %dma_start3A_80 = tpu.memref_squeeze %dma_start3A_79 : memref<1x128x128xf32, #tpu.memory_space<vmem>> -> memref<128x128xf32, #tpu.memory_space<vmem>>
      %dma_start3A_81 = arith.constant 0 : i32
      %dma_start3A_82 = tpu.memref_slice %arg12[%add3A_59, %dma_start3A_81] : memref<10112x128xf32, #tpu.memory_space<vmem_shared>> -> memref<128x128xf32, #tpu.memory_space<vmem_shared>>
      %dma_start3A_83 = arith.constant 0 : i32
      %dma_start3A_84 = arith.constant 0 : i32
      %dma_start3A_85 = tpu.memref_slice %arg10[%run_scoped3A_60, %dma_start3A_83, %dma_start3A_84] : memref<1x128x128xf32, #tpu.memory_space<vmem>> -> memref<1x128x128xf32, #tpu.memory_space<vmem>>
      %dma_start3A_86 = tpu.memref_squeeze %dma_start3A_85 : memref<1x128x128xf32, #tpu.memory_space<vmem>> -> memref<128x128xf32, #tpu.memory_space<vmem>>
      %dma_start3A_87 = arith.constant 0 : i32
      %dma_start3A_88 = tpu.memref_slice %arg12[%add3A_59, %dma_start3A_87] : memref<10112x128xf32, #tpu.memory_space<vmem_shared>> -> memref<128x128xf32, #tpu.memory_space<vmem_shared>>
      tpu.enqueue_dma source(%dma_start3A_88 : memref<128x128xf32, #tpu.memory_space<vmem_shared>>) target(%dma_start3A_86 : memref<128x128xf32, #tpu.memory_space<vmem>>) target_semaphore(%run_scoped3A_77 : memref<!tpu.dma_semaphore, #tpu.memory_space<semaphore_mem>>)
      %dma_wait3A = arith.constant 0 : i32
      %dma_wait3A_89 = arith.constant 0 : i32
      %dma_wait3A_90 = tpu.memref_slice %arg10[%run_scoped3A_60, %dma_wait3A, %dma_wait3A_89] : memref<1x128x128xf32, #tpu.memory_space<vmem>> -> memref<1x128x128xf32, #tpu.memory_space<vmem>>
      %dma_wait3A_91 = tpu.memref_squeeze %dma_wait3A_90 : memref<1x128x128xf32, #tpu.memory_space<vmem>> -> memref<128x128xf32, #tpu.memory_space<vmem>>
      %dma_wait3A_92 = arith.constant 0 : i32
      %dma_wait3A_93 = tpu.memref_slice %arg12[%add3A_59, %dma_wait3A_92] : memref<10112x128xf32, #tpu.memory_space<vmem_shared>> -> memref<128x128xf32, #tpu.memory_space<vmem_shared>>
      %dma_wait3A_94 = arith.constant 0 : i32
      %dma_wait3A_95 = arith.constant 0 : i32
      %dma_wait3A_96 = tpu.memref_slice %arg10[%run_scoped3A_60, %dma_wait3A_94, %dma_wait3A_95] : memref<1x128x128xf32, #tpu.memory_space<vmem>> -> memref<1x128x128xf32, #tpu.memory_space<vmem>>
      %dma_wait3A_97 = tpu.memref_squeeze %dma_wait3A_96 : memref<1x128x128xf32, #tpu.memory_space<vmem>> -> memref<128x128xf32, #tpu.memory_space<vmem>>
      %dma_wait3A_98 = arith.constant 0 : i32
      %dma_wait3A_99 = tpu.memref_slice %arg12[%add3A_59, %dma_wait3A_98] : memref<10112x128xf32, #tpu.memory_space<vmem_shared>> -> memref<128x128xf32, #tpu.memory_space<vmem_shared>>
      tpu.wait_dma2 semaphore(%run_scoped3A_77 : memref<!tpu.dma_semaphore, #tpu.memory_space<semaphore_mem>>) src(%dma_wait3A_99 : memref<128x128xf32, #tpu.memory_space<vmem_shared>>) dst(%dma_wait3A_97 : memref<128x128xf32, #tpu.memory_space<vmem>>)
      tpu.yield
    }) : () -> ()
    %add3A_61 = arith.constant 384 : i32
    %add3A_62 = arith.addi %mul3A_15, %add3A_61 : i32
    %run_scoped3A_63 = arith.constant 0 : i32
    "tpu.region"() ({
      %run_scoped3A_77 = tpu.sem_alloc : memref<!tpu.dma_semaphore, #tpu.memory_space<semaphore_mem>>
      %dma_start3A = arith.constant 0 : i32
      %dma_start3A_78 = arith.constant 0 : i32
      %dma_start3A_79 = tpu.memref_slice %arg10[%run_scoped3A_63, %dma_start3A, %dma_start3A_78] : memref<1x128x128xf32, #tpu.memory_space<vmem>> -> memref<1x128x128xf32, #tpu.memory_space<vmem>>
      %dma_start3A_80 = tpu.memref_squeeze %dma_start3A_79 : memref<1x128x128xf32, #tpu.memory_space<vmem>> -> memref<128x128xf32, #tpu.memory_space<vmem>>
      %dma_start3A_81 = arith.constant 0 : i32
      %dma_start3A_82 = tpu.memref_slice %arg5[%arg0, %add3A_62, %dma_start3A_81] : memref<2x10112x128xf32, #tpu.memory_space<hbm>> -> memref<1x128x128xf32, #tpu.memory_space<hbm>>
      %dma_start3A_83 = tpu.memref_squeeze %dma_start3A_82 : memref<1x128x128xf32, #tpu.memory_space<hbm>> -> memref<128x128xf32, #tpu.memory_space<hbm>>
      %dma_start3A_84 = arith.constant 0 : i32
      %dma_start3A_85 = tpu.memref_slice %arg5[%arg0, %add3A_62, %dma_start3A_84] : memref<2x10112x128xf32, #tpu.memory_space<hbm>> -> memref<1x128x128xf32, #tpu.memory_space<hbm>>
      %dma_start3A_86 = tpu.memref_squeeze %dma_start3A_85 : memref<1x128x128xf32, #tpu.memory_space<hbm>> -> memref<128x128xf32, #tpu.memory_space<hbm>>
      %dma_start3A_87 = arith.constant 0 : i32
      %dma_start3A_88 = arith.constant 0 : i32
      %dma_start3A_89 = tpu.memref_slice %arg10[%run_scoped3A_63, %dma_start3A_87, %dma_start3A_88] : memref<1x128x128xf32, #tpu.memory_space<vmem>> -> memref<1x128x128xf32, #tpu.memory_space<vmem>>
      %dma_start3A_90 = tpu.memref_squeeze %dma_start3A_89 : memref<1x128x128xf32, #tpu.memory_space<vmem>> -> memref<128x128xf32, #tpu.memory_space<vmem>>
      tpu.enqueue_dma source(%dma_start3A_90 : memref<128x128xf32, #tpu.memory_space<vmem>>) target(%dma_start3A_86 : memref<128x128xf32, #tpu.memory_space<hbm>>) target_semaphore(%run_scoped3A_77 : memref<!tpu.dma_semaphore, #tpu.memory_space<semaphore_mem>>)
      %dma_wait3A = arith.constant 0 : i32
      %dma_wait3A_91 = arith.constant 0 : i32
      %dma_wait3A_92 = tpu.memref_slice %arg10[%run_scoped3A_63, %dma_wait3A, %dma_wait3A_91] : memref<1x128x128xf32, #tpu.memory_space<vmem>> -> memref<1x128x128xf32, #tpu.memory_space<vmem>>
      %dma_wait3A_93 = tpu.memref_squeeze %dma_wait3A_92 : memref<1x128x128xf32, #tpu.memory_space<vmem>> -> memref<128x128xf32, #tpu.memory_space<vmem>>
      %dma_wait3A_94 = arith.constant 0 : i32
      %dma_wait3A_95 = tpu.memref_slice %arg5[%arg0, %add3A_62, %dma_wait3A_94] : memref<2x10112x128xf32, #tpu.memory_space<hbm>> -> memref<1x128x128xf32, #tpu.memory_space<hbm>>
      %dma_wait3A_96 = tpu.memref_squeeze %dma_wait3A_95 : memref<1x128x128xf32, #tpu.memory_space<hbm>> -> memref<128x128xf32, #tpu.memory_space<hbm>>
      %dma_wait3A_97 = arith.constant 0 : i32
      %dma_wait3A_98 = tpu.memref_slice %arg5[%arg0, %add3A_62, %dma_wait3A_97] : memref<2x10112x128xf32, #tpu.memory_space<hbm>> -> memref<1x128x128xf32, #tpu.memory_space<hbm>>
      %dma_wait3A_99 = tpu.memref_squeeze %dma_wait3A_98 : memref<1x128x128xf32, #tpu.memory_space<hbm>> -> memref<128x128xf32, #tpu.memory_space<hbm>>
      %dma_wait3A_100 = arith.constant 0 : i32
      %dma_wait3A_101 = arith.constant 0 : i32
      %dma_wait3A_102 = tpu.memref_slice %arg10[%run_scoped3A_63, %dma_wait3A_100, %dma_wait3A_101] : memref<1x128x128xf32, #tpu.memory_space<vmem>> -> memref<1x128x128xf32, #tpu.memory_space<vmem>>
      %dma_wait3A_103 = tpu.memref_squeeze %dma_wait3A_102 : memref<1x128x128xf32, #tpu.memory_space<vmem>> -> memref<128x128xf32, #tpu.memory_space<vmem>>
      tpu.wait_dma2 semaphore(%run_scoped3A_77 : memref<!tpu.dma_semaphore, #tpu.memory_space<semaphore_mem>>) src(%dma_wait3A_103 : memref<128x128xf32, #tpu.memory_space<vmem>>) dst(%dma_wait3A_99 : memref<128x128xf32, #tpu.memory_space<hbm>>)
      tpu.yield
    }) : () -> ()
    %add3A_64 = arith.constant 512 : i32
    %add3A_65 = arith.addi %mul3A_15, %add3A_64 : i32
    %run_scoped3A_66 = arith.constant 0 : i32
    "tpu.region"() ({
      %run_scoped3A_77 = tpu.sem_alloc : memref<!tpu.dma_semaphore, #tpu.memory_space<semaphore_mem>>
      %dma_start3A = arith.constant 0 : i32
      %dma_start3A_78 = arith.constant 0 : i32
      %dma_start3A_79 = tpu.memref_slice %arg10[%run_scoped3A_66, %dma_start3A, %dma_start3A_78] : memref<1x128x128xf32, #tpu.memory_space<vmem>> -> memref<1x120x128xf32, #tpu.memory_space<vmem>>
      %dma_start3A_80 = tpu.memref_squeeze %dma_start3A_79 : memref<1x120x128xf32, #tpu.memory_space<vmem>> -> memref<120x128xf32, #tpu.memory_space<vmem>>
      %dma_start3A_81 = arith.constant 0 : i32
      %dma_start3A_82 = tpu.memref_slice %arg12[%add3A_65, %dma_start3A_81] : memref<10112x128xf32, #tpu.memory_space<vmem_shared>> -> memref<120x128xf32, #tpu.memory_space<vmem_shared>>
      %dma_start3A_83 = arith.constant 0 : i32
      %dma_start3A_84 = arith.constant 0 : i32
      %dma_start3A_85 = tpu.memref_slice %arg10[%run_scoped3A_66, %dma_start3A_83, %dma_start3A_84] : memref<1x128x128xf32, #tpu.memory_space<vmem>> -> memref<1x120x128xf32, #tpu.memory_space<vmem>>
      %dma_start3A_86 = tpu.memref_squeeze %dma_start3A_85 : memref<1x120x128xf32, #tpu.memory_space<vmem>> -> memref<120x128xf32, #tpu.memory_space<vmem>>
      %dma_start3A_87 = arith.constant 0 : i32
      %dma_start3A_88 = tpu.memref_slice %arg12[%add3A_65, %dma_start3A_87] : memref<10112x128xf32, #tpu.memory_space<vmem_shared>> -> memref<120x128xf32, #tpu.memory_space<vmem_shared>>
      tpu.enqueue_dma source(%dma_start3A_88 : memref<120x128xf32, #tpu.memory_space<vmem_shared>>) target(%dma_start3A_86 : memref<120x128xf32, #tpu.memory_space<vmem>>) target_semaphore(%run_scoped3A_77 : memref<!tpu.dma_semaphore, #tpu.memory_space<semaphore_mem>>)
      %dma_wait3A = arith.constant 0 : i32
      %dma_wait3A_89 = arith.constant 0 : i32
      %dma_wait3A_90 = tpu.memref_slice %arg10[%run_scoped3A_66, %dma_wait3A, %dma_wait3A_89] : memref<1x128x128xf32, #tpu.memory_space<vmem>> -> memref<1x120x128xf32, #tpu.memory_space<vmem>>
      %dma_wait3A_91 = tpu.memref_squeeze %dma_wait3A_90 : memref<1x120x128xf32, #tpu.memory_space<vmem>> -> memref<120x128xf32, #tpu.memory_space<vmem>>
      %dma_wait3A_92 = arith.constant 0 : i32
      %dma_wait3A_93 = tpu.memref_slice %arg12[%add3A_65, %dma_wait3A_92] : memref<10112x128xf32, #tpu.memory_space<vmem_shared>> -> memref<120x128xf32, #tpu.memory_space<vmem_shared>>
      %dma_wait3A_94 = arith.constant 0 : i32
      %dma_wait3A_95 = arith.constant 0 : i32
      %dma_wait3A_96 = tpu.memref_slice %arg10[%run_scoped3A_66, %dma_wait3A_94, %dma_wait3A_95] : memref<1x128x128xf32, #tpu.memory_space<vmem>> -> memref<1x120x128xf32, #tpu.memory_space<vmem>>
      %dma_wait3A_97 = tpu.memref_squeeze %dma_wait3A_96 : memref<1x120x128xf32, #tpu.memory_space<vmem>> -> memref<120x128xf32, #tpu.memory_space<vmem>>
      %dma_wait3A_98 = arith.constant 0 : i32
      %dma_wait3A_99 = tpu.memref_slice %arg12[%add3A_65, %dma_wait3A_98] : memref<10112x128xf32, #tpu.memory_space<vmem_shared>> -> memref<120x128xf32, #tpu.memory_space<vmem_shared>>
      tpu.wait_dma2 semaphore(%run_scoped3A_77 : memref<!tpu.dma_semaphore, #tpu.memory_space<semaphore_mem>>) src(%dma_wait3A_99 : memref<120x128xf32, #tpu.memory_space<vmem_shared>>) dst(%dma_wait3A_97 : memref<120x128xf32, #tpu.memory_space<vmem>>)
      tpu.yield
    }) : () -> ()
    %add3A_67 = arith.constant 512 : i32
    %add3A_68 = arith.addi %mul3A_15, %add3A_67 : i32
    %run_scoped3A_69 = arith.constant 0 : i32
    "tpu.region"() ({
      %run_scoped3A_77 = tpu.sem_alloc : memref<!tpu.dma_semaphore, #tpu.memory_space<semaphore_mem>>
      %dma_start3A = arith.constant 0 : i32
      %dma_start3A_78 = arith.constant 0 : i32
      %dma_start3A_79 = tpu.memref_slice %arg10[%run_scoped3A_69, %dma_start3A, %dma_start3A_78] : memref<1x128x128xf32, #tpu.memory_space<vmem>> -> memref<1x120x128xf32, #tpu.memory_space<vmem>>
      %dma_start3A_80 = tpu.memref_squeeze %dma_start3A_79 : memref<1x120x128xf32, #tpu.memory_space<vmem>> -> memref<120x128xf32, #tpu.memory_space<vmem>>
      %dma_start3A_81 = arith.constant 0 : i32
      %dma_start3A_82 = tpu.memref_slice %arg5[%arg0, %add3A_68, %dma_start3A_81] : memref<2x10112x128xf32, #tpu.memory_space<hbm>> -> memref<1x120x128xf32, #tpu.memory_space<hbm>>
      %dma_start3A_83 = tpu.memref_squeeze %dma_start3A_82 : memref<1x120x128xf32, #tpu.memory_space<hbm>> -> memref<120x128xf32, #tpu.memory_space<hbm>>
      %dma_start3A_84 = arith.constant 0 : i32
      %dma_start3A_85 = tpu.memref_slice %arg5[%arg0, %add3A_68, %dma_start3A_84] : memref<2x10112x128xf32, #tpu.memory_space<hbm>> -> memref<1x120x128xf32, #tpu.memory_space<hbm>>
      %dma_start3A_86 = tpu.memref_squeeze %dma_start3A_85 : memref<1x120x128xf32, #tpu.memory_space<hbm>> -> memref<120x128xf32, #tpu.memory_space<hbm>>
      %dma_start3A_87 = arith.constant 0 : i32
      %dma_start3A_88 = arith.constant 0 : i32
      %dma_start3A_89 = tpu.memref_slice %arg10[%run_scoped3A_69, %dma_start3A_87, %dma_start3A_88] : memref<1x128x128xf32, #tpu.memory_space<vmem>> -> memref<1x120x128xf32, #tpu.memory_space<vmem>>
      %dma_start3A_90 = tpu.memref_squeeze %dma_start3A_89 : memref<1x120x128xf32, #tpu.memory_space<vmem>> -> memref<120x128xf32, #tpu.memory_space<vmem>>
      tpu.enqueue_dma source(%dma_start3A_90 : memref<120x128xf32, #tpu.memory_space<vmem>>) target(%dma_start3A_86 : memref<120x128xf32, #tpu.memory_space<hbm>>) target_semaphore(%run_scoped3A_77 : memref<!tpu.dma_semaphore, #tpu.memory_space<semaphore_mem>>)
      %dma_wait3A = arith.constant 0 : i32
      %dma_wait3A_91 = arith.constant 0 : i32
      %dma_wait3A_92 = tpu.memref_slice %arg10[%run_scoped3A_69, %dma_wait3A, %dma_wait3A_91] : memref<1x128x128xf32, #tpu.memory_space<vmem>> -> memref<1x120x128xf32, #tpu.memory_space<vmem>>
      %dma_wait3A_93 = tpu.memref_squeeze %dma_wait3A_92 : memref<1x120x128xf32, #tpu.memory_space<vmem>> -> memref<120x128xf32, #tpu.memory_space<vmem>>
      %dma_wait3A_94 = arith.constant 0 : i32
      %dma_wait3A_95 = tpu.memref_slice %arg5[%arg0, %add3A_68, %dma_wait3A_94] : memref<2x10112x128xf32, #tpu.memory_space<hbm>> -> memref<1x120x128xf32, #tpu.memory_space<hbm>>
      %dma_wait3A_96 = tpu.memref_squeeze %dma_wait3A_95 : memref<1x120x128xf32, #tpu.memory_space<hbm>> -> memref<120x128xf32, #tpu.memory_space<hbm>>
      %dma_wait3A_97 = arith.constant 0 : i32
      %dma_wait3A_98 = tpu.memref_slice %arg5[%arg0, %add3A_68, %dma_wait3A_97] : memref<2x10112x128xf32, #tpu.memory_space<hbm>> -> memref<1x120x128xf32, #tpu.memory_space<hbm>>
      %dma_wait3A_99 = tpu.memref_squeeze %dma_wait3A_98 : memref<1x120x128xf32, #tpu.memory_space<hbm>> -> memref<120x128xf32, #tpu.memory_space<hbm>>
      %dma_wait3A_100 = arith.constant 0 : i32
      %dma_wait3A_101 = arith.constant 0 : i32
      %dma_wait3A_102 = tpu.memref_slice %arg10[%run_scoped3A_69, %dma_wait3A_100, %dma_wait3A_101] : memref<1x128x128xf32, #tpu.memory_space<vmem>> -> memref<1x120x128xf32, #tpu.memory_space<vmem>>
      %dma_wait3A_103 = tpu.memref_squeeze %dma_wait3A_102 : memref<1x120x128xf32, #tpu.memory_space<vmem>> -> memref<120x128xf32, #tpu.memory_space<vmem>>
      tpu.wait_dma2 semaphore(%run_scoped3A_77 : memref<!tpu.dma_semaphore, #tpu.memory_space<semaphore_mem>>) src(%dma_wait3A_103 : memref<120x128xf32, #tpu.memory_space<vmem>>) dst(%dma_wait3A_99 : memref<120x128xf32, #tpu.memory_space<hbm>>)
      tpu.yield
    }) : () -> ()
    %mul3A_70 = arith.constant 632 : i32
    %mul3A_71 = arith.muli %arg1, %mul3A_70 : i32
    "tpu.region"() ({
      %run_scoped3A_77 = tpu.sem_alloc : memref<!tpu.dma_semaphore, #tpu.memory_space<semaphore_mem>>
      %dma_start3A = arith.constant 0 : i32
      %dma_start3A_78 = tpu.memref_slice %arg11[%dma_start3A] : memref<640xf32, #tpu.memory_space<vmem>> -> memref<632xf32, #tpu.memory_space<vmem>>
      %dma_start3A_79 = tpu.memref_slice %arg13[%mul3A_71] : memref<10112xf32, #tpu.memory_space<vmem_shared>> -> memref<632xf32, #tpu.memory_space<vmem_shared>>
      %dma_start3A_80 = arith.constant 0 : i32
      %dma_start3A_81 = tpu.memref_slice %arg11[%dma_start3A_80] : memref<640xf32, #tpu.memory_space<vmem>> -> memref<632xf32, #tpu.memory_space<vmem>>
      %dma_start3A_82 = tpu.memref_slice %arg13[%mul3A_71] : memref<10112xf32, #tpu.memory_space<vmem_shared>> -> memref<632xf32, #tpu.memory_space<vmem_shared>>
      tpu.enqueue_dma source(%dma_start3A_82 : memref<632xf32, #tpu.memory_space<vmem_shared>>) target(%dma_start3A_81 : memref<632xf32, #tpu.memory_space<vmem>>) target_semaphore(%run_scoped3A_77 : memref<!tpu.dma_semaphore, #tpu.memory_space<semaphore_mem>>)
      %dma_wait3A = arith.constant 0 : i32
      %dma_wait3A_83 = tpu.memref_slice %arg11[%dma_wait3A] : memref<640xf32, #tpu.memory_space<vmem>> -> memref<632xf32, #tpu.memory_space<vmem>>
      %dma_wait3A_84 = tpu.memref_slice %arg13[%mul3A_71] : memref<10112xf32, #tpu.memory_space<vmem_shared>> -> memref<632xf32, #tpu.memory_space<vmem_shared>>
      %dma_wait3A_85 = arith.constant 0 : i32
      %dma_wait3A_86 = tpu.memref_slice %arg11[%dma_wait3A_85] : memref<640xf32, #tpu.memory_space<vmem>> -> memref<632xf32, #tpu.memory_space<vmem>>
      %dma_wait3A_87 = tpu.memref_slice %arg13[%mul3A_71] : memref<10112xf32, #tpu.memory_space<vmem_shared>> -> memref<632xf32, #tpu.memory_space<vmem_shared>>
      tpu.wait_dma2 semaphore(%run_scoped3A_77 : memref<!tpu.dma_semaphore, #tpu.memory_space<semaphore_mem>>) src(%dma_wait3A_87 : memref<632xf32, #tpu.memory_space<vmem_shared>>) dst(%dma_wait3A_86 : memref<632xf32, #tpu.memory_space<vmem>>)
      tpu.yield
    }) : () -> ()
    %mul3A_72 = arith.constant 10112 : i32
    %mul3A_73 = arith.muli %arg0, %mul3A_72 : i32
    %mul3A_74 = arith.constant 632 : i32
    %mul3A_75 = arith.muli %arg1, %mul3A_74 : i32
    %add3A_76 = arith.addi %mul3A_73, %mul3A_75 : i32
    "tpu.region"() ({
      %run_scoped3A_77 = tpu.sem_alloc : memref<!tpu.dma_semaphore, #tpu.memory_space<semaphore_mem>>
      %dma_start3A = arith.constant 0 : i32
      %dma_start3A_78 = tpu.memref_slice %arg11[%dma_start3A] : memref<640xf32, #tpu.memory_space<vmem>> -> memref<632xf32, #tpu.memory_space<vmem>>
      %dma_start3A_79 = tpu.memref_slice %arg6[%add3A_76] : memref<20224xf32, #tpu.memory_space<hbm>> -> memref<632xf32, #tpu.memory_space<hbm>>
      %dma_start3A_80 = tpu.memref_slice %arg6[%add3A_76] : memref<20224xf32, #tpu.memory_space<hbm>> -> memref<632xf32, #tpu.memory_space<hbm>>
      %dma_start3A_81 = arith.constant 0 : i32
      %dma_start3A_82 = tpu.memref_slice %arg11[%dma_start3A_81] : memref<640xf32, #tpu.memory_space<vmem>> -> memref<632xf32, #tpu.memory_space<vmem>>
      tpu.enqueue_dma source(%dma_start3A_82 : memref<632xf32, #tpu.memory_space<vmem>>) target(%dma_start3A_80 : memref<632xf32, #tpu.memory_space<hbm>>) target_semaphore(%run_scoped3A_77 : memref<!tpu.dma_semaphore, #tpu.memory_space<semaphore_mem>>)
      %dma_wait3A = arith.constant 0 : i32
      %dma_wait3A_83 = tpu.memref_slice %arg11[%dma_wait3A] : memref<640xf32, #tpu.memory_space<vmem>> -> memref<632xf32, #tpu.memory_space<vmem>>
      %dma_wait3A_84 = tpu.memref_slice %arg6[%add3A_76] : memref<20224xf32, #tpu.memory_space<hbm>> -> memref<632xf32, #tpu.memory_space<hbm>>
      %dma_wait3A_85 = tpu.memref_slice %arg6[%add3A_76] : memref<20224xf32, #tpu.memory_space<hbm>> -> memref<632xf32, #tpu.memory_space<hbm>>
      %dma_wait3A_86 = arith.constant 0 : i32
      %dma_wait3A_87 = tpu.memref_slice %arg11[%dma_wait3A_86] : memref<640xf32, #tpu.memory_space<vmem>> -> memref<632xf32, #tpu.memory_space<vmem>>
      tpu.wait_dma2 semaphore(%run_scoped3A_77 : memref<!tpu.dma_semaphore, #tpu.memory_space<semaphore_mem>>) src(%dma_wait3A_87 : memref<632xf32, #tpu.memory_space<vmem>>) dst(%dma_wait3A_85 : memref<632xf32, #tpu.memory_space<hbm>>)
      tpu.yield
    }) : () -> ()
    return
  }
}

module attributes {stable_mosaic.version = 14 : i64} {
  func.func @_proj_body(%arg0: i32, %arg1: memref<128x128xf32, #tpu.memory_space<vmem>>, %arg2: memref<128x128xf32, #tpu.memory_space<vmem>>, %arg3: memref<1x128xf32, #tpu.memory_space<vmem>>, %arg4: memref<1x128xf32, #tpu.memory_space<vmem>>, %arg5: memref<2x128xf32, #tpu.memory_space<vmem>>, %arg6: memref<128x128xf32, #tpu.memory_space<vmem>>, %arg7: memref<2x128xf32, #tpu.memory_space<vmem>>) attributes {dimension_semantics = [#tpu.dimension_semantics<arbitrary>], iteration_bounds = array<i64: 79>, scalar_prefetch = 0 : i64, scratch_operands = 0 : i64, tpu.core_type = #tpu.core_type<tc>, window_params = [{transform_indices = @transform_0, window_bounds = array<i64: 128, 128>}, {pipeline_mode = #tpu.pipeline_mode<synchronous>, transform_indices = @transform_1, window_bounds = array<i64: 128, 128>}, {pipeline_mode = #tpu.pipeline_mode<synchronous>, transform_indices = @transform_2, window_bounds = array<i64: 1, 128>}, {pipeline_mode = #tpu.pipeline_mode<synchronous>, transform_indices = @transform_3, window_bounds = array<i64: 1, 128>}, {transform_indices = @transform_4, window_bounds = array<i64: 2, 128>}, {transform_indices = @transform_5, window_bounds = array<i64: 128, 128>}, {transform_indices = @transform_6, window_bounds = array<i64: 2, 128>}]} {
    %get3A = arith.constant 0 : index
    %get3A_0 = arith.constant 0 : index
    %get3A_1 = vector.load %arg1[%get3A, %get3A_0] : memref<128x128xf32, #tpu.memory_space<vmem>>, vector<128x128xf32>
    %get3A_2 = arith.constant 0 : index
    %get3A_3 = arith.constant 0 : index
    %get3A_4 = vector.load %arg2[%get3A_2, %get3A_3] : memref<128x128xf32, #tpu.memory_space<vmem>>, vector<128x128xf32>
    %dot_general3A = arith.constant dense<0.000000e+00> : vector<128x128xf32>
    %dot_general3A_5 = tpu.matmul %get3A_1, %get3A_4, %dot_general3A {dimension_numbers = #tpu.dot_dimension_numbers<[1], [0], [0], [1], [0, 0, 1, 1], [], []>, transpose_lhs_hint = false} : vector<128x128xf32>, vector<128x128xf32>, vector<128x128xf32> -> vector<128x128xf32>
    %get3A_6 = arith.constant 0 : index
    %get3A_7 = arith.constant 0 : index
    %get3A_8 = vector.load %arg5[%get3A_6, %get3A_7] : memref<2x128xf32, #tpu.memory_space<vmem>>, vector<1x128xf32>
    %get3A_9 = vector.shape_cast %get3A_8 : vector<1x128xf32> to vector<128xf32>
    %get3A_10 = arith.constant 1 : index
    %get3A_11 = arith.constant 0 : index
    %get3A_12 = vector.load %arg5[%get3A_10, %get3A_11] : memref<2x128xf32, #tpu.memory_space<vmem>>, vector<1x128xf32>
    %get3A_13 = vector.shape_cast %get3A_12 : vector<1x128xf32> to vector<128xf32>
    %add3A = arith.addf %get3A_9, %get3A_13 : vector<128xf32>
    %max3A = arith.constant 1.000000e+00 : f32
    %max3A_14 = vector.broadcast %max3A : f32 to vector<128xf32>
    %max3A_15 = arith.maximumf %add3A, %max3A_14 : vector<128xf32>
    %rsqrt3A = math.rsqrt %max3A_15 : vector<128xf32>
    %broadcast_in_dim3A = vector.shape_cast %rsqrt3A : vector<128xf32> to vector<128x1xf32>
    %mul3A = vector.broadcast %broadcast_in_dim3A : vector<128x1xf32> to vector<128x128xf32>
    %mul3A_16 = arith.mulf %dot_general3A_5, %mul3A : vector<128x128xf32>
    %swap3A = arith.constant 0 : index
    %swap3A_17 = arith.constant 0 : index
    %swap3A_18 = vector.load %arg6[%swap3A, %swap3A_17] : memref<128x128xf32, #tpu.memory_space<vmem>>, vector<128x128xf32>
    tpu.vector_store %arg6[%swap3A, %swap3A_17], %mul3A_16 {strides = array<i32>} : memref<128x128xf32, #tpu.memory_space<vmem>>, vector<128x128xf32>,
    %get3A_19 = arith.constant 0 : index
    %get3A_20 = arith.constant 0 : index
    %get3A_21 = vector.load %arg3[%get3A_19, %get3A_20] : memref<1x128xf32, #tpu.memory_space<vmem>>, vector<1x128xf32>
    %dot_general3A_22 = arith.constant dense<0.000000e+00> : vector<1x128xf32>
    %dot_general3A_23 = tpu.matmul %get3A_21, %mul3A_16, %dot_general3A_22 {dimension_numbers = #tpu.dot_dimension_numbers<[1], [1], [0], [0], [0, 0, 1, 0], [], []>, transpose_lhs_hint = false} : vector<1x128xf32>, vector<128x128xf32>, vector<1x128xf32> -> vector<1x128xf32>
    %get3A_24 = arith.constant 0 : index
    %get3A_25 = arith.constant 0 : index
    %get3A_26 = vector.load %arg4[%get3A_24, %get3A_25] : memref<1x128xf32, #tpu.memory_space<vmem>>, vector<1x128xf32>
    %dot_general3A_27 = arith.constant dense<0.000000e+00> : vector<1x128xf32>
    %dot_general3A_28 = tpu.matmul %get3A_26, %dot_general3A_5, %dot_general3A_27 {dimension_numbers = #tpu.dot_dimension_numbers<[1], [1], [0], [0], [0, 0, 1, 0], [], []>, transpose_lhs_hint = false} : vector<1x128xf32>, vector<128x128xf32>, vector<1x128xf32> -> vector<1x128xf32>
    %concatenate3A = tpu.concatenate %dot_general3A_23, %dot_general3A_28 in 0 : vector<1x128xf32>, vector<1x128xf32> -> vector<2x128xf32>
    %swap3A_29 = arith.constant 0 : index
    %swap3A_30 = arith.constant 0 : index
    %swap3A_31 = vector.load %arg7[%swap3A_29, %swap3A_30] : memref<2x128xf32, #tpu.memory_space<vmem>>, vector<2x128xf32>
    tpu.vector_store %arg7[%swap3A_29, %swap3A_30], %concatenate3A {strides = array<i32>} : memref<2x128xf32, #tpu.memory_space<vmem>>, vector<2x128xf32>,
    return
  }
  func.func @transform_0(%arg0: i32) -> (i32, i32) {
    %c0_i32 = arith.constant 0 : i32
    %c0_i32_0 = arith.constant 0 : i32
    return %arg0, %c0_i32 : i32, i32
  }
  func.func @transform_1(%arg0: i32) -> (i32, i32) {
    %c0_i32 = arith.constant 0 : i32
    %c0_i32_0 = arith.constant 0 : i32
    %c0_i32_1 = arith.constant 0 : i32
    return %c0_i32, %c0_i32_0 : i32, i32
  }
  func.func @transform_2(%arg0: i32) -> (i32, i32) {
    %c0_i32 = arith.constant 0 : i32
    %c0_i32_0 = arith.constant 0 : i32
    %c0_i32_1 = arith.constant 0 : i32
    return %c0_i32, %c0_i32_0 : i32, i32
  }
  func.func @transform_3(%arg0: i32) -> (i32, i32) {
    %c0_i32 = arith.constant 0 : i32
    %c0_i32_0 = arith.constant 0 : i32
    %c0_i32_1 = arith.constant 0 : i32
    return %c0_i32, %c0_i32_0 : i32, i32
  }
  func.func @transform_4(%arg0: i32) -> (i32, i32) {
    %c0_i32 = arith.constant 0 : i32
    %c0_i32_0 = arith.constant 0 : i32
    return %c0_i32, %arg0 : i32, i32
  }
  func.func @transform_5(%arg0: i32) -> (i32, i32) {
    %c0_i32 = arith.constant 0 : i32
    %c0_i32_0 = arith.constant 0 : i32
    return %arg0, %c0_i32 : i32, i32
  }
  func.func @transform_6(%arg0: i32) -> (i32, i32) {
    %c0_i32 = arith.constant 0 : i32
    %c0_i32_0 = arith.constant 0 : i32
    return %c0_i32, %arg0 : i32, i32
  }
}

module attributes {stable_mosaic.version = 14 : i64} {
  func.func @_merge_body(%arg0: i32, %arg1: memref<2x128x128xf32, #tpu.memory_space<vmem>>, %arg2: memref<2x128xf32, #tpu.memory_space<vmem>>, %arg3: memref<2x128xf32, #tpu.memory_space<vmem>>, %arg4: memref<128x128xf32, #tpu.memory_space<vmem>>) attributes {dimension_semantics = [#tpu.dimension_semantics<arbitrary>], iteration_bounds = array<i64: 79>, scalar_prefetch = 0 : i64, scratch_operands = 0 : i64, tpu.core_type = #tpu.core_type<tc>, window_params = [{transform_indices = @transform_0, window_bounds = array<i64: 2, 128, 128>}, {transform_indices = @transform_1, window_bounds = array<i64: 2, 128>}, {transform_indices = @transform_2, window_bounds = array<i64: 2, 128>}, {transform_indices = @transform_3, window_bounds = array<i64: 128, 128>}]} {
    %get3A = arith.constant 0 : index
    %get3A_0 = arith.constant 0 : index
    %get3A_1 = vector.load %arg2[%get3A, %get3A_0] : memref<2x128xf32, #tpu.memory_space<vmem>>, vector<1x128xf32>
    %get3A_2 = vector.shape_cast %get3A_1 : vector<1x128xf32> to vector<128xf32>
    %get3A_3 = arith.constant 1 : index
    %get3A_4 = arith.constant 0 : index
    %get3A_5 = vector.load %arg2[%get3A_3, %get3A_4] : memref<2x128xf32, #tpu.memory_space<vmem>>, vector<1x128xf32>
    %get3A_6 = vector.shape_cast %get3A_5 : vector<1x128xf32> to vector<128xf32>
    %add3A = arith.addf %get3A_2, %get3A_6 : vector<128xf32>
    %max3A = arith.constant 1.000000e-16 : f32
    %max3A_7 = vector.broadcast %max3A : f32 to vector<128xf32>
    %max3A_8 = arith.maximumf %add3A, %max3A_7 : vector<128xf32>
    %get3A_9 = arith.constant 0 : index
    %get3A_10 = arith.constant 0 : index
    %get3A_11 = vector.load %arg3[%get3A_9, %get3A_10] : memref<2x128xf32, #tpu.memory_space<vmem>>, vector<1x128xf32>
    %get3A_12 = vector.shape_cast %get3A_11 : vector<1x128xf32> to vector<128xf32>
    %get3A_13 = arith.constant 1 : index
    %get3A_14 = arith.constant 0 : index
    %get3A_15 = vector.load %arg3[%get3A_13, %get3A_14] : memref<2x128xf32, #tpu.memory_space<vmem>>, vector<1x128xf32>
    %get3A_16 = vector.shape_cast %get3A_15 : vector<1x128xf32> to vector<128xf32>
    %add3A_17 = arith.addf %get3A_12, %get3A_16 : vector<128xf32>
    %max3A_18 = arith.constant 1.000000e+00 : f32
    %max3A_19 = vector.broadcast %max3A_18 : f32 to vector<128xf32>
    %max3A_20 = arith.maximumf %add3A_17, %max3A_19 : vector<128xf32>
    %sqrt3A = math.sqrt %max3A_20 : vector<128xf32>
    %div3A = arith.divf %sqrt3A, %max3A_8 : vector<128xf32>
    %get3A_21 = arith.constant 0 : index
    %get3A_22 = arith.constant 0 : index
    %get3A_23 = arith.constant 0 : index
    %get3A_24 = vector.load %arg1[%get3A_21, %get3A_22, %get3A_23] : memref<2x128x128xf32, #tpu.memory_space<vmem>>, vector<1x128x128xf32>
    %get3A_25 = vector.shape_cast %get3A_24 : vector<1x128x128xf32> to vector<128x128xf32>
    %get3A_26 = arith.constant 1 : index
    %get3A_27 = arith.constant 0 : index
    %get3A_28 = arith.constant 0 : index
    %get3A_29 = vector.load %arg1[%get3A_26, %get3A_27, %get3A_28] : memref<2x128x128xf32, #tpu.memory_space<vmem>>, vector<1x128x128xf32>
    %get3A_30 = vector.shape_cast %get3A_29 : vector<1x128x128xf32> to vector<128x128xf32>
    %add3A_31 = arith.addf %get3A_25, %get3A_30 : vector<128x128xf32>
    %broadcast_in_dim3A = vector.shape_cast %div3A : vector<128xf32> to vector<128x1xf32>
    %mul3A = vector.broadcast %broadcast_in_dim3A : vector<128x1xf32> to vector<128x128xf32>
    %mul3A_32 = arith.mulf %add3A_31, %mul3A : vector<128x128xf32>
    %swap3A = arith.constant 0 : index
    %swap3A_33 = arith.constant 0 : index
    %swap3A_34 = vector.load %arg4[%swap3A, %swap3A_33] : memref<128x128xf32, #tpu.memory_space<vmem>>, vector<128x128xf32>
    tpu.vector_store %arg4[%swap3A, %swap3A_33], %mul3A_32 {strides = array<i32>} : memref<128x128xf32, #tpu.memory_space<vmem>>, vector<128x128xf32>,
    return
  }
  func.func @transform_0(%arg0: i32) -> (i32, i32, i32) {
    %c0_i32 = arith.constant 0 : i32
    %c0_i32_0 = arith.constant 0 : i32
    %c0_i32_1 = arith.constant 0 : i32
    return %c0_i32, %arg0, %c0_i32_0 : i32, i32, i32
  }
  func.func @transform_1(%arg0: i32) -> (i32, i32) {
    %c0_i32 = arith.constant 0 : i32
    %c0_i32_0 = arith.constant 0 : i32
    return %c0_i32, %arg0 : i32, i32
  }
  func.func @transform_2(%arg0: i32) -> (i32, i32) {
    %c0_i32 = arith.constant 0 : i32
    %c0_i32_0 = arith.constant 0 : i32
    return %c0_i32, %arg0 : i32, i32
  }
  func.func @transform_3(%arg0: i32) -> (i32, i32) {
    %c0_i32 = arith.constant 0 : i32
    %c0_i32_0 = arith.constant 0 : i32
    return %arg0, %c0_i32 : i32, i32
  }
}

</mosaic_0001>

<sc_bundles>
// kernel: kernel.6.cloned.1.call-start
scs
__scs_entry_jumppad:
0x0: {  	(pc) =	sbr.rel $0x88, $3  }
0x1: {  	(tag) =	ssettag $0x0;
	lr =	simm.s32 $0x1  }
0x2: {  	[smem:$0x3F9C] =	sst lr;
	_ =	strace $0xD0000000  }
0x3: {  	_ = 	snop  }
0x4: {  	_ = 	snop  }
0x5: {  	_ = 	snop  }
0x6: {  	_ = 	snop  }
0x7: {  	_ = 	snop  }
__scs_overlays_trampoline_lowered:
0x8: {  	[smem:$0x3FAB] =	sst s0  }
0x9: {  	[smem:$0x3FAC] =	sst s1  }
0xa: {  	[smem:$0x3FAD] =	sst s2  }
0xb: {  	[smem:$0x3FAE] =	sst s3  }
0xc: {  	[smem:$0x3FAF] =	sst s4  }
0xd: {  	[smem:$0x3FB0] =	sst s5  }
0xe: {  	[smem:$0x3FB1] =	sst s6  }
0xf: {  	[smem:$0x3FB2] =	sst s7  }
0x10: {  	[smem:$0x3FB3] =	sst s8  }
0x11: {  	[smem:$0x3FB4] =	sst s9;
	s0 =	simm.s32 @!p0 $0x0  }
0x12: {  	s1 =	sld [smem:$0x3F9A];
	s0 =	simm.s32 @p0 $0x1  }
0x13: {  	[smem:$0x3FB5] =	sst s0;
	s0 =	simm.s32 @!p1 $0x0  }
0x14: {  	s2 =	sld [smem:$0x3F99];
	s0 =	simm.s32 @p1 $0x1  }
0x15: {  	[smem:$0x3FB6] =	sst s0;
	s0 =	simm.s32 @!p2 $0x0  }
0x16: {  	s3 =	sld [smem:$0x3FDB];
	s0 =	simm.s32 @p2 $0x1  }
0x17: {  	s4 =	simm.s32 $0x1BF5;
	[smem:$0x3FB8] =	sst s0  }
0x18: {  	s0 =	sld [smem:$0x3F9B];
	_ =	swait.ge [sflag:s4], $0x0  }
0x19: {  	s7 =	sld [smem:$0x3F9C]  }
0x1a: {  	s8 =	sadd.s32 $0xFFFFE003, lr  }
0x1b: {  	s9 =	sadd.s32 $0xFFFFFEF7, lr;
	s5 =	simm.s32 $0xFFFFFFFF;
	p2 =	slt.u32 s8, $0xFFFFF086  }
0x1c: {  	p1 =	slt.u32 s9, $0xF7A;
	s5 =	simm.s32 @!p2 $0x0  }
0x1d: {  	s5 =	simm.s32 @p1 $0x1;
	p0 =	seq.s32 s7, s2  }
0x1e: {  	s7 =	smul.u32 @!p0 $0xF7A, s2;
	p2 =	seq.s32 @!p0 s5, $0x0  }
0x1f: {  	s9 =	smul.u32 $0xF7A, s1;
	s8 =	simm.s32 @!p0 $0x1BF5;
	p2 =	por !p2, p0  }
0x20: {  	[sflag:s8] =	ssyncset.s32 @!p0 $0xFFFFF086;
	s6 =	sadd.s32 @!p0 s3, s7;
	s7 =	simm.s32 @!p0 $0x108  }
0x21: {  	s3 =	sadd.s32 s3, s9;
	s6 =	sadd.s32 @!p0 $0x88, s6;
	s7 =	simm.s32 @p2 $0x1082  }
0x22: {  	[simem:s7], [sflag:s8] =	dma.local @!p0 [hbm:s6], $0xF7A  }
0x23: {  	s9 =	sor.u32 $0xD0000000, s2;
	s6 =	simm.s32 $0x108;
	_ =	swait.ge @!p0 [sflag:s8], $0x0  }
0x24: {  	s3 =	sadd.s32 $0x88, s3;
	s6 =	simm.s32 @!p1 $0x1082;
	[sflag:s4] =	ssyncset.s32 $0xFFFFF086  }
0x25: {  	[simem:s6], [sflag:s4] =	dma.local [hbm:s3], $0xF7A  }
0x26: {  	[smem:$0x3F9C] =	sst s1;
	(tag) =	ssettag s2;
	_ =	strace s9  }
0x27: {  	s1 =	sld [smem:$0x3FAC]  }
0x28: {  	s2 =	sld [smem:$0x3FAD]  }
0x29: {  	s4 =	sld [smem:$0x3FAF]  }
0x2a: {  	p0 =	seq.s32 s5, $0x0;
	s5 =	sld [smem:$0x3FB0]  }
0x2b: {  	s6 =	sld [smem:$0x3FB1]  }
0x2c: {  	s7 =	sld [smem:$0x3FB2]  }
0x2d: {  	s3 =	simm.s32 $0x108;
	s8 =	sld [smem:$0x3FB3]  }
0x2e: {  	s3 =	simm.s32 @!p0 $0x1082;
	s9 =	sld [smem:$0x3FB4]  }
0x2f: {  	lr =	sadd.s32 s0, s3;
	s0 =	sld [smem:$0x3FAB]  }
0x30: {  	s3 =	sld [smem:$0x3FAE]  }
0x31: {  	[smem:$0x3FB7] =	sst s10  }
0x32: {  	s10 =	sld [smem:$0x3FB5];
	_ =	sdelay $0x3  }
0x33: {  	p0 =	seq.s32 s10, $0x1;
	s10 =	sld [smem:$0x3FB7];
	_ =	sdelay $0x3  }
0x34: {  	[smem:$0x3FB7] =	sst s10  }
0x35: {  	s10 =	sld [smem:$0x3FB6];
	_ =	sdelay $0x3  }
0x36: {  	p1 =	seq.s32 s10, $0x1;
	s10 =	sld [smem:$0x3FB7];
	_ =	sdelay $0x3  }
0x37: {  	[smem:$0x3FB7] =	sst s10  }
0x38: {  	s10 =	sld [smem:$0x3FB8]  }
0x39: {  	_ = 	snop;
	(pc) =	sbr.ind lr, $3  }
0x3a: {  	_ = 	snop  }
0x3b: {  	_ = 	snop  }
0x3c: {  	p2 =	seq.s32 s10, $0x1;
	s10 =	sld [smem:$0x3FB7]  }
0x3d: {  	_ =	shalt  }
0x3e: {  	_ =	shalt  }
0x3f: {  	_ =	shalt  }
0x40: {  	_ =	shalt  }
0x41: {  	_ =	shalt  }
0x42: {  	_ =	shalt  }
0x43: {  	_ =	shalt  }
0x44: {  	_ =	shalt  }
0x45: {  	_ =	shalt  }
0x46: {  	_ =	shalt  }
0x47: {  	_ =	shalt  }
0x48: {  	_ =	shalt  }
0x49: {  	_ =	shalt  }
0x4a: {  	_ =	shalt  }
0x4b: {  	_ =	shalt  }
0x4c: {  	_ =	shalt  }
0x4d: {  	_ =	shalt  }
0x4e: {  	_ =	shalt  }
0x4f: {  	_ =	shalt  }
0x50: {  	_ =	shalt  }
0x51: {  	_ =	shalt  }
0x52: {  	_ =	shalt  }
0x53: {  	_ =	shalt  }
0x54: {  	_ =	shalt  }
0x55: {  	_ =	shalt  }
0x56: {  	_ =	shalt  }
0x57: {  	_ =	shalt  }
0x58: {  	_ =	shalt  }
0x59: {  	_ =	shalt  }
0x5a: {  	_ =	shalt  }
0x5b: {  	_ =	shalt  }
0x5c: {  	_ =	shalt  }
0x5d: {  	_ =	shalt  }
0x5e: {  	_ =	shalt  }
0x5f: {  	_ =	shalt  }
0x60: {  	_ =	shalt  }
0x61: {  	_ =	shalt  }
0x62: {  	_ =	shalt  }
0x63: {  	_ =	shalt  }
0x64: {  	_ =	shalt  }
0x65: {  	_ =	shalt  }
0x66: {  	_ =	shalt  }
0x67: {  	_ =	shalt  }
0x68: {  	_ =	shalt  }
0x69: {  	_ =	shalt  }
0x6a: {  	_ =	shalt  }
0x6b: {  	_ =	shalt  }
0x6c: {  	_ =	shalt  }
0x6d: {  	_ =	shalt  }
0x6e: {  	_ =	shalt  }
0x6f: {  	_ =	shalt  }
0x70: {  	_ =	shalt  }
0x71: {  	_ =	shalt  }
0x72: {  	_ =	shalt  }
0x73: {  	_ =	shalt  }
0x74: {  	_ =	shalt  }
0x75: {  	_ =	shalt  }
0x76: {  	_ =	shalt  }
0x77: {  	_ =	shalt  }
0x78: {  	_ =	shalt  }
0x79: {  	_ =	shalt  }
0x7a: {  	_ =	shalt  }
0x7b: {  	_ =	shalt  }
0x7c: {  	_ =	shalt  }
0x7d: {  	_ =	shalt  }
0x7e: {  	_ =	shalt  }
0x7f: {  	_ =	shalt  }
0x80: {  	_ =	shalt  }
0x81: {  	_ =	shalt  }
0x82: {  	_ =	shalt  }
0x83: {  	_ =	shalt  }
0x84: {  	_ =	shalt  }
0x85: {  	_ =	shalt  }
0x86: {  	_ =	shalt  }
0x87: {  	_ =	shalt  }
.Lfunc_end0:
.L_simem_size_0:
called_computation_lowered:
.L_overlay_start_0:
0x88: {  	s2 =	sld [smem:$0x3FD9]  }
0x89: {  	s3 =	sld [smem:$0x3FFE];
	_ =	sdelay $0x1  }
0x8a: {  	s1 =	srdreg.scid  }
0x8b: {  	s0 =	sand.u32 $0x1, s1  }
0x8c: {  	s17 =	sshll.u32 s0, $0xA;
	s2 =	sadd.s32 s3, s2  }
0x8d: {  	s2 =	sadd.s32 s2, s17  }
0x8e: {  	[smem:$0x3FC3] =	sst s2  }
0x8f: {  	_ = 	snop  }
0x90: {  	s2 =	sld [smem:$0x3FC8]  }
0x91: {  	s18 =	sld [smem:$0x3FD0];
	(tm) =	ssettm $0x1  }
0x92: {  	s4 =	sld [smem:$0x3FFB];
	_ =	sdelay $0x3  }
0x93: {  	_ =	strace s4  }
0x94: {  	s4 =	sld [smem:$0x3FFC];
	_ =	sdelay $0x3  }
0x95: {  	_ =	strace s4  }
0x96: {  	s4 =	sld [smem:$0x3FFD];
	_ =	sdelay $0x3  }
0x97: {  	_ =	strace s4  }
0x98: {  	_ =	strace $0x8FFFFFFF  }
0x99: {  	s19 =	sld [smem:$0x3FDB];
	_ =	sdelay $0x1  }
0x9a: {  	s5 =	simm.s32 $_scs_section_size  }
0x9b: {  	s6 =	simm.s32 $_size__tile_overlayer_lowered;
	s7 =	simm.s32 $_tile_overlayer_lowered  }
0x9c: {  	s22 =	simm.s32 $0x1BFF;
	s21 =	sshll.u32 s7, $0x1;
	s4 =	sadd.s32 s5, s19  }
0x9d: {  	s8 =	simm.s32 $0x0;
	s20 =	sshll.u32 s6, $0x1;
	s6 =	sadd.s32 s21, s4  }
0x9e: {  	[timem:s8], [sflag:s22] =	dma.local [hbm:s6], s20  }
0x9f: {  	_ =	swait.ge [sflag:s22], s20  }
0xa0: {  	s5 =	ssub.s32 $0x0, s20;
	[sflag:s22] =	ssyncset.done $0x0  }
0xa1: {  	[sflag:s22] =	ssyncadd.s32 s5;
	_ =	sdelay $0x1  }
0xa2: {  	s23 =	simm.s32 $0x1B8B  }
0xa3: {  	_ =	swait.ge [sflag:s23], $0x1  }
0xa4: {  	[sflag:s23] =	ssyncset.done $0x0  }
0xa5: {  	s25 =	simm.s32 $0x1B8E;
	s24 =	sld [smem:$0x3FFE];
	[sflag:s23] =	ssyncadd.s32 $0xFFFFFFFF  }
0xa6: {  	s26 =	simm.s32 $execute0_lowered;
	[smem:$0x3FD2] =	sst s25  }
0xa7: {  	s6 =	sshll.u32 s26, $0x1;
	_ =	strace $0x80000046;
	[dreg:$0x1] =	wrdreg $0xFFFFFFFF  }
0xa8: {  	s28 =	simm.s32 $_size_execute0_lowered;
	s4 =	sadd.s32 s4, s6;
	[dreg:$0x0] =	wrdreg $0x0  }
0xa9: {  	s6 =	sshll.u32 s28, $0x1;
	[dreg:$0x2] =	wrdreg s4  }
0xaa: {  	[dreg:$0x3] =	wrdreg s6  }
0xab: {  	[dreg:$0x4] =	wrdreg $0xC0  }
0xac: {  	_ =	task [dreg:s8], $0x5FFFF  }
0xad: {  	[dreg:$0x1] =	wrdreg $0xFFFFFFFF  }
0xae: {  	[dreg:$0x0] =	wrdreg $0x60  }
0xaf: {  	[dreg:$0x2] =	wrdreg s2  }
0xb0: {  	[dreg:$0x3] =	wrdreg s18  }
0xb1: {  	[dreg:$0x4] =	wrdreg s24  }
0xb2: {  	[dreg:$0x5] =	wrdreg $0x4000  }
0xb3: {  	[dreg:$0x6] =	wrdreg $0x6780  }
0xb4: {  	[dreg:$0x7] =	wrdreg $0x9  }
0xb5: {  	_ =	task.clear_ibuf [dreg:s8], $0x8FFFF;
	_ =	strace $0x90000046  }
0xb6: {  	s29 =	simm.s32 $0x9;
	_ =	strace $0x80000048  }
0xb7: {  	_ =	swait.ge [sflag:s29], $0x1  }
0xb8: {  	[sflag:s29] =	ssyncadd.s32 $0xFFFFFFFF  }
0xb9: {  	_ =	strace $0x90000048  }
0xba: {  	_ =	sfence  }
0xbb: {  	s30 =	sld [smem:$0x0];
	_ =	sdelay $0x2  }
0xbc: {  	s31 =	sshll.u32 s1, $0xD;
	s1 =	sshrl.u32 s1, $0x2  }
0xbd: {  	s3 =	sand.u32 $0x4000, s31;
	s1 =	sadd.s32 s1, s30  }
0xbe: {  	s0 =	sor.u32 s3, s0;
	s1 =	sshll.u32 s1, $0x11  }
0xbf: {  	s0 =	sor.u32 s1, s0  }
0xc0: {  	s0 =	sadd.s32 $0x8F2B, s0  }
0xc1: {  	[sflag:s0] =	ssyncadd.remote.s32 $0x1  }
0xc2: {  	_ =	sfence.sel $0xFFFF  }
0xc3: {  	[dreg:$0x0] =	wrdreg $0xFFFFFFFF;
	(pc) =	sbr.abs _section_cstart, $3  }
0xc4: {  	[dreg:$0x1] =	wrdreg $0xFFFFFFFF  }
0xc5: {  	_ =	task.clear_ibuf [dreg:s8], $0x2FFFF;
	_ =	strace $0x9FFFFFFF  }
0xc6: {  	(tm) =	ssettm $0x7FFFFFFF  }
0xc7: {  	_ =	shalt  }
tec
execute0_lowered:
.L_overlay_start_1:
0x0: {  	(tag) =	ssettag $0x1  }
0x1: {  	s9 =	rddreg [dreg:$0x0]  }
0x2: {  	s8 =	rddreg [dreg:$0x1]  }
0x3: {  	s5 =	rddreg [dreg:$0x2]  }
0x4: {  	s1 =	srdreg.scid;
	s2 =	rddreg [dreg:$0x3]  }
0x5: {  	s0 =	stileid.u32;
	s3 =	rddreg [dreg:$0x4]  }
0x6: {  	s4 =	simm.s32 $0x0;
	s10 =	sand.u32 $0x1, s1;
	s1 =	rddreg [dreg:$0x5]  }
0x7: {  	s7 =	smul.u32 $0x278, s0;
	[smem:$0x7FF] =	sst s4  }
0x8: {  	s14 =	sshll.u32 s0, $0x6;
	s6 =	smul.u32 $0x2780, s10;
	s11 =	ssub.s32 $0x2, s10  }
0x9: {  	_ =	strace $0x80000047;
	s30 =	sadd.s32 s14, s9;
	s31 =	sshll.u32 s10, $0x5  }
0xa: {  	s14 =	simm.s32 $0x0;
	s29 =	sshrl.u32 s11, $0x1;
	s6 =	sadd.s32 s7, s6  }
0xb: {  	s11 =	ssub.s32 s11, s29;
	s12 =	sshrl.u32 s6, $0x3;
	s6 =	sadd.s32 s7, s2  }
0xc: {  	s7 =	sadd.s32 s7, s3;
	s10 =	smax.u32 s11, $0x1;
	s11 =	sadd.s32 s31, s30  }
0xd: {  	s13 =	sadd.s32 s12, s5;
	s5 =	sshll.u32 s0, $0x1;
	s8 =	sadd.s32 s8, s12  }
0xe: {  	v0 =	vimm.f32 $1.000000000e+00;
	v1 =	vimm.f32 $0.0e+00;
	s12 =	simm.s32 $0x180;
	s9 =	sadd.s32 $0x2000, s13;
	s13 =	simm.s32 $0x2  }
.LBB2_1:
0xf: {  	[tilespmem:$0x100] =	vst v0  }
0x10: {  	[tilespmem:$0x110] =	vst v0  }
0x11: {  	[tilespmem:$0x120] =	vst v0  }
0x12: {  	[tilespmem:$0x130] =	vst v0  }
0x13: {  	[tilespmem:$0x140] =	vst v0  }
0x14: {  	[tilespmem:$0x150] =	vst v0  }
0x15: {  	[tilespmem:$0x160] =	vst v0  }
0x16: {  	[tilespmem:$0x170] =	vst v0  }
0x17: {  	[tilespmem:$0x180] =	vst v1  }
0x18: {  	[tilespmem:$0x190] =	vst v1  }
0x19: {  	[tilespmem:$0x1A0] =	vst v1  }
0x1a: {  	[tilespmem:$0x1B0] =	vst v1  }
0x1b: {  	[tilespmem:$0x1C0] =	vst v1  }
0x1c: {  	[tilespmem:$0x1D0] =	vst v1  }
0x1d: {  	[tilespmem:$0x1E0] =	vst v1  }
0x1e: {  	[tilespmem:$0x1F0] =	vst v1  }
0x1f: {  	[tilespmem:$0x200] =	vst v1  }
0x20: {  	[tilespmem:$0x210] =	vst v1  }
0x21: {  	[tilespmem:$0x220] =	vst v1  }
0x22: {  	[tilespmem:$0x230] =	vst v1  }
0x23: {  	[tilespmem:$0x240] =	vst v1  }
0x24: {  	[tilespmem:$0x250] =	vst v1  }
0x25: {  	[tilespmem:$0x260] =	vst v1  }
0x26: {  	[tilespmem:$0x270] =	vst v1  }
0x27: {  	[tilespmem:$0x280] =	vst v1  }
0x28: {  	[tilespmem:$0x290] =	vst v1  }
0x29: {  	[tilespmem:$0x2A0] =	vst v1  }
0x2a: {  	[tilespmem:$0x2B0] =	vst v1  }
0x2b: {  	[tilespmem:$0x2C0] =	vst v1  }
0x2c: {  	[tilespmem:$0x2D0] =	vst v1  }
0x2d: {  	[tilespmem:$0x2E0] =	vst v1  }
0x2e: {  	[tilespmem:$0x2F0] =	vst v1  }
0x2f: {  	[tilespmem:$0x300] =	vst v1  }
0x30: {  	[tilespmem:$0x310] =	vst v1  }
0x31: {  	[tilespmem:$0x320] =	vst v1  }
0x32: {  	[tilespmem:$0x330] =	vst v1  }
0x33: {  	[tilespmem:$0x340] =	vst v1  }
0x34: {  	[tilespmem:$0x350] =	vst v1  }
0x35: {  	[tilespmem:$0x360] =	vst v1  }
0x36: {  	[tilespmem:$0x370] =	vst v1  }
0x37: {  	[tilespmem:$0x380] =	vst v1  }
0x38: {  	[tilespmem:$0x390] =	vst v1  }
0x39: {  	[tilespmem:$0x3A0] =	vst v1  }
0x3a: {  	[tilespmem:$0x3B0] =	vst v1  }
0x3b: {  	[tilespmem:$0x3C0] =	vst v1  }
0x3c: {  	[tilespmem:$0x3D0] =	vst v1  }
0x3d: {  	[tilespmem:$0x3E0] =	vst v1  }
0x3e: {  	[tilespmem:$0x3F0] =	vst v1  }
0x3f: {  	[spmem:s6] =	stream.linear.scatter [tilespmem:s12], [sflag:$0x2], $0x278, $0x38;
	[tilespmem:$0x8F0] =	vst v63  }
0x40: {  	_ =	swait.ge [sflag:s13], $0x278  }
0x41: {  	[sflag:s13] =	ssyncset.done $0x0  }
0x42: {  	[sflag:s13] =	ssyncadd.s32 $0xFFFFFD88  }
0x43: {  	[spmem:s7] =	stream.linear.scatter [tilespmem:s12], [sflag:$0x2], $0x278, $0x38;
	[tilespmem:$0x8F0] =	vst v63  }
0x44: {  	_ =	swait.ge [sflag:s13], $0x278  }
0x45: {  	s15 =	sadd.s32 $0x0, s5;
	[sflag:s13] =	ssyncset.done $0x0  }
0x46: {  	p0 =	sgt.u32 s15, $0x9C3;
	[sflag:s13] =	ssyncadd.s32 $0xFFFFFD88  }
0x47: {  	s15 =	simm.s32 @!p0 $0x0;
	s16 =	simm.s32 @!p0 $0x1;
	[bflag:$0x0] =	sbarrier.arrive $0xFFFF  }
0x48: {  	[tilespmem:s15], [sflag:$0x1] =	stream.linear.gather @!p0 [hbm4b:s11+s15], $0x100, $0x38;
	[tilespmem:$0x8F0] =	vst v63  }
0x49: {  	_ =	swait.ge @!p0 [sflag:s16], $0x100  }
0x4a: {  	s17 =	simm.s32 @!p0 $0x3;
	[sflag:s16] =	ssyncset.done @!p0 $0x0  }
0x4b: {  	s18 =	simm.s32 @!p0 $0x100;
	[sflag:s16] =	ssyncadd.s32 @!p0 $0xFFFFFF00;
	s16 =	simm.s32 @!p0 $0x80  }
0x4c: {  	[spmem:s2] =	stream.indirect.scatter.add.f32 @!p0 [tilespmem:s18], [sflag:$0x3], $0x1, s15, s16, $0xb8;
	[tilespmem:$0x8F0] =	vst v63  }
0x4d: {  	p1 =	por p0, p0;
	_ =	swait.ge @!p0 [sflag:s17], $0x80  }
0x4e: {  	[sflag:s17] =	ssyncset.done @!p1 $0x0  }
0x4f: {  	[sflag:s17] =	ssyncadd.s32 @!p1 $0xFFFFFF80;
	s17 =	simm.s32 @!p1 $0x2  }
0x50: {  	[spmem:s3] =	stream.indirect.scatter.add.f32 @!p1 [tilespmem:s18], [sflag:$0x2], $0x1, s16, s16, $0xb8;
	[tilespmem:$0x8F0] =	vst v63  }
0x51: {  	s31 =	sadd.s32 $0x20, s5;
	s15 =	simm.s32 $0x40;
	_ =	swait.ge @!p1 [sflag:s17], $0x80  }
0x52: {  	p0 =	sgt.u32 s31, $0x9C3;
	s16 =	sadd.s32 $0x400, s11;
	[sflag:s17] =	ssyncset.done @!p1 $0x0  }
.LBB2_2:
0x53: {  	s18 =	simm.s32 @!p0 $0x0;
	s19 =	simm.s32 @!p0 $0x1;
	[sflag:s17] =	ssyncadd.s32 @!p1 $0xFFFFFF80  }
0x54: {  	[tilespmem:s18], [sflag:$0x1] =	stream.linear.gather @!p0 [hbm4b:s16+s18], $0x100, $0x38;
	[tilespmem:$0x8F0] =	vst v63  }
0x55: {  	s20 =	smov.u32 s15;
	s15 =	sadd.s32 $0x20, s15;
	_ =	swait.ge @!p0 [sflag:s19], $0x100  }
0x56: {  	s17 =	simm.s32 @!p0 $0x3;
	p2 =	sne.s32 s15, $0x9E0;
	[sflag:s19] =	ssyncset.done @!p0 $0x0  }
0x57: {  	s21 =	simm.s32 @!p0 $0x100;
	[sflag:s19] =	ssyncadd.s32 @!p0 $0xFFFFFF00;
	s19 =	simm.s32 @!p0 $0x80  }
0x58: {  	[spmem:s2] =	stream.indirect.scatter.add.f32 @!p0 [tilespmem:s21], [sflag:$0x3], $0x1, s18, s19, $0xb8;
	[tilespmem:$0x8F0] =	vst v63  }
0x59: {  	p1 =	por p0, p0;
	_ =	swait.ge @!p0 [sflag:s17], $0x80  }
.Ltmp0:
0x5a: {  	[sflag:s17] =	ssyncset.done @!p1 $0x0;
	(pc) =	sbr.rel @p2 .LBB2_2-.Ltmp0, $4  }
0x5b: {  	[sflag:s17] =	ssyncadd.s32 @!p1 $0xFFFFFF80;
	s17 =	simm.s32 @!p1 $0x2  }
0x5c: {  	[spmem:s3] =	stream.indirect.scatter.add.f32 @!p1 [tilespmem:s21], [sflag:$0x2], $0x1, s19, s19, $0xb8;
	[tilespmem:$0x8F0] =	vst v63  }
0x5d: {  	s18 =	sadd.s32 s20, s5;
	_ =	swait.ge @!p1 [sflag:s17], $0x80  }
0x5e: {  	s16 =	sadd.s32 $0x400, s16;
	p0 =	sgt.u32 s18, $0x9C3;
	[sflag:s17] =	ssyncset.done @!p1 $0x0  }
0x5f: {  	s15 =	simm.s32 @!p0 $0x0;
	s18 =	simm.s32 @!p0 $0x1;
	[sflag:s17] =	ssyncadd.s32 @!p1 $0xFFFFFF80  }
0x60: {  	[tilespmem:s15], [sflag:$0x1] =	stream.linear.gather @!p0 [hbm4b:s16+s15], $0x100, $0x38;
	[tilespmem:$0x8F0] =	vst v63  }
0x61: {  	_ =	swait.ge @!p0 [sflag:s18], $0x100  }
0x62: {  	s17 =	simm.s32 @!p0 $0x80;
	[sflag:s18] =	ssyncset.done @!p0 $0x0  }
0x63: {  	s16 =	simm.s32 @!p0 $0x3;
	[sflag:s18] =	ssyncadd.s32 @!p0 $0xFFFFFF00;
	s18 =	simm.s32 @!p0 $0x100  }
0x64: {  	[spmem:s2] =	stream.indirect.scatter.add.f32 @!p0 [tilespmem:s18], [sflag:$0x3], $0x1, s15, s17, $0xb8;
	[tilespmem:$0x8F0] =	vst v63  }
0x65: {  	_ =	swait.ge @!p0 [sflag:s16], $0x80;
	p0 =	por p0, p0  }
0x66: {  	[sflag:s16] =	ssyncset.done @!p0 $0x0  }
0x67: {  	s15 =	simm.s32 @!p0 $0x2;
	[sflag:s16] =	ssyncadd.s32 @!p0 $0xFFFFFF80  }
0x68: {  	[spmem:s3] =	stream.indirect.scatter.add.f32 @!p0 [tilespmem:s18], [sflag:$0x2], $0x1, s17, s17, $0xb8;
	[tilespmem:$0x8F0] =	vst v63  }
0x69: {  	_ =	swait.ge @!p0 [sflag:s15], $0x80  }
0x6a: {  	[sflag:s15] =	ssyncset.done @!p0 $0x0  }
0x6b: {  	[sflag:s15] =	ssyncadd.s32 @!p0 $0xFFFFFF80  }
0x6c: {  	[bflag:$0x0] =	sbarrier.arrive $0xFFFF  }
0x6d: {  	[tilespmem:s12], [sflag:$0x2] =	stream.linear.gather [spmem:s6], $0x278, $0x38;
	[tilespmem:$0x8F0] =	vst v63  }
0x6e: {  	_ =	swait.ge [sflag:s13], $0x278  }
0x6f: {  	[sflag:s13] =	ssyncset.done $0x0  }
0x70: {  	[sflag:s13] =	ssyncadd.s32 $0xFFFFFD88  }
0x71: {  	[hbm4b:s8+s4] =	stream.linear.scatter [tilespmem:s12], [sflag:$0x2], $0x278, $0x38;
	[tilespmem:$0x8F0] =	vst v63  }
0x72: {  	_ =	swait.ge [sflag:s13], $0x278  }
0x73: {  	[sflag:s13] =	ssyncset.done $0x0  }
0x74: {  	[sflag:s13] =	ssyncadd.s32 $0xFFFFFD88  }
0x75: {  	[tilespmem:s12], [sflag:$0x2] =	stream.linear.gather [spmem:s7], $0x278, $0x38;
	[tilespmem:$0x8F0] =	vst v63  }
0x76: {  	s14 =	sadd.s32 $0x1, s14;
	_ =	swait.ge [sflag:s13], $0x278  }
0x77: {  	p0 =	sne.s32 s14, s10;
	[sflag:s13] =	ssyncset.done $0x0  }
.Ltmp1:
0x78: {  	[sflag:s13] =	ssyncadd.s32 $0xFFFFFD88;
	(pc) =	sbr.rel @p0 .LBB2_1-.Ltmp1, $4  }
0x79: {  	[hbm4b:s9+s4] =	stream.linear.scatter [tilespmem:s12], [sflag:$0x2], $0x278, $0x38;
	[tilespmem:$0x8F0] =	vst v63  }
0x7a: {  	_ =	swait.ge [sflag:s13], $0x278  }
0x7b: {  	[sflag:s13] =	ssyncset.done $0x0  }
0x7c: {  	[sflag:s13] =	ssyncadd.s32 $0xFFFFFD88  }
0x7d: {  	_ =	sfence.sel $0x180000  }
0x7e: {  	[bflag:$0x0] =	sbarrier.arrive $0xFFFF  }
0x7f: {  	p0 =	sne.s32 s0, $0x0;
	_ =	strace $0x90000047  }
0x80: {  	s0 =	sadd.s32 @!p0 $0x100000, s1;
	[bflag:$0x2] =	sbarrier.arrive $0xFFFF  }
0x81: {  	[sflag:s0] =	ssyncadd.tile.s32 @!p0 $0x1;
	_ =	shalt  }
.Lfunc_end2:
_tile_overlayer_lowered:
.L_overlay_start_2:
0x82: {  	(tag) =	ssettag $0x2  }
0x83: {  	s0 =	rddreg [dreg:$0x0];
	s2 =	stileid.u32  }
0x84: {  	s1 =	rddreg [dreg:$0x1];
	p0 =	sne.s32 s2, $0x0  }
0x85: {  	s3 =	rddreg [dreg:$0x2];
	[bflag:$0x3] =	sbarrier.arrive $0xFFFF;
	s2 =	simm.s32 @!p0 $0x1C02  }
0x86: {  	[timem:s3], [sflag:s2] =	dma.local @!p0 [hbm:s0], s1  }
0x87: {  	s0 =	simm.s32 @!p0 $0x2  }
0x88: {  	_ =	swait.ge @!p0 [sflag:s0], s1  }
0x89: {  	s1 =	ssub.s32 @!p0 $0x0, s1;
	[sflag:s0] =	ssyncset.done @!p0 $0x0  }
0x8a: {  	[sflag:s0] =	ssyncadd.s32 @!p0 s1  }
0x8b: {  	[bflag:$0x3] =	sbarrier.arrive $0xFFFF  }
0x8c: {  	_ =	shalt  }

// kernel: kernel.9.cloned.1.call-start
scs
__scs_entry_jumppad:
0x0: {  	(pc) =	sbr.rel $0x88, $3  }
0x1: {  	(tag) =	ssettag $0x0;
	lr =	simm.s32 $0x1  }
0x2: {  	[smem:$0x3F9C] =	sst lr;
	_ =	strace $0xD0000000  }
0x3: {  	_ = 	snop  }
0x4: {  	_ = 	snop  }
0x5: {  	_ = 	snop  }
0x6: {  	_ = 	snop  }
0x7: {  	_ = 	snop  }
__scs_overlays_trampoline_lowered:
0x8: {  	[smem:$0x3FAB] =	sst s0  }
0x9: {  	[smem:$0x3FAC] =	sst s1  }
0xa: {  	[smem:$0x3FAD] =	sst s2  }
0xb: {  	[smem:$0x3FAE] =	sst s3  }
0xc: {  	[smem:$0x3FAF] =	sst s4  }
0xd: {  	[smem:$0x3FB0] =	sst s5  }
0xe: {  	[smem:$0x3FB1] =	sst s6  }
0xf: {  	[smem:$0x3FB2] =	sst s7  }
0x10: {  	[smem:$0x3FB3] =	sst s8  }
0x11: {  	[smem:$0x3FB4] =	sst s9;
	s0 =	simm.s32 @!p0 $0x0  }
0x12: {  	s1 =	sld [smem:$0x3F9A];
	s0 =	simm.s32 @p0 $0x1  }
0x13: {  	[smem:$0x3FB5] =	sst s0;
	s0 =	simm.s32 @!p1 $0x0  }
0x14: {  	s2 =	sld [smem:$0x3F99];
	s0 =	simm.s32 @p1 $0x1  }
0x15: {  	[smem:$0x3FB6] =	sst s0;
	s0 =	simm.s32 @!p2 $0x0  }
0x16: {  	s3 =	sld [smem:$0x3FDB];
	s0 =	simm.s32 @p2 $0x1  }
0x17: {  	s4 =	simm.s32 $0x1BF5;
	[smem:$0x3FB8] =	sst s0  }
0x18: {  	s0 =	sld [smem:$0x3F9B];
	_ =	swait.ge [sflag:s4], $0x0  }
0x19: {  	s7 =	sld [smem:$0x3F9C]  }
0x1a: {  	s8 =	sadd.s32 $0xFFFFE003, lr  }
0x1b: {  	s9 =	sadd.s32 $0xFFFFFEF7, lr;
	s5 =	simm.s32 $0xFFFFFFFF;
	p2 =	slt.u32 s8, $0xFFFFF086  }
0x1c: {  	p1 =	slt.u32 s9, $0xF7A;
	s5 =	simm.s32 @!p2 $0x0  }
0x1d: {  	s5 =	simm.s32 @p1 $0x1;
	p0 =	seq.s32 s7, s2  }
0x1e: {  	s7 =	smul.u32 @!p0 $0xF7A, s2;
	p2 =	seq.s32 @!p0 s5, $0x0  }
0x1f: {  	s9 =	smul.u32 $0xF7A, s1;
	s8 =	simm.s32 @!p0 $0x1BF5;
	p2 =	por !p2, p0  }
0x20: {  	[sflag:s8] =	ssyncset.s32 @!p0 $0xFFFFF086;
	s6 =	sadd.s32 @!p0 s3, s7;
	s7 =	simm.s32 @!p0 $0x108  }
0x21: {  	s3 =	sadd.s32 s3, s9;
	s6 =	sadd.s32 @!p0 $0x88, s6;
	s7 =	simm.s32 @p2 $0x1082  }
0x22: {  	[simem:s7], [sflag:s8] =	dma.local @!p0 [hbm:s6], $0xF7A  }
0x23: {  	s9 =	sor.u32 $0xD0000000, s2;
	s6 =	simm.s32 $0x108;
	_ =	swait.ge @!p0 [sflag:s8], $0x0  }
0x24: {  	s3 =	sadd.s32 $0x88, s3;
	s6 =	simm.s32 @!p1 $0x1082;
	[sflag:s4] =	ssyncset.s32 $0xFFFFF086  }
0x25: {  	[simem:s6], [sflag:s4] =	dma.local [hbm:s3], $0xF7A  }
0x26: {  	[smem:$0x3F9C] =	sst s1;
	(tag) =	ssettag s2;
	_ =	strace s9  }
0x27: {  	s1 =	sld [smem:$0x3FAC]  }
0x28: {  	s2 =	sld [smem:$0x3FAD]  }
0x29: {  	s4 =	sld [smem:$0x3FAF]  }
0x2a: {  	p0 =	seq.s32 s5, $0x0;
	s5 =	sld [smem:$0x3FB0]  }
0x2b: {  	s6 =	sld [smem:$0x3FB1]  }
0x2c: {  	s7 =	sld [smem:$0x3FB2]  }
0x2d: {  	s3 =	simm.s32 $0x108;
	s8 =	sld [smem:$0x3FB3]  }
0x2e: {  	s3 =	simm.s32 @!p0 $0x1082;
	s9 =	sld [smem:$0x3FB4]  }
0x2f: {  	lr =	sadd.s32 s0, s3;
	s0 =	sld [smem:$0x3FAB]  }
0x30: {  	s3 =	sld [smem:$0x3FAE]  }
0x31: {  	[smem:$0x3FB7] =	sst s10  }
0x32: {  	s10 =	sld [smem:$0x3FB5];
	_ =	sdelay $0x3  }
0x33: {  	p0 =	seq.s32 s10, $0x1;
	s10 =	sld [smem:$0x3FB7];
	_ =	sdelay $0x3  }
0x34: {  	[smem:$0x3FB7] =	sst s10  }
0x35: {  	s10 =	sld [smem:$0x3FB6];
	_ =	sdelay $0x3  }
0x36: {  	p1 =	seq.s32 s10, $0x1;
	s10 =	sld [smem:$0x3FB7];
	_ =	sdelay $0x3  }
0x37: {  	[smem:$0x3FB7] =	sst s10  }
0x38: {  	s10 =	sld [smem:$0x3FB8]  }
0x39: {  	_ = 	snop;
	(pc) =	sbr.ind lr, $3  }
0x3a: {  	_ = 	snop  }
0x3b: {  	_ = 	snop  }
0x3c: {  	p2 =	seq.s32 s10, $0x1;
	s10 =	sld [smem:$0x3FB7]  }
0x3d: {  	_ =	shalt  }
0x3e: {  	_ =	shalt  }
0x3f: {  	_ =	shalt  }
0x40: {  	_ =	shalt  }
0x41: {  	_ =	shalt  }
0x42: {  	_ =	shalt  }
0x43: {  	_ =	shalt  }
0x44: {  	_ =	shalt  }
0x45: {  	_ =	shalt  }
0x46: {  	_ =	shalt  }
0x47: {  	_ =	shalt  }
0x48: {  	_ =	shalt  }
0x49: {  	_ =	shalt  }
0x4a: {  	_ =	shalt  }
0x4b: {  	_ =	shalt  }
0x4c: {  	_ =	shalt  }
0x4d: {  	_ =	shalt  }
0x4e: {  	_ =	shalt  }
0x4f: {  	_ =	shalt  }
0x50: {  	_ =	shalt  }
0x51: {  	_ =	shalt  }
0x52: {  	_ =	shalt  }
0x53: {  	_ =	shalt  }
0x54: {  	_ =	shalt  }
0x55: {  	_ =	shalt  }
0x56: {  	_ =	shalt  }
0x57: {  	_ =	shalt  }
0x58: {  	_ =	shalt  }
0x59: {  	_ =	shalt  }
0x5a: {  	_ =	shalt  }
0x5b: {  	_ =	shalt  }
0x5c: {  	_ =	shalt  }
0x5d: {  	_ =	shalt  }
0x5e: {  	_ =	shalt  }
0x5f: {  	_ =	shalt  }
0x60: {  	_ =	shalt  }
0x61: {  	_ =	shalt  }
0x62: {  	_ =	shalt  }
0x63: {  	_ =	shalt  }
0x64: {  	_ =	shalt  }
0x65: {  	_ =	shalt  }
0x66: {  	_ =	shalt  }
0x67: {  	_ =	shalt  }
0x68: {  	_ =	shalt  }
0x69: {  	_ =	shalt  }
0x6a: {  	_ =	shalt  }
0x6b: {  	_ =	shalt  }
0x6c: {  	_ =	shalt  }
0x6d: {  	_ =	shalt  }
0x6e: {  	_ =	shalt  }
0x6f: {  	_ =	shalt  }
0x70: {  	_ =	shalt  }
0x71: {  	_ =	shalt  }
0x72: {  	_ =	shalt  }
0x73: {  	_ =	shalt  }
0x74: {  	_ =	shalt  }
0x75: {  	_ =	shalt  }
0x76: {  	_ =	shalt  }
0x77: {  	_ =	shalt  }
0x78: {  	_ =	shalt  }
0x79: {  	_ =	shalt  }
0x7a: {  	_ =	shalt  }
0x7b: {  	_ =	shalt  }
0x7c: {  	_ =	shalt  }
0x7d: {  	_ =	shalt  }
0x7e: {  	_ =	shalt  }
0x7f: {  	_ =	shalt  }
0x80: {  	_ =	shalt  }
0x81: {  	_ =	shalt  }
0x82: {  	_ =	shalt  }
0x83: {  	_ =	shalt  }
0x84: {  	_ =	shalt  }
0x85: {  	_ =	shalt  }
0x86: {  	_ =	shalt  }
0x87: {  	_ =	shalt  }
.Lfunc_end0:
.L_simem_size_0:
called_computation.1_lowered:
.L_overlay_start_0:
0x88: {  	s2 =	sld [smem:$0x3FD9]  }
0x89: {  	s3 =	sld [smem:$0x3FFE];
	_ =	sdelay $0x1  }
0x8a: {  	s1 =	srdreg.scid  }
0x8b: {  	s0 =	sand.u32 $0x1, s1  }
0x8c: {  	s17 =	sshll.u32 s0, $0xA;
	s2 =	sadd.s32 s3, s2  }
0x8d: {  	s2 =	sadd.s32 s2, s17  }
0x8e: {  	[smem:$0x3FC3] =	sst s2  }
0x8f: {  	_ = 	snop  }
0x90: {  	s2 =	sld [smem:$0x3FC8]  }
0x91: {  	s18 =	sld [smem:$0x3FD0];
	(tm) =	ssettm $0x1  }
0x92: {  	s4 =	sld [smem:$0x3FFB];
	_ =	sdelay $0x3  }
0x93: {  	_ =	strace s4  }
0x94: {  	s4 =	sld [smem:$0x3FFC];
	_ =	sdelay $0x3  }
0x95: {  	_ =	strace s4  }
0x96: {  	s4 =	sld [smem:$0x3FFD];
	_ =	sdelay $0x3  }
0x97: {  	_ =	strace s4  }
0x98: {  	_ =	strace $0x8FFFFFFF  }
0x99: {  	s19 =	sld [smem:$0x3FDB];
	_ =	sdelay $0x1  }
0x9a: {  	s5 =	simm.s32 $_scs_section_size  }
0x9b: {  	s6 =	simm.s32 $_size__tile_overlayer_lowered;
	s7 =	simm.s32 $_tile_overlayer_lowered  }
0x9c: {  	s22 =	simm.s32 $0x1BFF;
	s21 =	sshll.u32 s7, $0x1;
	s4 =	sadd.s32 s5, s19  }
0x9d: {  	s8 =	simm.s32 $0x0;
	s20 =	sshll.u32 s6, $0x1;
	s6 =	sadd.s32 s21, s4  }
0x9e: {  	[timem:s8], [sflag:s22] =	dma.local [hbm:s6], s20  }
0x9f: {  	_ =	swait.ge [sflag:s22], s20  }
0xa0: {  	s5 =	ssub.s32 $0x0, s20;
	[sflag:s22] =	ssyncset.done $0x0  }
0xa1: {  	[sflag:s22] =	ssyncadd.s32 s5;
	_ =	sdelay $0x1  }
0xa2: {  	s23 =	simm.s32 $0x1B8B  }
0xa3: {  	_ =	swait.ge [sflag:s23], $0x1  }
0xa4: {  	[sflag:s23] =	ssyncset.done $0x0  }
0xa5: {  	s25 =	simm.s32 $0x1B8E;
	s24 =	sld [smem:$0x3FFE];
	[sflag:s23] =	ssyncadd.s32 $0xFFFFFFFF  }
0xa6: {  	s26 =	simm.s32 $execute0_lowered;
	[smem:$0x3FD2] =	sst s25  }
0xa7: {  	s6 =	sshll.u32 s26, $0x1;
	_ =	strace $0x80000049;
	[dreg:$0x1] =	wrdreg $0xFFFFFFFF  }
0xa8: {  	s28 =	simm.s32 $_size_execute0_lowered;
	s4 =	sadd.s32 s4, s6;
	[dreg:$0x0] =	wrdreg $0x0  }
0xa9: {  	s6 =	sshll.u32 s28, $0x1;
	[dreg:$0x2] =	wrdreg s4  }
0xaa: {  	[dreg:$0x3] =	wrdreg s6  }
0xab: {  	[dreg:$0x4] =	wrdreg $0xC0  }
0xac: {  	_ =	task [dreg:s8], $0x5FFFF  }
0xad: {  	[dreg:$0x1] =	wrdreg $0xFFFFFFFF  }
0xae: {  	[dreg:$0x0] =	wrdreg $0x60  }
0xaf: {  	[dreg:$0x2] =	wrdreg s2  }
0xb0: {  	[dreg:$0x3] =	wrdreg s18  }
0xb1: {  	[dreg:$0x4] =	wrdreg s24  }
0xb2: {  	[dreg:$0x5] =	wrdreg $0x93000  }
0xb3: {  	[dreg:$0x6] =	wrdreg $0x1CF000  }
0xb4: {  	[dreg:$0x7] =	wrdreg $0x9  }
0xb5: {  	_ =	task.clear_ibuf [dreg:s8], $0x8FFFF;
	_ =	strace $0x90000049  }
0xb6: {  	s29 =	simm.s32 $0x9;
	_ =	strace $0x8000004B  }
0xb7: {  	_ =	swait.ge [sflag:s29], $0x1  }
0xb8: {  	[sflag:s29] =	ssyncadd.s32 $0xFFFFFFFF  }
0xb9: {  	_ =	strace $0x9000004B  }
0xba: {  	_ =	sfence  }
0xbb: {  	s30 =	sld [smem:$0x0];
	_ =	sdelay $0x2  }
0xbc: {  	s31 =	sshll.u32 s1, $0xD;
	s1 =	sshrl.u32 s1, $0x2  }
0xbd: {  	s3 =	sand.u32 $0x4000, s31;
	s1 =	sadd.s32 s1, s30  }
0xbe: {  	s0 =	sor.u32 s3, s0;
	s1 =	sshll.u32 s1, $0x11  }
0xbf: {  	s0 =	sor.u32 s1, s0  }
0xc0: {  	s0 =	sadd.s32 $0x8F2B, s0  }
0xc1: {  	[sflag:s0] =	ssyncadd.remote.s32 $0x1  }
0xc2: {  	_ =	sfence.sel $0xFFFF  }
0xc3: {  	[dreg:$0x0] =	wrdreg $0xFFFFFFFF;
	(pc) =	sbr.abs _section_cstart, $3  }
0xc4: {  	[dreg:$0x1] =	wrdreg $0xFFFFFFFF  }
0xc5: {  	_ =	task.clear_ibuf [dreg:s8], $0x2FFFF;
	_ =	strace $0x9FFFFFFF  }
0xc6: {  	(tm) =	ssettm $0x7FFFFFFF  }
0xc7: {  	_ =	shalt  }
tec
execute0_lowered:
.L_overlay_start_1:
0x0: {  	(tag) =	ssettag $0x1  }
0x1: {  	s1 =	rddreg [dreg:$0x0]  }
0x2: {  	s2 =	rddreg [dreg:$0x1]  }
0x3: {  	s0 =	rddreg [dreg:$0x2]  }
0x4: {  	s4 =	rddreg [dreg:$0x3]  }
0x5: {  	s5 =	rddreg [dreg:$0x4]  }
0x6: {  	s3 =	srdreg.scid;
	s12 =	stileid.u32  }
0x7: {  	s6 =	simm.s32 $0x0;
	s28 =	simm.s32 $0x1;
	s29 =	simm.s32 $0x80  }
0x8: {  	s30 =	simm.s32 $0x5000;
	s31 =	simm.s32 $0x4F80;
	s26 =	smul.u32 $0x278, s12  }
0x9: {  	s7 =	sand.u32 $0x1, s3;
	[smem:$0x7FF] =	sst s6;
	s11 =	smul.u32 $0x4F000, s12  }
0xa: {  	s9 =	sadd.s32 $0x2A00, s0;
	s16 =	sadd.s32 $0x3E00, s0;
	s20 =	smul.u32 $0x13C00, s12  }
0xb: {  	s8 =	smul.u32 $0x2780, s7;
	_ =	strace $0x8000004A;
	[dreg:$0x6] =	wrdreg s9  }
0xc: {  	s18 =	ssub.s32 $0x2, s7;
	s9 =	sshll.u32 s12, $0x1;
	s17 =	smul.u32 $0x13C000, s7  }
0xd: {  	s10 =	sshrl.u32 s18, $0x1;
	s19 =	sshrl.u32 s11, $0x2;
	s14 =	sshll.u32 s26, $0x7  }
0xe: {  	s8 =	sadd.s32 s26, s8;
	s15 =	sadd.s32 $0x4000, s14;
	s21 =	sadd.s32 $0x10000, s14  }
0xf: {  	s20 =	sadd.s32 s20, s17;
	s8 =	sshrl.u32 s8, $0x3;
	s11 =	sadd.s32 s15, s4  }
0x10: {  	s15 =	sadd.s32 s17, s15;
	s20 =	sshrl.u32 s20, $0x3;
	s0 =	sadd.s32 s8, s0  }
0x11: {  	s8 =	ssub.s32 s18, s10;
	s10 =	sadd.s32 s19, s4;
	s18 =	sadd.s32 $0x8000, s14  }
0x12: {  	s19 =	sadd.s32 $0xC000, s14;
	s14 =	sadd.s32 s21, s4;
	s22 =	sshrl.u32 s15, $0x3  }
0x13: {  	s15 =	sadd.s32 s26, s5;
	s20 =	sadd.s32 s16, s20;
	s12 =	sadd.s32 s18, s4  }
0x14: {  	s13 =	sadd.s32 s19, s4;
	[dreg:$0x7] =	wrdreg s20;
	s23 =	sadd.s32 s16, s22  }
0x15: {  	s24 =	sadd.s32 s17, s18;
	s25 =	sadd.s32 s17, s19;
	s17 =	sadd.s32 s17, s21  }
0x16: {  	s21 =	sadd.s32 $0x3400, s0;
	s22 =	smax.u32 s8, $0x1;
	s0 =	simm.s32 $0x3  }
.Ltmp0:
0x17: {  	[dreg:$0x8] =	wrdreg s23;
	s3 =	sshrl.u32 s24, $0x3;
	(pc) =	sbr.rel .LBB2_1-.Ltmp0, $4  }
0x18: {  	s18 =	sshrl.u32 s25, $0x3;
	s17 =	sshrl.u32 s17, $0x3;
	s23 =	simm.s32 $0x2  }
0x19: {  	s24 =	simm.s32 $0x5080;
	s25 =	simm.s32 $0x9080;
	s3 =	sadd.s32 s16, s3  }
0x1a: {  	s26 =	sadd.s32 s16, s18;
	s20 =	sadd.s32 s16, s17;
	[dreg:$0x9] =	wrdreg s3  }
0x1b: {  	v0 =	vimm.f32 $0.0e+00;
	[dreg:$0xa] =	wrdreg s26;
	s26 =	simm.s32 $0x4F00;
	s3 =	simm.s32 $0x0  }
.LBB2_9:
0x1c: {  	[bflag:$0x0] =	sbarrier.arrive $0xFFFF  }
0x1d: {  	[tilespmem:s24], [sflag:$0x2] =	stream.linear.gather [spmem:s10], $0x4000, $0x38;
	[tilespmem:$0x1D178] =	vst v63  }
0x1e: {  	_ =	swait.ge [sflag:s23], $0x4000  }
0x1f: {  	[sflag:s23] =	ssyncset.done $0x0  }
0x20: {  	s8 =	rddreg [dreg:$0x7];
	[sflag:s23] =	ssyncadd.s32 $0xFFFFC000  }
0x21: {  	[hbm4b:s8+s6] =	stream.linear.scatter [tilespmem:s24], [sflag:$0x2], $0x4000, $0x38;
	[tilespmem:$0x1D178] =	vst v63  }
0x22: {  	_ =	swait.ge [sflag:s23], $0x4000  }
0x23: {  	[sflag:s23] =	ssyncset.done $0x0  }
0x24: {  	[sflag:s23] =	ssyncadd.s32 $0xFFFFC000  }
0x25: {  	[tilespmem:s24], [sflag:$0x2] =	stream.linear.gather [spmem:s11], $0x4000, $0x38;
	[tilespmem:$0x1D178] =	vst v63  }
0x26: {  	_ =	swait.ge [sflag:s23], $0x4000  }
0x27: {  	[sflag:s23] =	ssyncset.done $0x0  }
0x28: {  	s17 =	rddreg [dreg:$0x8];
	[sflag:s23] =	ssyncadd.s32 $0xFFFFC000  }
0x29: {  	[hbm4b:s17+s6] =	stream.linear.scatter [tilespmem:s24], [sflag:$0x2], $0x4000, $0x38;
	[tilespmem:$0x1D178] =	vst v63  }
0x2a: {  	_ =	swait.ge [sflag:s23], $0x4000  }
0x2b: {  	[sflag:s23] =	ssyncset.done $0x0  }
0x2c: {  	[sflag:s23] =	ssyncadd.s32 $0xFFFFC000  }
0x2d: {  	[tilespmem:s24], [sflag:$0x2] =	stream.linear.gather [spmem:s12], $0x4000, $0x38;
	[tilespmem:$0x1D178] =	vst v63  }
0x2e: {  	_ =	swait.ge [sflag:s23], $0x4000  }
0x2f: {  	[sflag:s23] =	ssyncset.done $0x0  }
0x30: {  	s18 =	rddreg [dreg:$0x9];
	[sflag:s23] =	ssyncadd.s32 $0xFFFFC000  }
0x31: {  	[hbm4b:s18+s6] =	stream.linear.scatter [tilespmem:s24], [sflag:$0x2], $0x4000, $0x38;
	[tilespmem:$0x1D178] =	vst v63  }
0x32: {  	_ =	swait.ge [sflag:s23], $0x4000  }
0x33: {  	[sflag:s23] =	ssyncset.done $0x0  }
0x34: {  	[sflag:s23] =	ssyncadd.s32 $0xFFFFC000  }
0x35: {  	[tilespmem:s24], [sflag:$0x2] =	stream.linear.gather [spmem:s13], $0x4000, $0x38;
	[tilespmem:$0x1D178] =	vst v63  }
0x36: {  	_ =	swait.ge [sflag:s23], $0x4000  }
0x37: {  	[sflag:s23] =	ssyncset.done $0x0  }
0x38: {  	s19 =	rddreg [dreg:$0xa];
	[sflag:s23] =	ssyncadd.s32 $0xFFFFC000  }
0x39: {  	[hbm4b:s19+s6] =	stream.linear.scatter [tilespmem:s24], [sflag:$0x2], $0x4000, $0x38;
	[tilespmem:$0x1D178] =	vst v63  }
0x3a: {  	_ =	swait.ge [sflag:s23], $0x4000  }
0x3b: {  	[sflag:s23] =	ssyncset.done $0x0  }
0x3c: {  	[sflag:s23] =	ssyncadd.s32 $0xFFFFC000  }
0x3d: {  	[tilespmem:s24], [sflag:$0x2] =	stream.linear.gather [spmem:s14], $0x3C00, $0x38;
	[tilespmem:$0x1D178] =	vst v63  }
0x3e: {  	_ =	swait.ge [sflag:s23], $0x3C00  }
0x3f: {  	[sflag:s23] =	ssyncset.done $0x0  }
0x40: {  	[sflag:s23] =	ssyncadd.s32 $0xFFFFC400  }
0x41: {  	[hbm4b:s20+s6] =	stream.linear.scatter [tilespmem:s24], [sflag:$0x2], $0x3C00, $0x38;
	[tilespmem:$0x1D178] =	vst v63  }
0x42: {  	_ =	swait.ge [sflag:s23], $0x3C00  }
0x43: {  	[sflag:s23] =	ssyncset.done $0x0  }
0x44: {  	[sflag:s23] =	ssyncadd.s32 $0xFFFFC400  }
0x45: {  	[tilespmem:s25], [sflag:$0x2] =	stream.linear.gather [spmem:s15], $0x278, $0x38;
	[tilespmem:$0x1D178] =	vst v63  }
0x46: {  	s3 =	sadd.s32 $0x1, s3;
	_ =	swait.ge [sflag:s23], $0x278  }
0x47: {  	p0 =	sne.s32 s3, s22;
	[sflag:s23] =	ssyncset.done $0x0  }
.Ltmp1:
0x48: {  	[sflag:s23] =	ssyncadd.s32 $0xFFFFFD88;
	(pc) =	sbr.rel @!p0 .LBB2_10-.Ltmp1, $4  }
0x49: {  	[hbm4b:s21+s6] =	stream.linear.scatter [tilespmem:s25], [sflag:$0x2], $0x278, $0x38;
	[tilespmem:$0x1D178] =	vst v63  }
0x4a: {  	_ =	swait.ge [sflag:s23], $0x278  }
0x4b: {  	[sflag:s23] =	ssyncset.done $0x0  }
0x4c: {  	[sflag:s23] =	ssyncadd.s32 $0xFFFFFD88  }
.LBB2_1:
0x4d: {  	s8 =	rddreg [dreg:$0x6]  }
0x4e: {  	[tilespmem:s6], [sflag:$0x2] =	stream.linear.gather [hbm4b:s8+s6], $0x4F00, $0x38;
	[tilespmem:$0x1D178] =	vst v63  }
0x4f: {  	_ =	swait.ge [sflag:s23], $0x4F00  }
0x50: {  	[sflag:s23] =	ssyncset.done $0x0  }
0x51: {  	[sflag:s23] =	ssyncadd.s32 $0xFFFFB100  }
0x52: {  	[tilespmem:$0x9080] =	vst v0  }
0x53: {  	[tilespmem:$0x9090] =	vst v0  }
0x54: {  	[tilespmem:$0x90A0] =	vst v0  }
0x55: {  	[tilespmem:$0x90B0] =	vst v0  }
0x56: {  	[tilespmem:$0x90C0] =	vst v0  }
0x57: {  	[tilespmem:$0x90D0] =	vst v0  }
0x58: {  	[tilespmem:$0x90E0] =	vst v0  }
0x59: {  	[tilespmem:$0x90F0] =	vst v0  }
0x5a: {  	[tilespmem:$0x9100] =	vst v0  }
0x5b: {  	[tilespmem:$0x9110] =	vst v0  }
0x5c: {  	[tilespmem:$0x9120] =	vst v0  }
0x5d: {  	[tilespmem:$0x9130] =	vst v0  }
0x5e: {  	[tilespmem:$0x9140] =	vst v0  }
0x5f: {  	[tilespmem:$0x9150] =	vst v0  }
0x60: {  	[tilespmem:$0x9160] =	vst v0  }
0x61: {  	[tilespmem:$0x9170] =	vst v0  }
0x62: {  	[tilespmem:$0x9180] =	vst v0  }
0x63: {  	[tilespmem:$0x9190] =	vst v0  }
0x64: {  	[tilespmem:$0x91A0] =	vst v0  }
0x65: {  	[tilespmem:$0x91B0] =	vst v0  }
0x66: {  	[tilespmem:$0x91C0] =	vst v0  }
0x67: {  	[tilespmem:$0x91D0] =	vst v0  }
0x68: {  	[tilespmem:$0x91E0] =	vst v0  }
0x69: {  	[tilespmem:$0x91F0] =	vst v0  }
0x6a: {  	[tilespmem:$0x9200] =	vst v0  }
0x6b: {  	[tilespmem:$0x9210] =	vst v0  }
0x6c: {  	[tilespmem:$0x9220] =	vst v0  }
0x6d: {  	[tilespmem:$0x9230] =	vst v0  }
0x6e: {  	[tilespmem:$0x9240] =	vst v0  }
0x6f: {  	[tilespmem:$0x9250] =	vst v0  }
0x70: {  	[tilespmem:$0x9260] =	vst v0  }
0x71: {  	[tilespmem:$0x9270] =	vst v0  }
0x72: {  	[tilespmem:$0x9280] =	vst v0  }
0x73: {  	[tilespmem:$0x9290] =	vst v0  }
0x74: {  	[tilespmem:$0x92A0] =	vst v0  }
0x75: {  	[tilespmem:$0x92B0] =	vst v0  }
0x76: {  	[tilespmem:$0x92C0] =	vst v0  }
0x77: {  	[tilespmem:$0x92D0] =	vst v0  }
0x78: {  	[tilespmem:$0x92E0] =	vst v0  }
0x79: {  	s16 =	simm.s32 $0x200;
	s8 =	simm.s32 $0x0;
	[tilespmem:$0x92F0] =	vst v0  }
.LBB2_2:
0x7a: {  	p0 =	sne.s32 s16, $0xFE00;
	[tilespmem:s8+$0x50F0] =	vst v0  }
0x7b: {  	[tilespmem:s8+$0x5080] =	vst v0  }
0x7c: {  	[tilespmem:s8+$0x5090] =	vst v0  }
.Ltmp2:
0x7d: {  	[tilespmem:s8+$0x50A0] =	vst v0;
	(pc) =	sbr.rel @p0 .LBB2_2-.Ltmp2, $4  }
0x7e: {  	[tilespmem:s8+$0x50B0] =	vst v0  }
0x7f: {  	[tilespmem:s8+$0x50C0] =	vst v0  }
0x80: {  	[tilespmem:s8+$0x50D0] =	vst v0  }
0x81: {  	[tilespmem:s8+$0x50E0] =	vst v0;
	s8 =	sshra.s32 s16, $0x2;
	s16 =	sadd.s32 $0x200, s16  }
0x82: {  	[tilespmem:s8+$0x50F0] =	vst v0  }
0x83: {  	[tilespmem:s8+$0x5080] =	vst v0  }
0x84: {  	[tilespmem:s8+$0x5090] =	vst v0  }
0x85: {  	[tilespmem:s8+$0x50A0] =	vst v0  }
0x86: {  	[tilespmem:s8+$0x50B0] =	vst v0  }
0x87: {  	[tilespmem:s8+$0x50C0] =	vst v0  }
0x88: {  	[tilespmem:s8+$0x50D0] =	vst v0  }
0x89: {  	[tilespmem:s8+$0x50E0] =	vst v0  }
0x8a: {  	[spmem:s10] =	stream.linear.scatter [tilespmem:s24], [sflag:$0x2], $0x4000, $0x38;
	[tilespmem:$0x1D178] =	vst v63  }
0x8b: {  	_ =	swait.ge [sflag:s23], $0x4000  }
0x8c: {  	[sflag:s23] =	ssyncset.done $0x0  }
0x8d: {  	[sflag:s23] =	ssyncadd.s32 $0xFFFFC000  }
0x8e: {  	[spmem:s11] =	stream.linear.scatter [tilespmem:s24], [sflag:$0x2], $0x4000, $0x38;
	[tilespmem:$0x1D178] =	vst v63  }
0x8f: {  	_ =	swait.ge [sflag:s23], $0x4000  }
0x90: {  	[sflag:s23] =	ssyncset.done $0x0  }
0x91: {  	[sflag:s23] =	ssyncadd.s32 $0xFFFFC000  }
0x92: {  	[spmem:s12] =	stream.linear.scatter [tilespmem:s24], [sflag:$0x2], $0x4000, $0x38;
	[tilespmem:$0x1D178] =	vst v63  }
0x93: {  	_ =	swait.ge [sflag:s23], $0x4000  }
0x94: {  	[sflag:s23] =	ssyncset.done $0x0  }
0x95: {  	[sflag:s23] =	ssyncadd.s32 $0xFFFFC000  }
0x96: {  	[spmem:s13] =	stream.linear.scatter [tilespmem:s24], [sflag:$0x2], $0x4000, $0x38;
	[tilespmem:$0x1D178] =	vst v63  }
0x97: {  	_ =	swait.ge [sflag:s23], $0x4000  }
0x98: {  	[sflag:s23] =	ssyncset.done $0x0  }
0x99: {  	[sflag:s23] =	ssyncadd.s32 $0xFFFFC000  }
0x9a: {  	[spmem:s14] =	stream.linear.scatter [tilespmem:s24], [sflag:$0x2], $0x3C00, $0x38;
	[tilespmem:$0x1D178] =	vst v63  }
0x9b: {  	_ =	swait.ge [sflag:s23], $0x3C00  }
0x9c: {  	[sflag:s23] =	ssyncset.done $0x0  }
0x9d: {  	[sflag:s23] =	ssyncadd.s32 $0xFFFFC400  }
0x9e: {  	[spmem:s15] =	stream.linear.scatter [tilespmem:s25], [sflag:$0x2], $0x278, $0x38;
	[tilespmem:$0x1D178] =	vst v63  }
.Ltmp3:
0x9f: {  	_ =	swait.ge [sflag:s23], $0x278;
	(pc) =	sbr.rel .LBB2_4-.Ltmp3, $4  }
0xa0: {  	[sflag:s23] =	ssyncset.done $0x0  }
0xa1: {  	[sflag:s23] =	ssyncadd.s32 $0xFFFFFD88  }
0xa2: {  	[bflag:$0x0] =	sbarrier.arrive $0xFFFF  }
0xa3: {  	s8 =	simm.s32 $0x0  }
.LBB2_8:
0xa4: {  	s8 =	sadd.s32 $0x1, s8  }
0xa5: {  	p0 =	sne.s32 s8, $0x4F  }
.Ltmp4:
0xa6: {  	_ = 	snop;
	(pc) =	sbr.rel @!p0 .LBB2_9-.Ltmp4, $1  }
0xa7: {  	_ =	sdelay $0x3  }
.LBB2_4:
0xa8: {  	s16 =	sshll.u32 s8, $0x5  }
0xa9: {  	s16 =	sor.u32 s9, s16  }
0xaa: {  	p0 =	sgt.u32 s16, $0x9C3  }
.Ltmp5:
0xab: {  	_ = 	snop;
	(pc) =	sbr.rel @p0 .LBB2_8-.Ltmp5, $1  }
0xac: {  	_ =	sdelay $0x3  }
0xad: {  	s16 =	sor.u32 s7, s16  }
0xae: {  	s16 =	sshll.u32 s16, $0x5  }
0xaf: {  	s19 =	simm.s32 $0x0;
	s17 =	sadd.s32 s1, s16  }
0xb0: {  	[tilespmem:s26], [sflag:$0x1] =	stream.linear.gather [hbm4b:s17+s19], $0x100, $0x38;
	[tilespmem:$0x1D178] =	vst v63  }
0xb1: {  	_ =	swait.ge [sflag:s28], $0x100  }
0xb2: {  	[sflag:s28] =	ssyncset.done $0x0  }
0xb3: {  	[sflag:s28] =	ssyncadd.s32 $0xFFFFFF00  }
0xb4: {  	v1 =	vld [tilespmem:$0x4F80]  }
0xb5: {  	v2 =	vld [tilespmem:$0x4F00];
	_ =	sdelay $0x3  }
0xb6: {  	v1 =	vadd.s32 $0x2780, v1;
	_ =	sdelay $0x3  }
0xb7: {  	v2 =	vld.idx.msk [tilespmem:v2+s19+$0x0], $0xffff  }
0xb8: {  	v1 =	vld.idx.msk [tilespmem:v1+s19+$0x0], $0xffff;
	_ =	sdelay $0x4  }
0xb9: {  	v1 =	vadd.f32 v1, v2;
	_ =	sdelay $0x1  }
0xba: {  	v2 =	vmul.f32 $2.000000030e-01, v1  }
0xbb: {  	vm0 =	vgt.f32 v1, $0.0e+00  }
0xbc: {  	v1 =	vsel vm0, v1, v2  }
0xbd: {  	v1 =	vmul.f32 $1.442695020e+00, v1;
	_ =	sdelay $0x1  }
0xbe: {  	(erf) = vpow2.f32 v1;
	_ =	sdelay $0x1  }
0xbf: {  	v1 =	vld [tilespmem:$0x4F90]  }
0xc0: {  	v2 =	vld [tilespmem:$0x4F10];
	_ =	sdelay $0x3  }
0xc1: {  	v1 =	vadd.s32 $0x2780, v1;
	_ =	sdelay $0x1  }
0xc2: {  	v3 =	vpop (erf)  }
0xc3: {  	[tilespmem:$0x5000] =	vst v3  }
0xc4: {  	v2 =	vld.idx.msk [tilespmem:v2+s19+$0x0], $0xffff  }
0xc5: {  	v1 =	vld.idx.msk [tilespmem:v1+s19+$0x0], $0xffff;
	_ =	sdelay $0x4  }
0xc6: {  	v1 =	vadd.f32 v1, v2;
	_ =	sdelay $0x1  }
0xc7: {  	v2 =	vmul.f32 $2.000000030e-01, v1  }
0xc8: {  	vm9 =	vgt.f32 v1, $0.0e+00  }
0xc9: {  	v1 =	vsel vm9, v1, v2  }
0xca: {  	v1 =	vmul.f32 $1.442695020e+00, v1;
	_ =	sdelay $0x1  }
0xcb: {  	(erf) = vpow2.f32 v1;
	_ =	sdelay $0x1  }
0xcc: {  	v1 =	vld [tilespmem:$0x4FA0]  }
0xcd: {  	v2 =	vld [tilespmem:$0x4F20];
	_ =	sdelay $0x3  }
0xce: {  	v1 =	vadd.s32 $0x2780, v1;
	_ =	sdelay $0x1  }
0xcf: {  	v3 =	vpop (erf)  }
0xd0: {  	[tilespmem:$0x5010] =	vst v3  }
0xd1: {  	v2 =	vld.idx.msk [tilespmem:v2+s19+$0x0], $0xffff  }
0xd2: {  	v1 =	vld.idx.msk [tilespmem:v1+s19+$0x0], $0xffff;
	_ =	sdelay $0x4  }
0xd3: {  	v1 =	vadd.f32 v1, v2;
	_ =	sdelay $0x1  }
0xd4: {  	v2 =	vmul.f32 $2.000000030e-01, v1  }
0xd5: {  	vm10 =	vgt.f32 v1, $0.0e+00  }
0xd6: {  	v1 =	vsel vm10, v1, v2  }
0xd7: {  	v1 =	vmul.f32 $1.442695020e+00, v1;
	_ =	sdelay $0x1  }
0xd8: {  	(erf) = vpow2.f32 v1;
	_ =	sdelay $0x1  }
0xd9: {  	v1 =	vld [tilespmem:$0x4FB0]  }
0xda: {  	v2 =	vld [tilespmem:$0x4F30];
	_ =	sdelay $0x3  }
0xdb: {  	v1 =	vadd.s32 $0x2780, v1;
	_ =	sdelay $0x1  }
0xdc: {  	v3 =	vpop (erf)  }
0xdd: {  	[tilespmem:$0x5020] =	vst v3  }
0xde: {  	v2 =	vld.idx.msk [tilespmem:v2+s19+$0x0], $0xffff  }
0xdf: {  	v1 =	vld.idx.msk [tilespmem:v1+s19+$0x0], $0xffff;
	_ =	sdelay $0x4  }
0xe0: {  	v1 =	vadd.f32 v1, v2;
	_ =	sdelay $0x1  }
0xe1: {  	v2 =	vmul.f32 $2.000000030e-01, v1  }
0xe2: {  	vm11 =	vgt.f32 v1, $0.0e+00  }
0xe3: {  	v1 =	vsel vm11, v1, v2  }
0xe4: {  	v1 =	vmul.f32 $1.442695020e+00, v1;
	_ =	sdelay $0x1  }
0xe5: {  	(erf) = vpow2.f32 v1;
	_ =	sdelay $0x1  }
0xe6: {  	v1 =	vld [tilespmem:$0x4FC0]  }
0xe7: {  	v2 =	vld [tilespmem:$0x4F40];
	_ =	sdelay $0x3  }
0xe8: {  	v1 =	vadd.s32 $0x2780, v1;
	_ =	sdelay $0x1  }
0xe9: {  	v3 =	vpop (erf)  }
0xea: {  	[tilespmem:$0x5030] =	vst v3  }
0xeb: {  	v2 =	vld.idx.msk [tilespmem:v2+s19+$0x0], $0xffff  }
0xec: {  	v1 =	vld.idx.msk [tilespmem:v1+s19+$0x0], $0xffff;
	_ =	sdelay $0x4  }
0xed: {  	v1 =	vadd.f32 v1, v2;
	_ =	sdelay $0x1  }
0xee: {  	v2 =	vmul.f32 $2.000000030e-01, v1  }
0xef: {  	vm12 =	vgt.f32 v1, $0.0e+00  }
0xf0: {  	v1 =	vsel vm12, v1, v2  }
0xf1: {  	v1 =	vmul.f32 $1.442695020e+00, v1;
	_ =	sdelay $0x1  }
0xf2: {  	(erf) = vpow2.f32 v1;
	_ =	sdelay $0x1  }
0xf3: {  	v1 =	vld [tilespmem:$0x4FD0]  }
0xf4: {  	v2 =	vld [tilespmem:$0x4F50];
	_ =	sdelay $0x3  }
0xf5: {  	v1 =	vadd.s32 $0x2780, v1;
	_ =	sdelay $0x1  }
0xf6: {  	v3 =	vpop (erf)  }
0xf7: {  	[tilespmem:$0x5040] =	vst v3  }
0xf8: {  	v2 =	vld.idx.msk [tilespmem:v2+s19+$0x0], $0xffff  }
0xf9: {  	v1 =	vld.idx.msk [tilespmem:v1+s19+$0x0], $0xffff;
	_ =	sdelay $0x4  }
0xfa: {  	v1 =	vadd.f32 v1, v2;
	_ =	sdelay $0x1  }
0xfb: {  	v2 =	vmul.f32 $2.000000030e-01, v1  }
0xfc: {  	vm13 =	vgt.f32 v1, $0.0e+00  }
0xfd: {  	v1 =	vsel vm13, v1, v2  }
0xfe: {  	v1 =	vmul.f32 $1.442695020e+00, v1;
	_ =	sdelay $0x1  }
0xff: {  	(erf) = vpow2.f32 v1;
	_ =	sdelay $0x1  }
0x100: {  	v1 =	vld [tilespmem:$0x4FE0]  }
0x101: {  	v2 =	vld [tilespmem:$0x4F60];
	_ =	sdelay $0x3  }
0x102: {  	v1 =	vadd.s32 $0x2780, v1;
	_ =	sdelay $0x1  }
0x103: {  	v3 =	vpop (erf)  }
0x104: {  	[tilespmem:$0x5050] =	vst v3  }
0x105: {  	v2 =	vld.idx.msk [tilespmem:v2+s19+$0x0], $0xffff  }
0x106: {  	v1 =	vld.idx.msk [tilespmem:v1+s19+$0x0], $0xffff;
	_ =	sdelay $0x4  }
0x107: {  	v1 =	vadd.f32 v1, v2;
	_ =	sdelay $0x1  }
0x108: {  	v2 =	vmul.f32 $2.000000030e-01, v1  }
0x109: {  	vm14 =	vgt.f32 v1, $0.0e+00  }
0x10a: {  	v1 =	vsel vm14, v1, v2  }
0x10b: {  	v1 =	vmul.f32 $1.442695020e+00, v1;
	_ =	sdelay $0x1  }
0x10c: {  	(erf) = vpow2.f32 v1;
	_ =	sdelay $0x1  }
0x10d: {  	v1 =	vld [tilespmem:$0x4FF0]  }
0x10e: {  	v2 =	vld [tilespmem:$0x4F70];
	_ =	sdelay $0x3  }
0x10f: {  	v1 =	vadd.s32 $0x2780, v1;
	_ =	sdelay $0x1  }
0x110: {  	v3 =	vpop (erf)  }
0x111: {  	[tilespmem:$0x5060] =	vst v3  }
0x112: {  	v2 =	vld.idx.msk [tilespmem:v2+s19+$0x0], $0xffff  }
0x113: {  	v1 =	vld.idx.msk [tilespmem:v1+s19+$0x0], $0xffff;
	_ =	sdelay $0x4  }
0x114: {  	v1 =	vadd.f32 v1, v2;
	_ =	sdelay $0x1  }
0x115: {  	v2 =	vmul.f32 $2.000000030e-01, v1  }
0x116: {  	vm15 =	vgt.f32 v1, $0.0e+00  }
0x117: {  	v1 =	vsel vm15, v1, v2  }
0x118: {  	v1 =	vmul.f32 $1.442695020e+00, v1;
	_ =	sdelay $0x1  }
0x119: {  	(erf) = vpow2.f32 v1;
	_ =	sdelay $0x8  }
0x11a: {  	v1 =	vpop (erf)  }
0x11b: {  	[tilespmem:$0x5070] =	vst v1  }
0x11c: {  	[tilespmem:s24], [sflag:$0x1] =	stream.indirect.gather [hbm4b:s2+s29], $0x80, s26, s29, $0xb8;
	[tilespmem:$0x1D178] =	vst v63  }
0x11d: {  	_ =	swait.ge [sflag:s28], $0x4000  }
0x11e: {  	v1 =	vmov s19;
	[sflag:s28] =	ssyncset.done $0x0  }
0x11f: {  	s16 =	simm.s32 $0x50C0;
	[sflag:s28] =	ssyncadd.s32 $0xFFFFC000  }
0x120: {  	v5 =	vld [tilespmem:s16+$0x30]  }
0x121: {  	v8 =	vld [tilespmem:s16+$0x10]  }
0x122: {  	v6 =	vld [tilespmem:s16+$0xFFFFFFC0]  }
0x123: {  	v2 =	vld.idx.msk [tilespmem:v1+s30+$0x0], $0xffff  }
0x124: {  	v10 =	vld [tilespmem:s16+$0xFFFFFFE0]  }
0x125: {  	v1 =	vld [tilespmem:s16+$0xFFFFFFF0]  }
0x126: {  	v3 =	vld [tilespmem:s16+$0x20]  }
0x127: {  	v4 =	vld [tilespmem:s16+$0xFFFFFFD0]  }
0x128: {  	v9 =	vmul.f32 v5, v2;
	v5 =	vld [tilespmem:s16+$0x0]  }
0x129: {  	v7 =	vmul.f32 v6, v2  }
0x12a: {  	s18 =	simm.s32 $0x50C0;
	s17 =	simm.s32 $0x1;
	v6 =	vmul.f32 v10, v2;
	v8 =	vmul.f32 v8, v2  }
.LBB2_6:
0x12b: {  	p0 =	sne.s32 s17, $0x7F  }
0x12c: {  	v4 =	vmul.f32 v4, v2;
	v3 =	vmul.f32 v3, v2;
	[tilespmem:s16+$0x30] =	vst v9;
	s18 =	sadd.s32 $0x80, s18;
	s19 =	smov.u32 s17;
	s17 =	sadd.s32 $0x1, s17  }
0x12d: {  	[tilespmem:s16+$0xFFFFFFC0] =	vst v7;
	v7 =	vmul.f32 v1, v2;
	v2 =	vmul.f32 v5, v2  }
0x12e: {  	[tilespmem:s16+$0x10] =	vst v8  }
0x12f: {  	v5 =	vmov s19;
	[tilespmem:s16+$0xFFFFFFE0] =	vst v6  }
0x130: {  	v1 =	vld [tilespmem:s18+$0xFFFFFFF0];
	[tilespmem:s16+$0xFFFFFFF0] =	vst v7  }
0x131: {  	v6 =	vld [tilespmem:s18+$0x30];
	[tilespmem:s16+$0x0] =	vst v2  }
0x132: {  	v8 =	vld [tilespmem:s18+$0x10];
	[tilespmem:s16+$0x20] =	vst v3  }
0x133: {  	v7 =	vld [tilespmem:s18+$0xFFFFFFC0];
	[tilespmem:s16+$0xFFFFFFD0] =	vst v4;
	s16 =	smov.u32 s18  }
0x134: {  	v2 =	vld.idx.msk [tilespmem:v5+s30+$0x0], $0xffff  }
0x135: {  	v10 =	vld [tilespmem:s18+$0xFFFFFFE0]  }
0x136: {  	v3 =	vld [tilespmem:s18+$0x20]  }
.Ltmp6:
0x137: {  	v4 =	vld [tilespmem:s18+$0xFFFFFFD0];
	(pc) =	sbr.rel @p0 .LBB2_6-.Ltmp6, $3  }
0x138: {  	v5 =	vld [tilespmem:s18+$0x0];
	_ =	sdelay $0x1  }
0x139: {  	v7 =	vmul.f32 v7, v2;
	v9 =	vmul.f32 v6, v2  }
0x13a: {  	v8 =	vmul.f32 v8, v2;
	v6 =	vmul.f32 v10, v2  }
0x13b: {  	[tilespmem:s16+$0x30] =	vst v9  }
0x13c: {  	[tilespmem:s16+$0xFFFFFFC0] =	vst v7  }
0x13d: {  	v1 =	vmul.f32 v1, v2;
	[tilespmem:s16+$0x10] =	vst v8  }
0x13e: {  	v3 =	vmul.f32 v3, v2;
	[tilespmem:s16+$0xFFFFFFE0] =	vst v6  }
0x13f: {  	v5 =	vmul.f32 v5, v2;
	[tilespmem:s16+$0xFFFFFFF0] =	vst v1  }
0x140: {  	v1 =	vmul.f32 v4, v2;
	[tilespmem:s16+$0x20] =	vst v3  }
0x141: {  	[tilespmem:s16+$0x0] =	vst v5  }
0x142: {  	[tilespmem:s16+$0xFFFFFFD0] =	vst v1  }
0x143: {  	[spmem:s4] =	stream.indirect.scatter.add.f32 [tilespmem:s24], [sflag:$0x3], $0x80, s31, s29, $0xb8;
	[tilespmem:$0x1D178] =	vst v63  }
0x144: {  	_ =	swait.ge [sflag:s0], $0x4000  }
0x145: {  	[sflag:s0] =	ssyncset.done $0x0  }
.Ltmp7:
0x146: {  	[sflag:s0] =	ssyncadd.s32 $0xFFFFC000;
	(pc) =	sbr.rel .LBB2_8-.Ltmp7, $4  }
0x147: {  	[spmem:s5] =	stream.indirect.scatter.add.f32 [tilespmem:s30], [sflag:$0x2], $0x1, s31, s29, $0xb8;
	[tilespmem:$0x1D178] =	vst v63  }
0x148: {  	_ =	swait.ge [sflag:s23], $0x80  }
0x149: {  	[sflag:s23] =	ssyncset.done $0x0  }
0x14a: {  	[sflag:s23] =	ssyncadd.s32 $0xFFFFFF80  }
.LBB2_10:
0x14b: {  	_ =	sfence.sel $0x180000  }
0x14c: {  	[bflag:$0x0] =	sbarrier.arrive $0xFFFF  }
0x14d: {  	_ =	strace $0x9000004A  }
0x14e: {  	s0 =	stileid.u32;
	[bflag:$0x2] =	sbarrier.arrive $0xFFFF  }
0x14f: {  	p0 =	sne.s32 s0, $0x0;
	s0 =	rddreg [dreg:$0x5]  }
0x150: {  	s0 =	sadd.s32 @!p0 $0x100000, s0  }
0x151: {  	[sflag:s0] =	ssyncadd.tile.s32 @!p0 $0x1;
	_ =	shalt  }
.Lfunc_end2:
_tile_overlayer_lowered:
.L_overlay_start_2:
0x152: {  	(tag) =	ssettag $0x2  }
0x153: {  	s0 =	rddreg [dreg:$0x0];
	s2 =	stileid.u32  }
0x154: {  	s1 =	rddreg [dreg:$0x1];
	p0 =	sne.s32 s2, $0x0  }
0x155: {  	s3 =	rddreg [dreg:$0x2];
	[bflag:$0x3] =	sbarrier.arrive $0xFFFF;
	s2 =	simm.s32 @!p0 $0x1C02  }
0x156: {  	[timem:s3], [sflag:s2] =	dma.local @!p0 [hbm:s0], s1  }
0x157: {  	s0 =	simm.s32 @!p0 $0x2  }
0x158: {  	_ =	swait.ge @!p0 [sflag:s0], s1  }
0x159: {  	s1 =	ssub.s32 @!p0 $0x0, s1;
	[sflag:s0] =	ssyncset.done @!p0 $0x0  }
0x15a: {  	[sflag:s0] =	ssyncadd.s32 @!p0 s1  }
0x15b: {  	[bflag:$0x3] =	sbarrier.arrive $0xFFFF  }
0x15c: {  	_ =	shalt  }

</sc_bundles>
